<compile_context>
chip_gen: v7x
topology: tpu7x:2x2x1
jax: 0.10.2.dev20260603
libtpu: 0.0.44.dev20260713+nightly
codegen_flags: <defaults>
</compile_context>

<pallas_src>
import functools

import jax
import jax.numpy as jnp
from jax import lax
from jax.experimental import pallas as pl
from jax.experimental.pallas import tpu as pltpu
from jax.experimental.pallas import tpu_sc as plsc

N = 10000
E = 320000
D = 128
NC = 2
NS = 16
NW = NC * NS
EPW = E // NW
CH = 40
NCH = EPW // CH
NP = 10240
RPT = NP // NS
L = 16

_DN = (((1,), (1,)), ((), ()))
_PREC = lax.Precision.HIGHEST

_mesh = plsc.VectorSubcoreMesh(core_axis_name="c", subcore_axis_name="s")


@functools.partial(
    pl.kernel,
    out_type=jax.ShapeDtypeStruct((NC, NP, D), jnp.float32),
    mesh=_mesh,
    scratch_types=[
        pltpu.VMEM((EPW,), jnp.int32),
        pltpu.VMEM((EPW,), jnp.int32),
        pltpu.VMEM((5, CH, D), jnp.float32),
        pltpu.VMEM_SHARED((NP, D), jnp.float32),
        pltpu.SemaphoreType.DMA,
        pltpu.SemaphoreType.DMA,
        pltpu.SemaphoreType.DMA,
        pltpu.SemaphoreType.DMA,
        pltpu.SemaphoreType.DMA,
        pltpu.SemaphoreType.DMA,
        pltpu.SemaphoreType.DMA,
        pltpu.SemaphoreType.DMA,
        pltpu.SemaphoreType.DMA,
        pltpu.SemaphoreType.DMA,
    ],
)
def _sc_aggregate(y_hbm, srcf_hbm, dstf_hbm, zrow_hbm, p_hbm,
                  src_v, dst_v, rows_v, acc_sh,
                  g0, g1, g2, g3, g4, s0, s1, s2, s3, s4):
    c = lax.axis_index("c")
    s = lax.axis_index("s")
    w = c * NS + s
    gsems = (g0, g1, g2, g3, g4)
    ssems = (s0, s1, s2, s3, s4)
    pltpu.sync_copy(srcf_hbm.at[w], src_v)
    pltpu.sync_copy(dstf_hbm.at[w], dst_v)

    def gather_desc(j, b):
        return pltpu.make_async_copy(y_hbm.at[src_v.at[pl.ds(j * CH, CH)]],
                                     rows_v.at[b], gsems[b])

    def scatter_desc(j, b):
        return pltpu.make_async_copy(rows_v.at[b],
                                     acc_sh.at[dst_v.at[pl.ds(j * CH, CH)]],
                                     ssems[b])

    def gather(j, b):
        gather_desc(j, b).start()

    def scatter(j, b):
        scatter_desc(j, b).start(add=True)

    for b in range(5):
        gather(b, b)
    pltpu.sync_copy(zrow_hbm.at[pl.ds(s * RPT, RPT)],
                    acc_sh.at[pl.ds(s * RPT, RPT)])
    plsc.subcore_barrier()

    def superstep(t, carry):
        j0 = 5 * t
        for b in range(5):
            gather_desc(j0 + b, b).wait()
            scatter(j0 + b, b)
        for b in range(5):
            jn = j0 + b + 5
            scatter_desc(j0 + b, b).wait()

            @pl.when(jn < NCH)
            def _():
                gather(jn, b)
        return carry

    lax.fori_loop(0, NCH // 5, superstep, 0)
    plsc.subcore_barrier()
    pltpu.sync_copy(acc_sh.at[pl.ds(s * RPT, RPT)],
                    p_hbm.at[c, pl.ds(s * RPT, RPT)])


@functools.partial(
    pl.kernel,
    out_type=jax.ShapeDtypeStruct((NC, NP, D), jnp.float32),
    mesh=_mesh,
    scratch_types=[
        pltpu.VMEM((EPW,), jnp.int32),
        pltpu.VMEM((CH, D), jnp.float32),
        pltpu.VMEM_SHARED((NP, D), jnp.float32),
        pltpu.SemaphoreType.DMA,
        pltpu.SemaphoreType.DMA,
        pltpu.SemaphoreType.DMA,
        pltpu.SemaphoreType.DMA,
    ],
)
def _sc_count(dstf_hbm, zrow_hbm, cnt_hbm, dst_v, ones_v, cnt_sh,
              s0, s1, s2, s3):
    ssems = (s0, s1, s2, s3)
    c = lax.axis_index("c")
    s = lax.axis_index("s")
    w = c * NS + s
    pltpu.sync_copy(dstf_hbm.at[w], dst_v)
    pltpu.sync_copy(zrow_hbm.at[pl.ds(s * RPT, RPT)],
                    cnt_sh.at[pl.ds(s * RPT, RPT)])
    one16 = jnp.full((L,), 1.0, jnp.float32)

    def fill(t, carry):
        ones_v[t // 8, pl.ds((t % 8) * L, L)] = one16
        return carry

    lax.fori_loop(0, CH * 8, fill, 0)
    plsc.subcore_barrier()

    def scatter_desc(j, b):
        return pltpu.make_async_copy(ones_v,
                                     cnt_sh.at[dst_v.at[pl.ds(j * CH, CH)]],
                                     ssems[b])

    def batch(t, carry):
        j0 = t * 4
        for b in range(4):
            scatter_desc(j0 + b, b).start(add=True)
        for b in range(4):
            scatter_desc(j0 + b, b).wait()
        return carry

    lax.fori_loop(0, NCH // 4, batch, 0)
    for j in range(NCH - NCH % 4, NCH):
        pltpu.sync_copy(ones_v, cnt_sh.at[dst_v.at[pl.ds(j * CH, CH)]],
                        add=True)
    plsc.subcore_barrier()
    pltpu.sync_copy(cnt_sh.at[pl.ds(s * RPT, RPT)],
                    cnt_hbm.at[c, pl.ds(s * RPT, RPT)])


RB = 1024


def _lin_body(x_ref, wl_ref, wr_ref, b_ref, y_ref, z_ref):
    xv = x_ref[...]
    y_ref[...] = lax.dot_general(xv, wl_ref[...], _DN, precision=_PREC)
    z_ref[...] = lax.dot_general(xv, wr_ref[...], _DN, precision=_PREC) + b_ref[...]


def _lin(x, wl, wr, b):
    return pl.pallas_call(
        _lin_body,
        grid=(pl.cdiv(N, RB),),
        in_specs=[pl.BlockSpec((RB, D), lambda i: (i, 0)),
                  pl.BlockSpec((D, D), lambda i: (0, 0)),
                  pl.BlockSpec((D, D), lambda i: (0, 0)),
                  pl.BlockSpec((1, D), lambda i: (0, 0))],
        out_specs=[pl.BlockSpec((RB, D), lambda i: (i, 0)),
                   pl.BlockSpec((RB, D), lambda i: (i, 0))],
        out_shape=[jax.ShapeDtypeStruct((N, D), jnp.float32)] * 2,
    )(x, wl, wr, b.reshape(1, D))


def _mean(p_ref, cnt_ref):
    cnt = cnt_ref[0] + cnt_ref[1]
    return (p_ref[0] + p_ref[1]) / jnp.maximum(cnt, 1.0)


def _comb_body(p_ref, cnt_ref, z_ref, wl_ref, wr_ref, b_ref, y_ref, z2_ref):
    h = jnp.maximum(_mean(p_ref, cnt_ref) + z_ref[...], 0.0)
    y_ref[...] = lax.dot_general(h, wl_ref[...], _DN, precision=_PREC)
    z2_ref[...] = lax.dot_general(h, wr_ref[...], _DN, precision=_PREC) + b_ref[...]


def _comb(p, cnt, z, wl, wr, b):
    return pl.pallas_call(
        _comb_body,
        grid=(pl.cdiv(N, RB),),
        in_specs=[pl.BlockSpec((NC, RB, D), lambda i: (0, i, 0)),
                  pl.BlockSpec((NC, RB, D), lambda i: (0, i, 0)),
                  pl.BlockSpec((RB, D), lambda i: (i, 0)),
                  pl.BlockSpec((D, D), lambda i: (0, 0)),
                  pl.BlockSpec((D, D), lambda i: (0, 0)),
                  pl.BlockSpec((1, D), lambda i: (0, 0))],
        out_specs=[pl.BlockSpec((RB, D), lambda i: (i, 0)),
                   pl.BlockSpec((RB, D), lambda i: (i, 0))],
        out_shape=[jax.ShapeDtypeStruct((N, D), jnp.float32)] * 2,
    )(p, cnt, z, wl, wr, b.reshape(1, D))


def _final_body(p_ref, cnt_ref, z_ref, o_ref):
    o_ref[...] = _mean(p_ref, cnt_ref) + z_ref[...]


def _final(p, cnt, z):
    return pl.pallas_call(
        _final_body,
        grid=(pl.cdiv(N, RB),),
        in_specs=[pl.BlockSpec((NC, RB, D), lambda i: (0, i, 0)),
                  pl.BlockSpec((NC, RB, D), lambda i: (0, i, 0)),
                  pl.BlockSpec((RB, D), lambda i: (i, 0))],
        out_specs=pl.BlockSpec((RB, D), lambda i: (i, 0)),
        out_shape=jax.ShapeDtypeStruct((N, D), jnp.float32),
    )(p, cnt, z)


def kernel(x, edge_index, W_l1, b_l1, W_r1, W_l2, b_l2, W_r2):
    ei = edge_index.astype(jnp.int32)
    srcf = ei[0].reshape(NW, EPW)
    dstf = ei[1].reshape(NW, EPW)
    zrow = jnp.zeros((NP, D), jnp.float32)

    cnt = _sc_count(dstf, zrow)
    y1, z1 = _lin(x, W_l1, W_r1, b_l1)
    p1 = _sc_aggregate(y1, srcf, dstf, zrow)
    y2, z2 = _comb(p1, cnt, z1, W_l2, W_r2, b_l2)
    p2 = _sc_aggregate(y2, srcf, dstf, zrow)
    return _final(p2, cnt, z2)

# --- scband reference (transcript-rebuilt; emitter-appended) ---
"""Pipeline reference for scband-graph-sagenet-25460566130853 (READ-ONLY COPY).

The authoritative reference and input builder live on the scoring server;
editing this copy changes nothing except your own understanding.
"""

import jax, jax.numpy as jnp
import numpy as np

N_NODES = 10000
N_EDGES = 320000
D = 128

def setup_inputs(seed: int = 0) -> dict:
    key = jax.random.key(seed)
    ks = jax.random.split(key, 8)
    x = jax.random.normal(ks[0], (N_NODES, D), dtype=jnp.float32)
    edge_index = jax.random.randint(ks[1], (2, N_EDGES), 0, N_NODES, dtype=jnp.int64)
    s = 1.0 / np.sqrt(D)
    W_l1 = jax.random.normal(ks[2], (D, D), dtype=jnp.float32) * s
    b_l1 = jnp.zeros((D,), dtype=jnp.float32)
    W_r1 = jax.random.normal(ks[3], (D, D), dtype=jnp.float32) * s
    W_l2 = jax.random.normal(ks[4], (D, D), dtype=jnp.float32) * s
    b_l2 = jnp.zeros((D,), dtype=jnp.float32)
    W_r2 = jax.random.normal(ks[5], (D, D), dtype=jnp.float32) * s
    return {"x": x, "edge_index": edge_index, "W_l1": W_l1, "b_l1": b_l1, "W_r1": W_r1, "W_l2": W_l2, "b_l2": b_l2, "W_r2": W_r2}


def _sage_conv(x, edge_index, W_l, b_l, W_r):
    # PyG SAGEConv with aggr='mean':
    # out = lin_l(mean_{j in N(i)} x_j) + lin_r(x_i)
    src = edge_index[0]
    dst = edge_index[1]
    n = x.shape[0]
    msg = jnp.take(x, src, axis=0)                      # gather (SparseCore)
    summed = jax.ops.segment_sum(msg, dst, num_segments=n)  # scatter-add
    cnt = jax.ops.segment_sum(jnp.ones((src.shape[0],), dtype=x.dtype), dst, num_segments=n)
    mean = summed / jnp.clip(cnt, 1.0, None)[:, None]
    return mean @ W_l.T + b_l + x @ W_r.T


def reference(x, edge_index, W_l1, b_l1, W_r1, W_l2, b_l2, W_r2):
    h = _sage_conv(x, edge_index, W_l1, b_l1, W_r1)
    h = jax.nn.relu(h)
    out = _sage_conv(h, edge_index, W_l2, b_l2, W_r2)
    return out

if __name__ == "__main__":
    import jax
    _d = setup_inputs()
    print(jax.jit(kernel)(*tuple(_d.values())))

</pallas_src>

<mosaic_0001>
#map = affine_map<(d0, d1) -> (0, 0)>
#map1 = affine_map<(d0, d1) -> (0, 0, 0)>
module attributes {stable_mosaic.version = 14 : i64} {
  func.func @_sc_aggregate(%arg0: i32, %arg1: i32, %arg2: memref<10000x128xf32, #tpu.memory_space<hbm>>, %arg3: memref<32x10000xi32, #tpu.memory_space<hbm>>, %arg4: memref<32x10000xi32, #tpu.memory_space<hbm>>, %arg5: memref<10240x128xf32, #tpu.memory_space<hbm>>, %arg6: memref<2x10240x128xf32, #tpu.memory_space<hbm>>, %arg7: memref<10000xi32, #tpu.memory_space<vmem>>, %arg8: memref<10000xi32, #tpu.memory_space<vmem>>, %arg9: memref<5x40x128xf32, #tpu.memory_space<vmem>>, %arg10: memref<10240x128xf32, #tpu.memory_space<vmem_shared>>, %arg11: memref<!tpu.dma_semaphore, #tpu.memory_space<semaphore_mem>>, %arg12: memref<!tpu.dma_semaphore, #tpu.memory_space<semaphore_mem>>, %arg13: memref<!tpu.dma_semaphore, #tpu.memory_space<semaphore_mem>>, %arg14: memref<!tpu.dma_semaphore, #tpu.memory_space<semaphore_mem>>, %arg15: memref<!tpu.dma_semaphore, #tpu.memory_space<semaphore_mem>>, %arg16: memref<!tpu.dma_semaphore, #tpu.memory_space<semaphore_mem>>, %arg17: memref<!tpu.dma_semaphore, #tpu.memory_space<semaphore_mem>>, %arg18: memref<!tpu.dma_semaphore, #tpu.memory_space<semaphore_mem>>, %arg19: memref<!tpu.dma_semaphore, #tpu.memory_space<semaphore_mem>>, %arg20: memref<!tpu.dma_semaphore, #tpu.memory_space<semaphore_mem>>) attributes {dimension_semantics = [#tpu.dimension_semantics<core_parallel>, #tpu.dimension_semantics<subcore_parallel>], iteration_bounds = array<i64: 2, 16>, scalar_prefetch = 0 : i64, scratch_operands = 14 : i64, tpu.core_type = #tpu.core_type<sc_vector_subcore>, window_params = [{transform_indices = #map}, {transform_indices = #map}, {transform_indices = #map}, {transform_indices = #map}, {transform_indices = #map1}]} {
    %mul3A = arith.constant 16 : i32
    %mul3A_0 = arith.muli %arg0, %mul3A : i32
    %add3A = arith.addi %mul3A_0, %arg1 : i32
    "tpu.region"() ({
      %run_scoped3A = tpu.sem_alloc : memref<!tpu.dma_semaphore, #tpu.memory_space<semaphore_mem>>
      %dma_start3A_64 = arith.constant 0 : i32
      %dma_start3A_65 = tpu.memref_slice %arg3[%add3A, %dma_start3A_64] : memref<32x10000xi32, #tpu.memory_space<hbm>> -> memref<1x10000xi32, #tpu.memory_space<hbm>>
      %dma_start3A_66 = tpu.memref_squeeze %dma_start3A_65 : memref<1x10000xi32, #tpu.memory_space<hbm>> -> memref<10000xi32, #tpu.memory_space<hbm>>
      %dma_start3A_67 = arith.constant 0 : i32
      %dma_start3A_68 = tpu.memref_slice %arg3[%add3A, %dma_start3A_67] : memref<32x10000xi32, #tpu.memory_space<hbm>> -> memref<1x10000xi32, #tpu.memory_space<hbm>>
      %dma_start3A_69 = tpu.memref_squeeze %dma_start3A_68 : memref<1x10000xi32, #tpu.memory_space<hbm>> -> memref<10000xi32, #tpu.memory_space<hbm>>
      tpu.enqueue_dma source(%dma_start3A_69 : memref<10000xi32, #tpu.memory_space<hbm>>) target(%arg7 : memref<10000xi32, #tpu.memory_space<vmem>>) target_semaphore(%run_scoped3A : memref<!tpu.dma_semaphore, #tpu.memory_space<semaphore_mem>>)
      %dma_wait3A = arith.constant 0 : i32
      %dma_wait3A_70 = tpu.memref_slice %arg3[%add3A, %dma_wait3A] : memref<32x10000xi32, #tpu.memory_space<hbm>> -> memref<1x10000xi32, #tpu.memory_space<hbm>>
      %dma_wait3A_71 = tpu.memref_squeeze %dma_wait3A_70 : memref<1x10000xi32, #tpu.memory_space<hbm>> -> memref<10000xi32, #tpu.memory_space<hbm>>
      %dma_wait3A_72 = arith.constant 0 : i32
      %dma_wait3A_73 = tpu.memref_slice %arg3[%add3A, %dma_wait3A_72] : memref<32x10000xi32, #tpu.memory_space<hbm>> -> memref<1x10000xi32, #tpu.memory_space<hbm>>
      %dma_wait3A_74 = tpu.memref_squeeze %dma_wait3A_73 : memref<1x10000xi32, #tpu.memory_space<hbm>> -> memref<10000xi32, #tpu.memory_space<hbm>>
      tpu.wait_dma2 semaphore(%run_scoped3A : memref<!tpu.dma_semaphore, #tpu.memory_space<semaphore_mem>>) src(%dma_wait3A_74 : memref<10000xi32, #tpu.memory_space<hbm>>) dst(%arg7 : memref<10000xi32, #tpu.memory_space<vmem>>)
      tpu.yield
    }) : () -> ()
    "tpu.region"() ({
      %run_scoped3A = tpu.sem_alloc : memref<!tpu.dma_semaphore, #tpu.memory_space<semaphore_mem>>
      %dma_start3A_64 = arith.constant 0 : i32
      %dma_start3A_65 = tpu.memref_slice %arg4[%add3A, %dma_start3A_64] : memref<32x10000xi32, #tpu.memory_space<hbm>> -> memref<1x10000xi32, #tpu.memory_space<hbm>>
      %dma_start3A_66 = tpu.memref_squeeze %dma_start3A_65 : memref<1x10000xi32, #tpu.memory_space<hbm>> -> memref<10000xi32, #tpu.memory_space<hbm>>
      %dma_start3A_67 = arith.constant 0 : i32
      %dma_start3A_68 = tpu.memref_slice %arg4[%add3A, %dma_start3A_67] : memref<32x10000xi32, #tpu.memory_space<hbm>> -> memref<1x10000xi32, #tpu.memory_space<hbm>>
      %dma_start3A_69 = tpu.memref_squeeze %dma_start3A_68 : memref<1x10000xi32, #tpu.memory_space<hbm>> -> memref<10000xi32, #tpu.memory_space<hbm>>
      tpu.enqueue_dma source(%dma_start3A_69 : memref<10000xi32, #tpu.memory_space<hbm>>) target(%arg8 : memref<10000xi32, #tpu.memory_space<vmem>>) target_semaphore(%run_scoped3A : memref<!tpu.dma_semaphore, #tpu.memory_space<semaphore_mem>>)
      %dma_wait3A = arith.constant 0 : i32
      %dma_wait3A_70 = tpu.memref_slice %arg4[%add3A, %dma_wait3A] : memref<32x10000xi32, #tpu.memory_space<hbm>> -> memref<1x10000xi32, #tpu.memory_space<hbm>>
      %dma_wait3A_71 = tpu.memref_squeeze %dma_wait3A_70 : memref<1x10000xi32, #tpu.memory_space<hbm>> -> memref<10000xi32, #tpu.memory_space<hbm>>
      %dma_wait3A_72 = arith.constant 0 : i32
      %dma_wait3A_73 = tpu.memref_slice %arg4[%add3A, %dma_wait3A_72] : memref<32x10000xi32, #tpu.memory_space<hbm>> -> memref<1x10000xi32, #tpu.memory_space<hbm>>
      %dma_wait3A_74 = tpu.memref_squeeze %dma_wait3A_73 : memref<1x10000xi32, #tpu.memory_space<hbm>> -> memref<10000xi32, #tpu.memory_space<hbm>>
      tpu.wait_dma2 semaphore(%run_scoped3A : memref<!tpu.dma_semaphore, #tpu.memory_space<semaphore_mem>>) src(%dma_wait3A_74 : memref<10000xi32, #tpu.memory_space<hbm>>) dst(%arg8 : memref<10000xi32, #tpu.memory_space<vmem>>)
      tpu.yield
    }) : () -> ()
    %dma_start3A = arith.constant 0 : i32
    %dma_start3A_1 = arith.constant 0 : i32
    %dma_start3A_2 = arith.constant 0 : i32
    %dma_start3A_3 = tpu.memref_slice %arg9[%dma_start3A, %dma_start3A_1, %dma_start3A_2] : memref<5x40x128xf32, #tpu.memory_space<vmem>> -> memref<1x40x128xf32, #tpu.memory_space<vmem>>
    %dma_start3A_4 = tpu.memref_squeeze %dma_start3A_3 : memref<1x40x128xf32, #tpu.memory_space<vmem>> -> memref<40x128xf32, #tpu.memory_space<vmem>>
    %dma_start3A_5 = arith.constant 0 : i32
    %dma_start3A_6 = tpu.memref_slice %arg7[%dma_start3A_5] : memref<10000xi32, #tpu.memory_space<vmem>> -> memref<40xi32, #tpu.memory_space<vmem>>
    %dma_start3A_7 = arith.constant 0 : i32
    %dma_start3A_8 = arith.constant 0 : i32
    %dma_start3A_9 = tpu.memref_slice %arg2[%dma_start3A_7, %dma_start3A_8] : memref<10000x128xf32, #tpu.memory_space<hbm>> -> memref<10000x128xf32, #tpu.memory_space<hbm>>
    tpu.enqueue_indirect_dma source(%dma_start3A_9 : memref<10000x128xf32, #tpu.memory_space<hbm>>) target(%dma_start3A_4 : memref<40x128xf32, #tpu.memory_space<vmem>>) offsets(%dma_start3A_6 : memref<40xi32, #tpu.memory_space<vmem>>) semaphore(%arg11 : memref<!tpu.dma_semaphore, #tpu.memory_space<semaphore_mem>>)
    %dma_start3A_10 = arith.constant 1 : i32
    %dma_start3A_11 = arith.constant 0 : i32
    %dma_start3A_12 = arith.constant 0 : i32
    %dma_start3A_13 = tpu.memref_slice %arg9[%dma_start3A_10, %dma_start3A_11, %dma_start3A_12] : memref<5x40x128xf32, #tpu.memory_space<vmem>> -> memref<1x40x128xf32, #tpu.memory_space<vmem>>
    %dma_start3A_14 = tpu.memref_squeeze %dma_start3A_13 : memref<1x40x128xf32, #tpu.memory_space<vmem>> -> memref<40x128xf32, #tpu.memory_space<vmem>>
    %dma_start3A_15 = arith.constant 40 : i32
    %dma_start3A_16 = tpu.memref_slice %arg7[%dma_start3A_15] : memref<10000xi32, #tpu.memory_space<vmem>> -> memref<40xi32, #tpu.memory_space<vmem>>
    %dma_start3A_17 = arith.constant 0 : i32
    %dma_start3A_18 = arith.constant 0 : i32
    %dma_start3A_19 = tpu.memref_slice %arg2[%dma_start3A_17, %dma_start3A_18] : memref<10000x128xf32, #tpu.memory_space<hbm>> -> memref<10000x128xf32, #tpu.memory_space<hbm>>
    tpu.enqueue_indirect_dma source(%dma_start3A_19 : memref<10000x128xf32, #tpu.memory_space<hbm>>) target(%dma_start3A_14 : memref<40x128xf32, #tpu.memory_space<vmem>>) offsets(%dma_start3A_16 : memref<40xi32, #tpu.memory_space<vmem>>) semaphore(%arg12 : memref<!tpu.dma_semaphore, #tpu.memory_space<semaphore_mem>>)
    %dma_start3A_20 = arith.constant 2 : i32
    %dma_start3A_21 = arith.constant 0 : i32
    %dma_start3A_22 = arith.constant 0 : i32
    %dma_start3A_23 = tpu.memref_slice %arg9[%dma_start3A_20, %dma_start3A_21, %dma_start3A_22] : memref<5x40x128xf32, #tpu.memory_space<vmem>> -> memref<1x40x128xf32, #tpu.memory_space<vmem>>
    %dma_start3A_24 = tpu.memref_squeeze %dma_start3A_23 : memref<1x40x128xf32, #tpu.memory_space<vmem>> -> memref<40x128xf32, #tpu.memory_space<vmem>>
    %dma_start3A_25 = arith.constant 80 : i32
    %dma_start3A_26 = tpu.memref_slice %arg7[%dma_start3A_25] : memref<10000xi32, #tpu.memory_space<vmem>> -> memref<40xi32, #tpu.memory_space<vmem>>
    %dma_start3A_27 = arith.constant 0 : i32
    %dma_start3A_28 = arith.constant 0 : i32
    %dma_start3A_29 = tpu.memref_slice %arg2[%dma_start3A_27, %dma_start3A_28] : memref<10000x128xf32, #tpu.memory_space<hbm>> -> memref<10000x128xf32, #tpu.memory_space<hbm>>
    tpu.enqueue_indirect_dma source(%dma_start3A_29 : memref<10000x128xf32, #tpu.memory_space<hbm>>) target(%dma_start3A_24 : memref<40x128xf32, #tpu.memory_space<vmem>>) offsets(%dma_start3A_26 : memref<40xi32, #tpu.memory_space<vmem>>) semaphore(%arg13 : memref<!tpu.dma_semaphore, #tpu.memory_space<semaphore_mem>>)
    %dma_start3A_30 = arith.constant 3 : i32
    %dma_start3A_31 = arith.constant 0 : i32
    %dma_start3A_32 = arith.constant 0 : i32
    %dma_start3A_33 = tpu.memref_slice %arg9[%dma_start3A_30, %dma_start3A_31, %dma_start3A_32] : memref<5x40x128xf32, #tpu.memory_space<vmem>> -> memref<1x40x128xf32, #tpu.memory_space<vmem>>
    %dma_start3A_34 = tpu.memref_squeeze %dma_start3A_33 : memref<1x40x128xf32, #tpu.memory_space<vmem>> -> memref<40x128xf32, #tpu.memory_space<vmem>>
    %dma_start3A_35 = arith.constant 120 : i32
    %dma_start3A_36 = tpu.memref_slice %arg7[%dma_start3A_35] : memref<10000xi32, #tpu.memory_space<vmem>> -> memref<40xi32, #tpu.memory_space<vmem>>
    %dma_start3A_37 = arith.constant 0 : i32
    %dma_start3A_38 = arith.constant 0 : i32
    %dma_start3A_39 = tpu.memref_slice %arg2[%dma_start3A_37, %dma_start3A_38] : memref<10000x128xf32, #tpu.memory_space<hbm>> -> memref<10000x128xf32, #tpu.memory_space<hbm>>
    tpu.enqueue_indirect_dma source(%dma_start3A_39 : memref<10000x128xf32, #tpu.memory_space<hbm>>) target(%dma_start3A_34 : memref<40x128xf32, #tpu.memory_space<vmem>>) offsets(%dma_start3A_36 : memref<40xi32, #tpu.memory_space<vmem>>) semaphore(%arg14 : memref<!tpu.dma_semaphore, #tpu.memory_space<semaphore_mem>>)
    %dma_start3A_40 = arith.constant 4 : i32
    %dma_start3A_41 = arith.constant 0 : i32
    %dma_start3A_42 = arith.constant 0 : i32
    %dma_start3A_43 = tpu.memref_slice %arg9[%dma_start3A_40, %dma_start3A_41, %dma_start3A_42] : memref<5x40x128xf32, #tpu.memory_space<vmem>> -> memref<1x40x128xf32, #tpu.memory_space<vmem>>
    %dma_start3A_44 = tpu.memref_squeeze %dma_start3A_43 : memref<1x40x128xf32, #tpu.memory_space<vmem>> -> memref<40x128xf32, #tpu.memory_space<vmem>>
    %dma_start3A_45 = arith.constant 160 : i32
    %dma_start3A_46 = tpu.memref_slice %arg7[%dma_start3A_45] : memref<10000xi32, #tpu.memory_space<vmem>> -> memref<40xi32, #tpu.memory_space<vmem>>
    %dma_start3A_47 = arith.constant 0 : i32
    %dma_start3A_48 = arith.constant 0 : i32
    %dma_start3A_49 = tpu.memref_slice %arg2[%dma_start3A_47, %dma_start3A_48] : memref<10000x128xf32, #tpu.memory_space<hbm>> -> memref<10000x128xf32, #tpu.memory_space<hbm>>
    tpu.enqueue_indirect_dma source(%dma_start3A_49 : memref<10000x128xf32, #tpu.memory_space<hbm>>) target(%dma_start3A_44 : memref<40x128xf32, #tpu.memory_space<vmem>>) offsets(%dma_start3A_46 : memref<40xi32, #tpu.memory_space<vmem>>) semaphore(%arg15 : memref<!tpu.dma_semaphore, #tpu.memory_space<semaphore_mem>>)
    %mul3A_50 = arith.constant 640 : i32
    %mul3A_51 = arith.muli %arg1, %mul3A_50 : i32
    %mul3A_52 = arith.constant 640 : i32
    %mul3A_53 = arith.muli %arg1, %mul3A_52 : i32
    "tpu.region"() ({
      %run_scoped3A = tpu.sem_alloc : memref<!tpu.dma_semaphore, #tpu.memory_space<semaphore_mem>>
      %dma_start3A_64 = arith.constant 0 : i32
      %dma_start3A_65 = tpu.memref_slice %arg10[%mul3A_53, %dma_start3A_64] : memref<10240x128xf32, #tpu.memory_space<vmem_shared>> -> memref<640x128xf32, #tpu.memory_space<vmem_shared>>
      %dma_start3A_66 = arith.constant 0 : i32
      %dma_start3A_67 = tpu.memref_slice %arg5[%mul3A_51, %dma_start3A_66] : memref<10240x128xf32, #tpu.memory_space<hbm>> -> memref<640x128xf32, #tpu.memory_space<hbm>>
      tpu.enqueue_dma source(%dma_start3A_67 : memref<640x128xf32, #tpu.memory_space<hbm>>) target(%dma_start3A_65 : memref<640x128xf32, #tpu.memory_space<vmem_shared>>) target_semaphore(%run_scoped3A : memref<!tpu.dma_semaphore, #tpu.memory_space<semaphore_mem>>)
      %dma_wait3A = arith.constant 0 : i32
      %dma_wait3A_68 = tpu.memref_slice %arg10[%mul3A_53, %dma_wait3A] : memref<10240x128xf32, #tpu.memory_space<vmem_shared>> -> memref<640x128xf32, #tpu.memory_space<vmem_shared>>
      %dma_wait3A_69 = arith.constant 0 : i32
      %dma_wait3A_70 = tpu.memref_slice %arg5[%mul3A_51, %dma_wait3A_69] : memref<10240x128xf32, #tpu.memory_space<hbm>> -> memref<640x128xf32, #tpu.memory_space<hbm>>
      tpu.wait_dma2 semaphore(%run_scoped3A : memref<!tpu.dma_semaphore, #tpu.memory_space<semaphore_mem>>) src(%dma_wait3A_70 : memref<640x128xf32, #tpu.memory_space<hbm>>) dst(%dma_wait3A_68 : memref<640x128xf32, #tpu.memory_space<vmem_shared>>)
      tpu.yield
    }) : () -> ()
    %barrier3A = arith.constant 0 : index
    tpu.barrier barrier_id(%barrier3A)
    %scan3A = arith.constant 0 : i32
    %scan3A_54 = arith.constant 0 : i32
    %scan3A_55 = arith.constant 50 : i32
    %scan3A_56 = arith.addi %scan3A_54, %scan3A_55 : i32
    %scan3A_57 = arith.constant 1 : i32
    scf.for %scan3A_64 = %scan3A_54 to %scan3A_56 step %scan3A_57  : i32 {
      %mul3A_65 = arith.constant 5 : i32
      %mul3A_66 = arith.muli %mul3A_65, %scan3A_64 : i32
      %add3A_67 = arith.constant 0 : i32
      %add3A_68 = arith.addi %mul3A_66, %add3A_67 : i32
      %mul3A_69 = arith.constant 40 : i32
      %mul3A_70 = arith.muli %add3A_68, %mul3A_69 : i32
      %dma_wait3A = arith.constant 0 : i32
      %dma_wait3A_71 = arith.constant 0 : i32
      %dma_wait3A_72 = arith.constant 0 : i32
      %dma_wait3A_73 = tpu.memref_slice %arg9[%dma_wait3A, %dma_wait3A_71, %dma_wait3A_72] : memref<5x40x128xf32, #tpu.memory_space<vmem>> -> memref<1x40x128xf32, #tpu.memory_space<vmem>>
      %dma_wait3A_74 = tpu.memref_squeeze %dma_wait3A_73 : memref<1x40x128xf32, #tpu.memory_space<vmem>> -> memref<40x128xf32, #tpu.memory_space<vmem>>
      %dma_wait3A_75 = tpu.memref_slice %arg7[%mul3A_70] : memref<10000xi32, #tpu.memory_space<vmem>> -> memref<40xi32, #tpu.memory_space<vmem>>
      %dma_wait3A_76 = arith.constant 0 : i32
      %dma_wait3A_77 = arith.constant 0 : i32
      %dma_wait3A_78 = tpu.memref_slice %arg2[%dma_wait3A_76, %dma_wait3A_77] : memref<10000x128xf32, #tpu.memory_space<hbm>> -> memref<10000x128xf32, #tpu.memory_space<hbm>>
      tpu.wait_indirect_dma semaphore(%arg11 : memref<!tpu.dma_semaphore, #tpu.memory_space<semaphore_mem>>) src(%dma_wait3A_78 : memref<10000x128xf32, #tpu.memory_space<hbm>>) dst(%dma_wait3A_74 : memref<40x128xf32, #tpu.memory_space<vmem>>)
      %add3A_79 = arith.constant 0 : i32
      %add3A_80 = arith.addi %mul3A_66, %add3A_79 : i32
      %mul3A_81 = arith.constant 40 : i32
      %mul3A_82 = arith.muli %add3A_80, %mul3A_81 : i32
      %dma_start3A_83 = arith.constant 0 : i32
      %dma_start3A_84 = arith.constant 0 : i32
      %dma_start3A_85 = arith.constant 0 : i32
      %dma_start3A_86 = tpu.memref_slice %arg9[%dma_start3A_83, %dma_start3A_84, %dma_start3A_85] : memref<5x40x128xf32, #tpu.memory_space<vmem>> -> memref<1x40x128xf32, #tpu.memory_space<vmem>>
      %dma_start3A_87 = tpu.memref_squeeze %dma_start3A_86 : memref<1x40x128xf32, #tpu.memory_space<vmem>> -> memref<40x128xf32, #tpu.memory_space<vmem>>
      %dma_start3A_88 = tpu.memref_slice %arg8[%mul3A_82] : memref<10000xi32, #tpu.memory_space<vmem>> -> memref<40xi32, #tpu.memory_space<vmem>>
      %dma_start3A_89 = arith.constant 0 : i32
      %dma_start3A_90 = arith.constant 0 : i32
      %dma_start3A_91 = tpu.memref_slice %arg10[%dma_start3A_89, %dma_start3A_90] : memref<10240x128xf32, #tpu.memory_space<vmem_shared>> -> memref<10240x128xf32, #tpu.memory_space<vmem_shared>>
      tpu.enqueue_indirect_dma source(%dma_start3A_87 : memref<40x128xf32, #tpu.memory_space<vmem>>) target(%dma_start3A_91 : memref<10240x128xf32, #tpu.memory_space<vmem_shared>>) offsets(%dma_start3A_88 : memref<40xi32, #tpu.memory_space<vmem>>) semaphore(%arg16 : memref<!tpu.dma_semaphore, #tpu.memory_space<semaphore_mem>>) {add = true}
      %add3A_92 = arith.constant 1 : i32
      %add3A_93 = arith.addi %mul3A_66, %add3A_92 : i32
      %mul3A_94 = arith.constant 40 : i32
      %mul3A_95 = arith.muli %add3A_93, %mul3A_94 : i32
      %dma_wait3A_96 = arith.constant 1 : i32
      %dma_wait3A_97 = arith.constant 0 : i32
      %dma_wait3A_98 = arith.constant 0 : i32
      %dma_wait3A_99 = tpu.memref_slice %arg9[%dma_wait3A_96, %dma_wait3A_97, %dma_wait3A_98] : memref<5x40x128xf32, #tpu.memory_space<vmem>> -> memref<1x40x128xf32, #tpu.memory_space<vmem>>
      %dma_wait3A_100 = tpu.memref_squeeze %dma_wait3A_99 : memref<1x40x128xf32, #tpu.memory_space<vmem>> -> memref<40x128xf32, #tpu.memory_space<vmem>>
      %dma_wait3A_101 = tpu.memref_slice %arg7[%mul3A_95] : memref<10000xi32, #tpu.memory_space<vmem>> -> memref<40xi32, #tpu.memory_space<vmem>>
      %dma_wait3A_102 = arith.constant 0 : i32
      %dma_wait3A_103 = arith.constant 0 : i32
      %dma_wait3A_104 = tpu.memref_slice %arg2[%dma_wait3A_102, %dma_wait3A_103] : memref<10000x128xf32, #tpu.memory_space<hbm>> -> memref<10000x128xf32, #tpu.memory_space<hbm>>
      tpu.wait_indirect_dma semaphore(%arg12 : memref<!tpu.dma_semaphore, #tpu.memory_space<semaphore_mem>>) src(%dma_wait3A_104 : memref<10000x128xf32, #tpu.memory_space<hbm>>) dst(%dma_wait3A_100 : memref<40x128xf32, #tpu.memory_space<vmem>>)
      %add3A_105 = arith.constant 1 : i32
      %add3A_106 = arith.addi %mul3A_66, %add3A_105 : i32
      %mul3A_107 = arith.constant 40 : i32
      %mul3A_108 = arith.muli %add3A_106, %mul3A_107 : i32
      %dma_start3A_109 = arith.constant 1 : i32
      %dma_start3A_110 = arith.constant 0 : i32
      %dma_start3A_111 = arith.constant 0 : i32
      %dma_start3A_112 = tpu.memref_slice %arg9[%dma_start3A_109, %dma_start3A_110, %dma_start3A_111] : memref<5x40x128xf32, #tpu.memory_space<vmem>> -> memref<1x40x128xf32, #tpu.memory_space<vmem>>
      %dma_start3A_113 = tpu.memref_squeeze %dma_start3A_112 : memref<1x40x128xf32, #tpu.memory_space<vmem>> -> memref<40x128xf32, #tpu.memory_space<vmem>>
      %dma_start3A_114 = tpu.memref_slice %arg8[%mul3A_108] : memref<10000xi32, #tpu.memory_space<vmem>> -> memref<40xi32, #tpu.memory_space<vmem>>
      %dma_start3A_115 = arith.constant 0 : i32
      %dma_start3A_116 = arith.constant 0 : i32
      %dma_start3A_117 = tpu.memref_slice %arg10[%dma_start3A_115, %dma_start3A_116] : memref<10240x128xf32, #tpu.memory_space<vmem_shared>> -> memref<10240x128xf32, #tpu.memory_space<vmem_shared>>
      tpu.enqueue_indirect_dma source(%dma_start3A_113 : memref<40x128xf32, #tpu.memory_space<vmem>>) target(%dma_start3A_117 : memref<10240x128xf32, #tpu.memory_space<vmem_shared>>) offsets(%dma_start3A_114 : memref<40xi32, #tpu.memory_space<vmem>>) semaphore(%arg17 : memref<!tpu.dma_semaphore, #tpu.memory_space<semaphore_mem>>) {add = true}
      %add3A_118 = arith.constant 2 : i32
      %add3A_119 = arith.addi %mul3A_66, %add3A_118 : i32
      %mul3A_120 = arith.constant 40 : i32
      %mul3A_121 = arith.muli %add3A_119, %mul3A_120 : i32
      %dma_wait3A_122 = arith.constant 2 : i32
      %dma_wait3A_123 = arith.constant 0 : i32
      %dma_wait3A_124 = arith.constant 0 : i32
      %dma_wait3A_125 = tpu.memref_slice %arg9[%dma_wait3A_122, %dma_wait3A_123, %dma_wait3A_124] : memref<5x40x128xf32, #tpu.memory_space<vmem>> -> memref<1x40x128xf32, #tpu.memory_space<vmem>>
      %dma_wait3A_126 = tpu.memref_squeeze %dma_wait3A_125 : memref<1x40x128xf32, #tpu.memory_space<vmem>> -> memref<40x128xf32, #tpu.memory_space<vmem>>
      %dma_wait3A_127 = tpu.memref_slice %arg7[%mul3A_121] : memref<10000xi32, #tpu.memory_space<vmem>> -> memref<40xi32, #tpu.memory_space<vmem>>
      %dma_wait3A_128 = arith.constant 0 : i32
      %dma_wait3A_129 = arith.constant 0 : i32
      %dma_wait3A_130 = tpu.memref_slice %arg2[%dma_wait3A_128, %dma_wait3A_129] : memref<10000x128xf32, #tpu.memory_space<hbm>> -> memref<10000x128xf32, #tpu.memory_space<hbm>>
      tpu.wait_indirect_dma semaphore(%arg13 : memref<!tpu.dma_semaphore, #tpu.memory_space<semaphore_mem>>) src(%dma_wait3A_130 : memref<10000x128xf32, #tpu.memory_space<hbm>>) dst(%dma_wait3A_126 : memref<40x128xf32, #tpu.memory_space<vmem>>)
      %add3A_131 = arith.constant 2 : i32
      %add3A_132 = arith.addi %mul3A_66, %add3A_131 : i32
      %mul3A_133 = arith.constant 40 : i32
      %mul3A_134 = arith.muli %add3A_132, %mul3A_133 : i32
      %dma_start3A_135 = arith.constant 2 : i32
      %dma_start3A_136 = arith.constant 0 : i32
      %dma_start3A_137 = arith.constant 0 : i32
      %dma_start3A_138 = tpu.memref_slice %arg9[%dma_start3A_135, %dma_start3A_136, %dma_start3A_137] : memref<5x40x128xf32, #tpu.memory_space<vmem>> -> memref<1x40x128xf32, #tpu.memory_space<vmem>>
      %dma_start3A_139 = tpu.memref_squeeze %dma_start3A_138 : memref<1x40x128xf32, #tpu.memory_space<vmem>> -> memref<40x128xf32, #tpu.memory_space<vmem>>
      %dma_start3A_140 = tpu.memref_slice %arg8[%mul3A_134] : memref<10000xi32, #tpu.memory_space<vmem>> -> memref<40xi32, #tpu.memory_space<vmem>>
      %dma_start3A_141 = arith.constant 0 : i32
      %dma_start3A_142 = arith.constant 0 : i32
      %dma_start3A_143 = tpu.memref_slice %arg10[%dma_start3A_141, %dma_start3A_142] : memref<10240x128xf32, #tpu.memory_space<vmem_shared>> -> memref<10240x128xf32, #tpu.memory_space<vmem_shared>>
      tpu.enqueue_indirect_dma source(%dma_start3A_139 : memref<40x128xf32, #tpu.memory_space<vmem>>) target(%dma_start3A_143 : memref<10240x128xf32, #tpu.memory_space<vmem_shared>>) offsets(%dma_start3A_140 : memref<40xi32, #tpu.memory_space<vmem>>) semaphore(%arg18 : memref<!tpu.dma_semaphore, #tpu.memory_space<semaphore_mem>>) {add = true}
      %add3A_144 = arith.constant 3 : i32
      %add3A_145 = arith.addi %mul3A_66, %add3A_144 : i32
      %mul3A_146 = arith.constant 40 : i32
      %mul3A_147 = arith.muli %add3A_145, %mul3A_146 : i32
      %dma_wait3A_148 = arith.constant 3 : i32
      %dma_wait3A_149 = arith.constant 0 : i32
      %dma_wait3A_150 = arith.constant 0 : i32
      %dma_wait3A_151 = tpu.memref_slice %arg9[%dma_wait3A_148, %dma_wait3A_149, %dma_wait3A_150] : memref<5x40x128xf32, #tpu.memory_space<vmem>> -> memref<1x40x128xf32, #tpu.memory_space<vmem>>
      %dma_wait3A_152 = tpu.memref_squeeze %dma_wait3A_151 : memref<1x40x128xf32, #tpu.memory_space<vmem>> -> memref<40x128xf32, #tpu.memory_space<vmem>>
      %dma_wait3A_153 = tpu.memref_slice %arg7[%mul3A_147] : memref<10000xi32, #tpu.memory_space<vmem>> -> memref<40xi32, #tpu.memory_space<vmem>>
      %dma_wait3A_154 = arith.constant 0 : i32
      %dma_wait3A_155 = arith.constant 0 : i32
      %dma_wait3A_156 = tpu.memref_slice %arg2[%dma_wait3A_154, %dma_wait3A_155] : memref<10000x128xf32, #tpu.memory_space<hbm>> -> memref<10000x128xf32, #tpu.memory_space<hbm>>
      tpu.wait_indirect_dma semaphore(%arg14 : memref<!tpu.dma_semaphore, #tpu.memory_space<semaphore_mem>>) src(%dma_wait3A_156 : memref<10000x128xf32, #tpu.memory_space<hbm>>) dst(%dma_wait3A_152 : memref<40x128xf32, #tpu.memory_space<vmem>>)
      %add3A_157 = arith.constant 3 : i32
      %add3A_158 = arith.addi %mul3A_66, %add3A_157 : i32
      %mul3A_159 = arith.constant 40 : i32
      %mul3A_160 = arith.muli %add3A_158, %mul3A_159 : i32
      %dma_start3A_161 = arith.constant 3 : i32
      %dma_start3A_162 = arith.constant 0 : i32
      %dma_start3A_163 = arith.constant 0 : i32
      %dma_start3A_164 = tpu.memref_slice %arg9[%dma_start3A_161, %dma_start3A_162, %dma_start3A_163] : memref<5x40x128xf32, #tpu.memory_space<vmem>> -> memref<1x40x128xf32, #tpu.memory_space<vmem>>
      %dma_start3A_165 = tpu.memref_squeeze %dma_start3A_164 : memref<1x40x128xf32, #tpu.memory_space<vmem>> -> memref<40x128xf32, #tpu.memory_space<vmem>>
      %dma_start3A_166 = tpu.memref_slice %arg8[%mul3A_160] : memref<10000xi32, #tpu.memory_space<vmem>> -> memref<40xi32, #tpu.memory_space<vmem>>
      %dma_start3A_167 = arith.constant 0 : i32
      %dma_start3A_168 = arith.constant 0 : i32
      %dma_start3A_169 = tpu.memref_slice %arg10[%dma_start3A_167, %dma_start3A_168] : memref<10240x128xf32, #tpu.memory_space<vmem_shared>> -> memref<10240x128xf32, #tpu.memory_space<vmem_shared>>
      tpu.enqueue_indirect_dma source(%dma_start3A_165 : memref<40x128xf32, #tpu.memory_space<vmem>>) target(%dma_start3A_169 : memref<10240x128xf32, #tpu.memory_space<vmem_shared>>) offsets(%dma_start3A_166 : memref<40xi32, #tpu.memory_space<vmem>>) semaphore(%arg19 : memref<!tpu.dma_semaphore, #tpu.memory_space<semaphore_mem>>) {add = true}
      %add3A_170 = arith.constant 4 : i32
      %add3A_171 = arith.addi %mul3A_66, %add3A_170 : i32
      %mul3A_172 = arith.constant 40 : i32
      %mul3A_173 = arith.muli %add3A_171, %mul3A_172 : i32
      %dma_wait3A_174 = arith.constant 4 : i32
      %dma_wait3A_175 = arith.constant 0 : i32
      %dma_wait3A_176 = arith.constant 0 : i32
      %dma_wait3A_177 = tpu.memref_slice %arg9[%dma_wait3A_174, %dma_wait3A_175, %dma_wait3A_176] : memref<5x40x128xf32, #tpu.memory_space<vmem>> -> memref<1x40x128xf32, #tpu.memory_space<vmem>>
      %dma_wait3A_178 = tpu.memref_squeeze %dma_wait3A_177 : memref<1x40x128xf32, #tpu.memory_space<vmem>> -> memref<40x128xf32, #tpu.memory_space<vmem>>
      %dma_wait3A_179 = tpu.memref_slice %arg7[%mul3A_173] : memref<10000xi32, #tpu.memory_space<vmem>> -> memref<40xi32, #tpu.memory_space<vmem>>
      %dma_wait3A_180 = arith.constant 0 : i32
      %dma_wait3A_181 = arith.constant 0 : i32
      %dma_wait3A_182 = tpu.memref_slice %arg2[%dma_wait3A_180, %dma_wait3A_181] : memref<10000x128xf32, #tpu.memory_space<hbm>> -> memref<10000x128xf32, #tpu.memory_space<hbm>>
      tpu.wait_indirect_dma semaphore(%arg15 : memref<!tpu.dma_semaphore, #tpu.memory_space<semaphore_mem>>) src(%dma_wait3A_182 : memref<10000x128xf32, #tpu.memory_space<hbm>>) dst(%dma_wait3A_178 : memref<40x128xf32, #tpu.memory_space<vmem>>)
      %add3A_183 = arith.constant 4 : i32
      %add3A_184 = arith.addi %mul3A_66, %add3A_183 : i32
      %mul3A_185 = arith.constant 40 : i32
      %mul3A_186 = arith.muli %add3A_184, %mul3A_185 : i32
      %dma_start3A_187 = arith.constant 4 : i32
      %dma_start3A_188 = arith.constant 0 : i32
      %dma_start3A_189 = arith.constant 0 : i32
      %dma_start3A_190 = tpu.memref_slice %arg9[%dma_start3A_187, %dma_start3A_188, %dma_start3A_189] : memref<5x40x128xf32, #tpu.memory_space<vmem>> -> memref<1x40x128xf32, #tpu.memory_space<vmem>>
      %dma_start3A_191 = tpu.memref_squeeze %dma_start3A_190 : memref<1x40x128xf32, #tpu.memory_space<vmem>> -> memref<40x128xf32, #tpu.memory_space<vmem>>
      %dma_start3A_192 = tpu.memref_slice %arg8[%mul3A_186] : memref<10000xi32, #tpu.memory_space<vmem>> -> memref<40xi32, #tpu.memory_space<vmem>>
      %dma_start3A_193 = arith.constant 0 : i32
      %dma_start3A_194 = arith.constant 0 : i32
      %dma_start3A_195 = tpu.memref_slice %arg10[%dma_start3A_193, %dma_start3A_194] : memref<10240x128xf32, #tpu.memory_space<vmem_shared>> -> memref<10240x128xf32, #tpu.memory_space<vmem_shared>>
      tpu.enqueue_indirect_dma source(%dma_start3A_191 : memref<40x128xf32, #tpu.memory_space<vmem>>) target(%dma_start3A_195 : memref<10240x128xf32, #tpu.memory_space<vmem_shared>>) offsets(%dma_start3A_192 : memref<40xi32, #tpu.memory_space<vmem>>) semaphore(%arg20 : memref<!tpu.dma_semaphore, #tpu.memory_space<semaphore_mem>>) {add = true}
      %add3A_196 = arith.constant 0 : i32
      %add3A_197 = arith.addi %mul3A_66, %add3A_196 : i32
      %add3A_198 = arith.constant 5 : i32
      %add3A_199 = arith.addi %add3A_197, %add3A_198 : i32
      %add3A_200 = arith.constant 0 : i32
      %add3A_201 = arith.addi %mul3A_66, %add3A_200 : i32
      %mul3A_202 = arith.constant 40 : i32
      %mul3A_203 = arith.muli %add3A_201, %mul3A_202 : i32
      %dma_wait3A_204 = arith.constant 0 : i32
      %dma_wait3A_205 = arith.constant 0 : i32
      %dma_wait3A_206 = arith.constant 0 : i32
      %dma_wait3A_207 = tpu.memref_slice %arg9[%dma_wait3A_204, %dma_wait3A_205, %dma_wait3A_206] : memref<5x40x128xf32, #tpu.memory_space<vmem>> -> memref<1x40x128xf32, #tpu.memory_space<vmem>>
      %dma_wait3A_208 = tpu.memref_squeeze %dma_wait3A_207 : memref<1x40x128xf32, #tpu.memory_space<vmem>> -> memref<40x128xf32, #tpu.memory_space<vmem>>
      %dma_wait3A_209 = tpu.memref_slice %arg8[%mul3A_203] : memref<10000xi32, #tpu.memory_space<vmem>> -> memref<40xi32, #tpu.memory_space<vmem>>
      %dma_wait3A_210 = arith.constant 0 : i32
      %dma_wait3A_211 = arith.constant 0 : i32
      %dma_wait3A_212 = tpu.memref_slice %arg10[%dma_wait3A_210, %dma_wait3A_211] : memref<10240x128xf32, #tpu.memory_space<vmem_shared>> -> memref<10240x128xf32, #tpu.memory_space<vmem_shared>>
      tpu.wait_indirect_dma semaphore(%arg16 : memref<!tpu.dma_semaphore, #tpu.memory_space<semaphore_mem>>) src(%dma_wait3A_208 : memref<40x128xf32, #tpu.memory_space<vmem>>) dst(%dma_wait3A_212 : memref<10240x128xf32, #tpu.memory_space<vmem_shared>>)
      %lt3A = arith.constant 250 : i32
      %lt3A_213 = arith.cmpi slt, %add3A_199, %lt3A : i32
      %convert_element_type3A = arith.extui %lt3A_213 : i1 to i32
      %cond3A = arith.constant 0 : i32
      %cond3A_214 = arith.cmpi ne, %convert_element_type3A, %cond3A : i32
      scf.if %cond3A_214 {
        %mul3A_303 = arith.constant 40 : i32
        %mul3A_304 = arith.muli %add3A_199, %mul3A_303 : i32
        %dma_start3A_305 = arith.constant 0 : i32
        %dma_start3A_306 = arith.constant 0 : i32
        %dma_start3A_307 = arith.constant 0 : i32
        %dma_start3A_308 = tpu.memref_slice %arg9[%dma_start3A_305, %dma_start3A_306, %dma_start3A_307] : memref<5x40x128xf32, #tpu.memory_space<vmem>> -> memref<1x40x128xf32, #tpu.memory_space<vmem>>
        %dma_start3A_309 = tpu.memref_squeeze %dma_start3A_308 : memref<1x40x128xf32, #tpu.memory_space<vmem>> -> memref<40x128xf32, #tpu.memory_space<vmem>>
        %dma_start3A_310 = tpu.memref_slice %arg7[%mul3A_304] : memref<10000xi32, #tpu.memory_space<vmem>> -> memref<40xi32, #tpu.memory_space<vmem>>
        %dma_start3A_311 = arith.constant 0 : i32
        %dma_start3A_312 = arith.constant 0 : i32
        %dma_start3A_313 = tpu.memref_slice %arg2[%dma_start3A_311, %dma_start3A_312] : memref<10000x128xf32, #tpu.memory_space<hbm>> -> memref<10000x128xf32, #tpu.memory_space<hbm>>
        tpu.enqueue_indirect_dma source(%dma_start3A_313 : memref<10000x128xf32, #tpu.memory_space<hbm>>) target(%dma_start3A_309 : memref<40x128xf32, #tpu.memory_space<vmem>>) offsets(%dma_start3A_310 : memref<40xi32, #tpu.memory_space<vmem>>) semaphore(%arg11 : memref<!tpu.dma_semaphore, #tpu.memory_space<semaphore_mem>>)
      } else {
      }
      %add3A_215 = arith.constant 1 : i32
      %add3A_216 = arith.addi %mul3A_66, %add3A_215 : i32
      %add3A_217 = arith.constant 5 : i32
      %add3A_218 = arith.addi %add3A_216, %add3A_217 : i32
      %add3A_219 = arith.constant 1 : i32
      %add3A_220 = arith.addi %mul3A_66, %add3A_219 : i32
      %mul3A_221 = arith.constant 40 : i32
      %mul3A_222 = arith.muli %add3A_220, %mul3A_221 : i32
      %dma_wait3A_223 = arith.constant 1 : i32
      %dma_wait3A_224 = arith.constant 0 : i32
      %dma_wait3A_225 = arith.constant 0 : i32
      %dma_wait3A_226 = tpu.memref_slice %arg9[%dma_wait3A_223, %dma_wait3A_224, %dma_wait3A_225] : memref<5x40x128xf32, #tpu.memory_space<vmem>> -> memref<1x40x128xf32, #tpu.memory_space<vmem>>
      %dma_wait3A_227 = tpu.memref_squeeze %dma_wait3A_226 : memref<1x40x128xf32, #tpu.memory_space<vmem>> -> memref<40x128xf32, #tpu.memory_space<vmem>>
      %dma_wait3A_228 = tpu.memref_slice %arg8[%mul3A_222] : memref<10000xi32, #tpu.memory_space<vmem>> -> memref<40xi32, #tpu.memory_space<vmem>>
      %dma_wait3A_229 = arith.constant 0 : i32
      %dma_wait3A_230 = arith.constant 0 : i32
      %dma_wait3A_231 = tpu.memref_slice %arg10[%dma_wait3A_229, %dma_wait3A_230] : memref<10240x128xf32, #tpu.memory_space<vmem_shared>> -> memref<10240x128xf32, #tpu.memory_space<vmem_shared>>
      tpu.wait_indirect_dma semaphore(%arg17 : memref<!tpu.dma_semaphore, #tpu.memory_space<semaphore_mem>>) src(%dma_wait3A_227 : memref<40x128xf32, #tpu.memory_space<vmem>>) dst(%dma_wait3A_231 : memref<10240x128xf32, #tpu.memory_space<vmem_shared>>)
      %lt3A_232 = arith.constant 250 : i32
      %lt3A_233 = arith.cmpi slt, %add3A_218, %lt3A_232 : i32
      %convert_element_type3A_234 = arith.extui %lt3A_233 : i1 to i32
      %cond3A_235 = arith.constant 0 : i32
      %cond3A_236 = arith.cmpi ne, %convert_element_type3A_234, %cond3A_235 : i32
      scf.if %cond3A_236 {
        %mul3A_303 = arith.constant 40 : i32
        %mul3A_304 = arith.muli %add3A_218, %mul3A_303 : i32
        %dma_start3A_305 = arith.constant 1 : i32
        %dma_start3A_306 = arith.constant 0 : i32
        %dma_start3A_307 = arith.constant 0 : i32
        %dma_start3A_308 = tpu.memref_slice %arg9[%dma_start3A_305, %dma_start3A_306, %dma_start3A_307] : memref<5x40x128xf32, #tpu.memory_space<vmem>> -> memref<1x40x128xf32, #tpu.memory_space<vmem>>
        %dma_start3A_309 = tpu.memref_squeeze %dma_start3A_308 : memref<1x40x128xf32, #tpu.memory_space<vmem>> -> memref<40x128xf32, #tpu.memory_space<vmem>>
        %dma_start3A_310 = tpu.memref_slice %arg7[%mul3A_304] : memref<10000xi32, #tpu.memory_space<vmem>> -> memref<40xi32, #tpu.memory_space<vmem>>
        %dma_start3A_311 = arith.constant 0 : i32
        %dma_start3A_312 = arith.constant 0 : i32
        %dma_start3A_313 = tpu.memref_slice %arg2[%dma_start3A_311, %dma_start3A_312] : memref<10000x128xf32, #tpu.memory_space<hbm>> -> memref<10000x128xf32, #tpu.memory_space<hbm>>
        tpu.enqueue_indirect_dma source(%dma_start3A_313 : memref<10000x128xf32, #tpu.memory_space<hbm>>) target(%dma_start3A_309 : memref<40x128xf32, #tpu.memory_space<vmem>>) offsets(%dma_start3A_310 : memref<40xi32, #tpu.memory_space<vmem>>) semaphore(%arg12 : memref<!tpu.dma_semaphore, #tpu.memory_space<semaphore_mem>>)
      } else {
      }
      %add3A_237 = arith.constant 2 : i32
      %add3A_238 = arith.addi %mul3A_66, %add3A_237 : i32
      %add3A_239 = arith.constant 5 : i32
      %add3A_240 = arith.addi %add3A_238, %add3A_239 : i32
      %add3A_241 = arith.constant 2 : i32
      %add3A_242 = arith.addi %mul3A_66, %add3A_241 : i32
      %mul3A_243 = arith.constant 40 : i32
      %mul3A_244 = arith.muli %add3A_242, %mul3A_243 : i32
      %dma_wait3A_245 = arith.constant 2 : i32
      %dma_wait3A_246 = arith.constant 0 : i32
      %dma_wait3A_247 = arith.constant 0 : i32
      %dma_wait3A_248 = tpu.memref_slice %arg9[%dma_wait3A_245, %dma_wait3A_246, %dma_wait3A_247] : memref<5x40x128xf32, #tpu.memory_space<vmem>> -> memref<1x40x128xf32, #tpu.memory_space<vmem>>
      %dma_wait3A_249 = tpu.memref_squeeze %dma_wait3A_248 : memref<1x40x128xf32, #tpu.memory_space<vmem>> -> memref<40x128xf32, #tpu.memory_space<vmem>>
      %dma_wait3A_250 = tpu.memref_slice %arg8[%mul3A_244] : memref<10000xi32, #tpu.memory_space<vmem>> -> memref<40xi32, #tpu.memory_space<vmem>>
      %dma_wait3A_251 = arith.constant 0 : i32
      %dma_wait3A_252 = arith.constant 0 : i32
      %dma_wait3A_253 = tpu.memref_slice %arg10[%dma_wait3A_251, %dma_wait3A_252] : memref<10240x128xf32, #tpu.memory_space<vmem_shared>> -> memref<10240x128xf32, #tpu.memory_space<vmem_shared>>
      tpu.wait_indirect_dma semaphore(%arg18 : memref<!tpu.dma_semaphore, #tpu.memory_space<semaphore_mem>>) src(%dma_wait3A_249 : memref<40x128xf32, #tpu.memory_space<vmem>>) dst(%dma_wait3A_253 : memref<10240x128xf32, #tpu.memory_space<vmem_shared>>)
      %lt3A_254 = arith.constant 250 : i32
      %lt3A_255 = arith.cmpi slt, %add3A_240, %lt3A_254 : i32
      %convert_element_type3A_256 = arith.extui %lt3A_255 : i1 to i32
      %cond3A_257 = arith.constant 0 : i32
      %cond3A_258 = arith.cmpi ne, %convert_element_type3A_256, %cond3A_257 : i32
      scf.if %cond3A_258 {
        %mul3A_303 = arith.constant 40 : i32
        %mul3A_304 = arith.muli %add3A_240, %mul3A_303 : i32
        %dma_start3A_305 = arith.constant 2 : i32
        %dma_start3A_306 = arith.constant 0 : i32
        %dma_start3A_307 = arith.constant 0 : i32
        %dma_start3A_308 = tpu.memref_slice %arg9[%dma_start3A_305, %dma_start3A_306, %dma_start3A_307] : memref<5x40x128xf32, #tpu.memory_space<vmem>> -> memref<1x40x128xf32, #tpu.memory_space<vmem>>
        %dma_start3A_309 = tpu.memref_squeeze %dma_start3A_308 : memref<1x40x128xf32, #tpu.memory_space<vmem>> -> memref<40x128xf32, #tpu.memory_space<vmem>>
        %dma_start3A_310 = tpu.memref_slice %arg7[%mul3A_304] : memref<10000xi32, #tpu.memory_space<vmem>> -> memref<40xi32, #tpu.memory_space<vmem>>
        %dma_start3A_311 = arith.constant 0 : i32
        %dma_start3A_312 = arith.constant 0 : i32
        %dma_start3A_313 = tpu.memref_slice %arg2[%dma_start3A_311, %dma_start3A_312] : memref<10000x128xf32, #tpu.memory_space<hbm>> -> memref<10000x128xf32, #tpu.memory_space<hbm>>
        tpu.enqueue_indirect_dma source(%dma_start3A_313 : memref<10000x128xf32, #tpu.memory_space<hbm>>) target(%dma_start3A_309 : memref<40x128xf32, #tpu.memory_space<vmem>>) offsets(%dma_start3A_310 : memref<40xi32, #tpu.memory_space<vmem>>) semaphore(%arg13 : memref<!tpu.dma_semaphore, #tpu.memory_space<semaphore_mem>>)
      } else {
      }
      %add3A_259 = arith.constant 3 : i32
      %add3A_260 = arith.addi %mul3A_66, %add3A_259 : i32
      %add3A_261 = arith.constant 5 : i32
      %add3A_262 = arith.addi %add3A_260, %add3A_261 : i32
      %add3A_263 = arith.constant 3 : i32
      %add3A_264 = arith.addi %mul3A_66, %add3A_263 : i32
      %mul3A_265 = arith.constant 40 : i32
      %mul3A_266 = arith.muli %add3A_264, %mul3A_265 : i32
      %dma_wait3A_267 = arith.constant 3 : i32
      %dma_wait3A_268 = arith.constant 0 : i32
      %dma_wait3A_269 = arith.constant 0 : i32
      %dma_wait3A_270 = tpu.memref_slice %arg9[%dma_wait3A_267, %dma_wait3A_268, %dma_wait3A_269] : memref<5x40x128xf32, #tpu.memory_space<vmem>> -> memref<1x40x128xf32, #tpu.memory_space<vmem>>
      %dma_wait3A_271 = tpu.memref_squeeze %dma_wait3A_270 : memref<1x40x128xf32, #tpu.memory_space<vmem>> -> memref<40x128xf32, #tpu.memory_space<vmem>>
      %dma_wait3A_272 = tpu.memref_slice %arg8[%mul3A_266] : memref<10000xi32, #tpu.memory_space<vmem>> -> memref<40xi32, #tpu.memory_space<vmem>>
      %dma_wait3A_273 = arith.constant 0 : i32
      %dma_wait3A_274 = arith.constant 0 : i32
      %dma_wait3A_275 = tpu.memref_slice %arg10[%dma_wait3A_273, %dma_wait3A_274] : memref<10240x128xf32, #tpu.memory_space<vmem_shared>> -> memref<10240x128xf32, #tpu.memory_space<vmem_shared>>
      tpu.wait_indirect_dma semaphore(%arg19 : memref<!tpu.dma_semaphore, #tpu.memory_space<semaphore_mem>>) src(%dma_wait3A_271 : memref<40x128xf32, #tpu.memory_space<vmem>>) dst(%dma_wait3A_275 : memref<10240x128xf32, #tpu.memory_space<vmem_shared>>)
      %lt3A_276 = arith.constant 250 : i32
      %lt3A_277 = arith.cmpi slt, %add3A_262, %lt3A_276 : i32
      %convert_element_type3A_278 = arith.extui %lt3A_277 : i1 to i32
      %cond3A_279 = arith.constant 0 : i32
      %cond3A_280 = arith.cmpi ne, %convert_element_type3A_278, %cond3A_279 : i32
      scf.if %cond3A_280 {
        %mul3A_303 = arith.constant 40 : i32
        %mul3A_304 = arith.muli %add3A_262, %mul3A_303 : i32
        %dma_start3A_305 = arith.constant 3 : i32
        %dma_start3A_306 = arith.constant 0 : i32
        %dma_start3A_307 = arith.constant 0 : i32
        %dma_start3A_308 = tpu.memref_slice %arg9[%dma_start3A_305, %dma_start3A_306, %dma_start3A_307] : memref<5x40x128xf32, #tpu.memory_space<vmem>> -> memref<1x40x128xf32, #tpu.memory_space<vmem>>
        %dma_start3A_309 = tpu.memref_squeeze %dma_start3A_308 : memref<1x40x128xf32, #tpu.memory_space<vmem>> -> memref<40x128xf32, #tpu.memory_space<vmem>>
        %dma_start3A_310 = tpu.memref_slice %arg7[%mul3A_304] : memref<10000xi32, #tpu.memory_space<vmem>> -> memref<40xi32, #tpu.memory_space<vmem>>
        %dma_start3A_311 = arith.constant 0 : i32
        %dma_start3A_312 = arith.constant 0 : i32
        %dma_start3A_313 = tpu.memref_slice %arg2[%dma_start3A_311, %dma_start3A_312] : memref<10000x128xf32, #tpu.memory_space<hbm>> -> memref<10000x128xf32, #tpu.memory_space<hbm>>
        tpu.enqueue_indirect_dma source(%dma_start3A_313 : memref<10000x128xf32, #tpu.memory_space<hbm>>) target(%dma_start3A_309 : memref<40x128xf32, #tpu.memory_space<vmem>>) offsets(%dma_start3A_310 : memref<40xi32, #tpu.memory_space<vmem>>) semaphore(%arg14 : memref<!tpu.dma_semaphore, #tpu.memory_space<semaphore_mem>>)
      } else {
      }
      %add3A_281 = arith.constant 4 : i32
      %add3A_282 = arith.addi %mul3A_66, %add3A_281 : i32
      %add3A_283 = arith.constant 5 : i32
      %add3A_284 = arith.addi %add3A_282, %add3A_283 : i32
      %add3A_285 = arith.constant 4 : i32
      %add3A_286 = arith.addi %mul3A_66, %add3A_285 : i32
      %mul3A_287 = arith.constant 40 : i32
      %mul3A_288 = arith.muli %add3A_286, %mul3A_287 : i32
      %dma_wait3A_289 = arith.constant 4 : i32
      %dma_wait3A_290 = arith.constant 0 : i32
      %dma_wait3A_291 = arith.constant 0 : i32
      %dma_wait3A_292 = tpu.memref_slice %arg9[%dma_wait3A_289, %dma_wait3A_290, %dma_wait3A_291] : memref<5x40x128xf32, #tpu.memory_space<vmem>> -> memref<1x40x128xf32, #tpu.memory_space<vmem>>
      %dma_wait3A_293 = tpu.memref_squeeze %dma_wait3A_292 : memref<1x40x128xf32, #tpu.memory_space<vmem>> -> memref<40x128xf32, #tpu.memory_space<vmem>>
      %dma_wait3A_294 = tpu.memref_slice %arg8[%mul3A_288] : memref<10000xi32, #tpu.memory_space<vmem>> -> memref<40xi32, #tpu.memory_space<vmem>>
      %dma_wait3A_295 = arith.constant 0 : i32
      %dma_wait3A_296 = arith.constant 0 : i32
      %dma_wait3A_297 = tpu.memref_slice %arg10[%dma_wait3A_295, %dma_wait3A_296] : memref<10240x128xf32, #tpu.memory_space<vmem_shared>> -> memref<10240x128xf32, #tpu.memory_space<vmem_shared>>
      tpu.wait_indirect_dma semaphore(%arg20 : memref<!tpu.dma_semaphore, #tpu.memory_space<semaphore_mem>>) src(%dma_wait3A_293 : memref<40x128xf32, #tpu.memory_space<vmem>>) dst(%dma_wait3A_297 : memref<10240x128xf32, #tpu.memory_space<vmem_shared>>)
      %lt3A_298 = arith.constant 250 : i32
      %lt3A_299 = arith.cmpi slt, %add3A_284, %lt3A_298 : i32
      %convert_element_type3A_300 = arith.extui %lt3A_299 : i1 to i32
      %cond3A_301 = arith.constant 0 : i32
      %cond3A_302 = arith.cmpi ne, %convert_element_type3A_300, %cond3A_301 : i32
      scf.if %cond3A_302 {
        %mul3A_303 = arith.constant 40 : i32
        %mul3A_304 = arith.muli %add3A_284, %mul3A_303 : i32
        %dma_start3A_305 = arith.constant 4 : i32
        %dma_start3A_306 = arith.constant 0 : i32
        %dma_start3A_307 = arith.constant 0 : i32
        %dma_start3A_308 = tpu.memref_slice %arg9[%dma_start3A_305, %dma_start3A_306, %dma_start3A_307] : memref<5x40x128xf32, #tpu.memory_space<vmem>> -> memref<1x40x128xf32, #tpu.memory_space<vmem>>
        %dma_start3A_309 = tpu.memref_squeeze %dma_start3A_308 : memref<1x40x128xf32, #tpu.memory_space<vmem>> -> memref<40x128xf32, #tpu.memory_space<vmem>>
        %dma_start3A_310 = tpu.memref_slice %arg7[%mul3A_304] : memref<10000xi32, #tpu.memory_space<vmem>> -> memref<40xi32, #tpu.memory_space<vmem>>
        %dma_start3A_311 = arith.constant 0 : i32
        %dma_start3A_312 = arith.constant 0 : i32
        %dma_start3A_313 = tpu.memref_slice %arg2[%dma_start3A_311, %dma_start3A_312] : memref<10000x128xf32, #tpu.memory_space<hbm>> -> memref<10000x128xf32, #tpu.memory_space<hbm>>
        tpu.enqueue_indirect_dma source(%dma_start3A_313 : memref<10000x128xf32, #tpu.memory_space<hbm>>) target(%dma_start3A_309 : memref<40x128xf32, #tpu.memory_space<vmem>>) offsets(%dma_start3A_310 : memref<40xi32, #tpu.memory_space<vmem>>) semaphore(%arg15 : memref<!tpu.dma_semaphore, #tpu.memory_space<semaphore_mem>>)
      } else {
      }
    }
    %scan3A_58 = arith.constant 50 : i32
    %barrier3A_59 = arith.constant 0 : index
    tpu.barrier barrier_id(%barrier3A_59)
    %mul3A_60 = arith.constant 640 : i32
    %mul3A_61 = arith.muli %arg1, %mul3A_60 : i32
    %mul3A_62 = arith.constant 640 : i32
    %mul3A_63 = arith.muli %arg1, %mul3A_62 : i32
    "tpu.region"() ({
      %run_scoped3A = tpu.sem_alloc : memref<!tpu.dma_semaphore, #tpu.memory_space<semaphore_mem>>
      %dma_start3A_64 = arith.constant 0 : i32
      %dma_start3A_65 = tpu.memref_slice %arg6[%arg0, %mul3A_63, %dma_start3A_64] : memref<2x10240x128xf32, #tpu.memory_space<hbm>> -> memref<1x640x128xf32, #tpu.memory_space<hbm>>
      %dma_start3A_66 = tpu.memref_squeeze %dma_start3A_65 : memref<1x640x128xf32, #tpu.memory_space<hbm>> -> memref<640x128xf32, #tpu.memory_space<hbm>>
      %dma_start3A_67 = arith.constant 0 : i32
      %dma_start3A_68 = tpu.memref_slice %arg10[%mul3A_61, %dma_start3A_67] : memref<10240x128xf32, #tpu.memory_space<vmem_shared>> -> memref<640x128xf32, #tpu.memory_space<vmem_shared>>
      tpu.enqueue_dma source(%dma_start3A_68 : memref<640x128xf32, #tpu.memory_space<vmem_shared>>) target(%dma_start3A_66 : memref<640x128xf32, #tpu.memory_space<hbm>>) target_semaphore(%run_scoped3A : memref<!tpu.dma_semaphore, #tpu.memory_space<semaphore_mem>>)
      %dma_wait3A = arith.constant 0 : i32
      %dma_wait3A_69 = tpu.memref_slice %arg6[%arg0, %mul3A_63, %dma_wait3A] : memref<2x10240x128xf32, #tpu.memory_space<hbm>> -> memref<1x640x128xf32, #tpu.memory_space<hbm>>
      %dma_wait3A_70 = tpu.memref_squeeze %dma_wait3A_69 : memref<1x640x128xf32, #tpu.memory_space<hbm>> -> memref<640x128xf32, #tpu.memory_space<hbm>>
      %dma_wait3A_71 = arith.constant 0 : i32
      %dma_wait3A_72 = tpu.memref_slice %arg10[%mul3A_61, %dma_wait3A_71] : memref<10240x128xf32, #tpu.memory_space<vmem_shared>> -> memref<640x128xf32, #tpu.memory_space<vmem_shared>>
      tpu.wait_dma2 semaphore(%run_scoped3A : memref<!tpu.dma_semaphore, #tpu.memory_space<semaphore_mem>>) src(%dma_wait3A_72 : memref<640x128xf32, #tpu.memory_space<vmem_shared>>) dst(%dma_wait3A_70 : memref<640x128xf32, #tpu.memory_space<hbm>>)
      tpu.yield
    }) : () -> ()
    return
  }
}

#map = affine_map<(d0, d1) -> (0, 0)>
#map1 = affine_map<(d0, d1) -> (0, 0, 0)>
module attributes {stable_mosaic.version = 14 : i64} {
  func.func @_sc_aggregate(%arg0: i32, %arg1: i32, %arg2: memref<10000x128xf32, #tpu.memory_space<hbm>>, %arg3: memref<32x10000xi32, #tpu.memory_space<hbm>>, %arg4: memref<32x10000xi32, #tpu.memory_space<hbm>>, %arg5: memref<10240x128xf32, #tpu.memory_space<hbm>>, %arg6: memref<2x10240x128xf32, #tpu.memory_space<hbm>>, %arg7: memref<10000xi32, #tpu.memory_space<vmem>>, %arg8: memref<10000xi32, #tpu.memory_space<vmem>>, %arg9: memref<5x40x128xf32, #tpu.memory_space<vmem>>, %arg10: memref<10240x128xf32, #tpu.memory_space<vmem_shared>>, %arg11: memref<!tpu.dma_semaphore, #tpu.memory_space<semaphore_mem>>, %arg12: memref<!tpu.dma_semaphore, #tpu.memory_space<semaphore_mem>>, %arg13: memref<!tpu.dma_semaphore, #tpu.memory_space<semaphore_mem>>, %arg14: memref<!tpu.dma_semaphore, #tpu.memory_space<semaphore_mem>>, %arg15: memref<!tpu.dma_semaphore, #tpu.memory_space<semaphore_mem>>, %arg16: memref<!tpu.dma_semaphore, #tpu.memory_space<semaphore_mem>>, %arg17: memref<!tpu.dma_semaphore, #tpu.memory_space<semaphore_mem>>, %arg18: memref<!tpu.dma_semaphore, #tpu.memory_space<semaphore_mem>>, %arg19: memref<!tpu.dma_semaphore, #tpu.memory_space<semaphore_mem>>, %arg20: memref<!tpu.dma_semaphore, #tpu.memory_space<semaphore_mem>>) attributes {dimension_semantics = [#tpu.dimension_semantics<core_parallel>, #tpu.dimension_semantics<subcore_parallel>], iteration_bounds = array<i64: 2, 16>, scalar_prefetch = 0 : i64, scratch_operands = 14 : i64, tpu.core_type = #tpu.core_type<sc_vector_subcore>, window_params = [{transform_indices = #map}, {transform_indices = #map}, {transform_indices = #map}, {transform_indices = #map}, {transform_indices = #map1}]} {
    %mul3A = arith.constant 16 : i32
    %mul3A_0 = arith.muli %arg0, %mul3A : i32
    %add3A = arith.addi %mul3A_0, %arg1 : i32
    "tpu.region"() ({
      %run_scoped3A = tpu.sem_alloc : memref<!tpu.dma_semaphore, #tpu.memory_space<semaphore_mem>>
      %dma_start3A_64 = arith.constant 0 : i32
      %dma_start3A_65 = tpu.memref_slice %arg3[%add3A, %dma_start3A_64] : memref<32x10000xi32, #tpu.memory_space<hbm>> -> memref<1x10000xi32, #tpu.memory_space<hbm>>
      %dma_start3A_66 = tpu.memref_squeeze %dma_start3A_65 : memref<1x10000xi32, #tpu.memory_space<hbm>> -> memref<10000xi32, #tpu.memory_space<hbm>>
      %dma_start3A_67 = arith.constant 0 : i32
      %dma_start3A_68 = tpu.memref_slice %arg3[%add3A, %dma_start3A_67] : memref<32x10000xi32, #tpu.memory_space<hbm>> -> memref<1x10000xi32, #tpu.memory_space<hbm>>
      %dma_start3A_69 = tpu.memref_squeeze %dma_start3A_68 : memref<1x10000xi32, #tpu.memory_space<hbm>> -> memref<10000xi32, #tpu.memory_space<hbm>>
      tpu.enqueue_dma source(%dma_start3A_69 : memref<10000xi32, #tpu.memory_space<hbm>>) target(%arg7 : memref<10000xi32, #tpu.memory_space<vmem>>) target_semaphore(%run_scoped3A : memref<!tpu.dma_semaphore, #tpu.memory_space<semaphore_mem>>)
      %dma_wait3A = arith.constant 0 : i32
      %dma_wait3A_70 = tpu.memref_slice %arg3[%add3A, %dma_wait3A] : memref<32x10000xi32, #tpu.memory_space<hbm>> -> memref<1x10000xi32, #tpu.memory_space<hbm>>
      %dma_wait3A_71 = tpu.memref_squeeze %dma_wait3A_70 : memref<1x10000xi32, #tpu.memory_space<hbm>> -> memref<10000xi32, #tpu.memory_space<hbm>>
      %dma_wait3A_72 = arith.constant 0 : i32
      %dma_wait3A_73 = tpu.memref_slice %arg3[%add3A, %dma_wait3A_72] : memref<32x10000xi32, #tpu.memory_space<hbm>> -> memref<1x10000xi32, #tpu.memory_space<hbm>>
      %dma_wait3A_74 = tpu.memref_squeeze %dma_wait3A_73 : memref<1x10000xi32, #tpu.memory_space<hbm>> -> memref<10000xi32, #tpu.memory_space<hbm>>
      tpu.wait_dma2 semaphore(%run_scoped3A : memref<!tpu.dma_semaphore, #tpu.memory_space<semaphore_mem>>) src(%dma_wait3A_74 : memref<10000xi32, #tpu.memory_space<hbm>>) dst(%arg7 : memref<10000xi32, #tpu.memory_space<vmem>>)
      tpu.yield
    }) : () -> ()
    "tpu.region"() ({
      %run_scoped3A = tpu.sem_alloc : memref<!tpu.dma_semaphore, #tpu.memory_space<semaphore_mem>>
      %dma_start3A_64 = arith.constant 0 : i32
      %dma_start3A_65 = tpu.memref_slice %arg4[%add3A, %dma_start3A_64] : memref<32x10000xi32, #tpu.memory_space<hbm>> -> memref<1x10000xi32, #tpu.memory_space<hbm>>
      %dma_start3A_66 = tpu.memref_squeeze %dma_start3A_65 : memref<1x10000xi32, #tpu.memory_space<hbm>> -> memref<10000xi32, #tpu.memory_space<hbm>>
      %dma_start3A_67 = arith.constant 0 : i32
      %dma_start3A_68 = tpu.memref_slice %arg4[%add3A, %dma_start3A_67] : memref<32x10000xi32, #tpu.memory_space<hbm>> -> memref<1x10000xi32, #tpu.memory_space<hbm>>
      %dma_start3A_69 = tpu.memref_squeeze %dma_start3A_68 : memref<1x10000xi32, #tpu.memory_space<hbm>> -> memref<10000xi32, #tpu.memory_space<hbm>>
      tpu.enqueue_dma source(%dma_start3A_69 : memref<10000xi32, #tpu.memory_space<hbm>>) target(%arg8 : memref<10000xi32, #tpu.memory_space<vmem>>) target_semaphore(%run_scoped3A : memref<!tpu.dma_semaphore, #tpu.memory_space<semaphore_mem>>)
      %dma_wait3A = arith.constant 0 : i32
      %dma_wait3A_70 = tpu.memref_slice %arg4[%add3A, %dma_wait3A] : memref<32x10000xi32, #tpu.memory_space<hbm>> -> memref<1x10000xi32, #tpu.memory_space<hbm>>
      %dma_wait3A_71 = tpu.memref_squeeze %dma_wait3A_70 : memref<1x10000xi32, #tpu.memory_space<hbm>> -> memref<10000xi32, #tpu.memory_space<hbm>>
      %dma_wait3A_72 = arith.constant 0 : i32
      %dma_wait3A_73 = tpu.memref_slice %arg4[%add3A, %dma_wait3A_72] : memref<32x10000xi32, #tpu.memory_space<hbm>> -> memref<1x10000xi32, #tpu.memory_space<hbm>>
      %dma_wait3A_74 = tpu.memref_squeeze %dma_wait3A_73 : memref<1x10000xi32, #tpu.memory_space<hbm>> -> memref<10000xi32, #tpu.memory_space<hbm>>
      tpu.wait_dma2 semaphore(%run_scoped3A : memref<!tpu.dma_semaphore, #tpu.memory_space<semaphore_mem>>) src(%dma_wait3A_74 : memref<10000xi32, #tpu.memory_space<hbm>>) dst(%arg8 : memref<10000xi32, #tpu.memory_space<vmem>>)
      tpu.yield
    }) : () -> ()
    %dma_start3A = arith.constant 0 : i32
    %dma_start3A_1 = arith.constant 0 : i32
    %dma_start3A_2 = arith.constant 0 : i32
    %dma_start3A_3 = tpu.memref_slice %arg9[%dma_start3A, %dma_start3A_1, %dma_start3A_2] : memref<5x40x128xf32, #tpu.memory_space<vmem>> -> memref<1x40x128xf32, #tpu.memory_space<vmem>>
    %dma_start3A_4 = tpu.memref_squeeze %dma_start3A_3 : memref<1x40x128xf32, #tpu.memory_space<vmem>> -> memref<40x128xf32, #tpu.memory_space<vmem>>
    %dma_start3A_5 = arith.constant 0 : i32
    %dma_start3A_6 = tpu.memref_slice %arg7[%dma_start3A_5] : memref<10000xi32, #tpu.memory_space<vmem>> -> memref<40xi32, #tpu.memory_space<vmem>>
    %dma_start3A_7 = arith.constant 0 : i32
    %dma_start3A_8 = arith.constant 0 : i32
    %dma_start3A_9 = tpu.memref_slice %arg2[%dma_start3A_7, %dma_start3A_8] : memref<10000x128xf32, #tpu.memory_space<hbm>> -> memref<10000x128xf32, #tpu.memory_space<hbm>>
    tpu.enqueue_indirect_dma source(%dma_start3A_9 : memref<10000x128xf32, #tpu.memory_space<hbm>>) target(%dma_start3A_4 : memref<40x128xf32, #tpu.memory_space<vmem>>) offsets(%dma_start3A_6 : memref<40xi32, #tpu.memory_space<vmem>>) semaphore(%arg11 : memref<!tpu.dma_semaphore, #tpu.memory_space<semaphore_mem>>)
    %dma_start3A_10 = arith.constant 1 : i32
    %dma_start3A_11 = arith.constant 0 : i32
    %dma_start3A_12 = arith.constant 0 : i32
    %dma_start3A_13 = tpu.memref_slice %arg9[%dma_start3A_10, %dma_start3A_11, %dma_start3A_12] : memref<5x40x128xf32, #tpu.memory_space<vmem>> -> memref<1x40x128xf32, #tpu.memory_space<vmem>>
    %dma_start3A_14 = tpu.memref_squeeze %dma_start3A_13 : memref<1x40x128xf32, #tpu.memory_space<vmem>> -> memref<40x128xf32, #tpu.memory_space<vmem>>
    %dma_start3A_15 = arith.constant 40 : i32
    %dma_start3A_16 = tpu.memref_slice %arg7[%dma_start3A_15] : memref<10000xi32, #tpu.memory_space<vmem>> -> memref<40xi32, #tpu.memory_space<vmem>>
    %dma_start3A_17 = arith.constant 0 : i32
    %dma_start3A_18 = arith.constant 0 : i32
    %dma_start3A_19 = tpu.memref_slice %arg2[%dma_start3A_17, %dma_start3A_18] : memref<10000x128xf32, #tpu.memory_space<hbm>> -> memref<10000x128xf32, #tpu.memory_space<hbm>>
    tpu.enqueue_indirect_dma source(%dma_start3A_19 : memref<10000x128xf32, #tpu.memory_space<hbm>>) target(%dma_start3A_14 : memref<40x128xf32, #tpu.memory_space<vmem>>) offsets(%dma_start3A_16 : memref<40xi32, #tpu.memory_space<vmem>>) semaphore(%arg12 : memref<!tpu.dma_semaphore, #tpu.memory_space<semaphore_mem>>)
    %dma_start3A_20 = arith.constant 2 : i32
    %dma_start3A_21 = arith.constant 0 : i32
    %dma_start3A_22 = arith.constant 0 : i32
    %dma_start3A_23 = tpu.memref_slice %arg9[%dma_start3A_20, %dma_start3A_21, %dma_start3A_22] : memref<5x40x128xf32, #tpu.memory_space<vmem>> -> memref<1x40x128xf32, #tpu.memory_space<vmem>>
    %dma_start3A_24 = tpu.memref_squeeze %dma_start3A_23 : memref<1x40x128xf32, #tpu.memory_space<vmem>> -> memref<40x128xf32, #tpu.memory_space<vmem>>
    %dma_start3A_25 = arith.constant 80 : i32
    %dma_start3A_26 = tpu.memref_slice %arg7[%dma_start3A_25] : memref<10000xi32, #tpu.memory_space<vmem>> -> memref<40xi32, #tpu.memory_space<vmem>>
    %dma_start3A_27 = arith.constant 0 : i32
    %dma_start3A_28 = arith.constant 0 : i32
    %dma_start3A_29 = tpu.memref_slice %arg2[%dma_start3A_27, %dma_start3A_28] : memref<10000x128xf32, #tpu.memory_space<hbm>> -> memref<10000x128xf32, #tpu.memory_space<hbm>>
    tpu.enqueue_indirect_dma source(%dma_start3A_29 : memref<10000x128xf32, #tpu.memory_space<hbm>>) target(%dma_start3A_24 : memref<40x128xf32, #tpu.memory_space<vmem>>) offsets(%dma_start3A_26 : memref<40xi32, #tpu.memory_space<vmem>>) semaphore(%arg13 : memref<!tpu.dma_semaphore, #tpu.memory_space<semaphore_mem>>)
    %dma_start3A_30 = arith.constant 3 : i32
    %dma_start3A_31 = arith.constant 0 : i32
    %dma_start3A_32 = arith.constant 0 : i32
    %dma_start3A_33 = tpu.memref_slice %arg9[%dma_start3A_30, %dma_start3A_31, %dma_start3A_32] : memref<5x40x128xf32, #tpu.memory_space<vmem>> -> memref<1x40x128xf32, #tpu.memory_space<vmem>>
    %dma_start3A_34 = tpu.memref_squeeze %dma_start3A_33 : memref<1x40x128xf32, #tpu.memory_space<vmem>> -> memref<40x128xf32, #tpu.memory_space<vmem>>
    %dma_start3A_35 = arith.constant 120 : i32
    %dma_start3A_36 = tpu.memref_slice %arg7[%dma_start3A_35] : memref<10000xi32, #tpu.memory_space<vmem>> -> memref<40xi32, #tpu.memory_space<vmem>>
    %dma_start3A_37 = arith.constant 0 : i32
    %dma_start3A_38 = arith.constant 0 : i32
    %dma_start3A_39 = tpu.memref_slice %arg2[%dma_start3A_37, %dma_start3A_38] : memref<10000x128xf32, #tpu.memory_space<hbm>> -> memref<10000x128xf32, #tpu.memory_space<hbm>>
    tpu.enqueue_indirect_dma source(%dma_start3A_39 : memref<10000x128xf32, #tpu.memory_space<hbm>>) target(%dma_start3A_34 : memref<40x128xf32, #tpu.memory_space<vmem>>) offsets(%dma_start3A_36 : memref<40xi32, #tpu.memory_space<vmem>>) semaphore(%arg14 : memref<!tpu.dma_semaphore, #tpu.memory_space<semaphore_mem>>)
    %dma_start3A_40 = arith.constant 4 : i32
    %dma_start3A_41 = arith.constant 0 : i32
    %dma_start3A_42 = arith.constant 0 : i32
    %dma_start3A_43 = tpu.memref_slice %arg9[%dma_start3A_40, %dma_start3A_41, %dma_start3A_42] : memref<5x40x128xf32, #tpu.memory_space<vmem>> -> memref<1x40x128xf32, #tpu.memory_space<vmem>>
    %dma_start3A_44 = tpu.memref_squeeze %dma_start3A_43 : memref<1x40x128xf32, #tpu.memory_space<vmem>> -> memref<40x128xf32, #tpu.memory_space<vmem>>
    %dma_start3A_45 = arith.constant 160 : i32
    %dma_start3A_46 = tpu.memref_slice %arg7[%dma_start3A_45] : memref<10000xi32, #tpu.memory_space<vmem>> -> memref<40xi32, #tpu.memory_space<vmem>>
    %dma_start3A_47 = arith.constant 0 : i32
    %dma_start3A_48 = arith.constant 0 : i32
    %dma_start3A_49 = tpu.memref_slice %arg2[%dma_start3A_47, %dma_start3A_48] : memref<10000x128xf32, #tpu.memory_space<hbm>> -> memref<10000x128xf32, #tpu.memory_space<hbm>>
    tpu.enqueue_indirect_dma source(%dma_start3A_49 : memref<10000x128xf32, #tpu.memory_space<hbm>>) target(%dma_start3A_44 : memref<40x128xf32, #tpu.memory_space<vmem>>) offsets(%dma_start3A_46 : memref<40xi32, #tpu.memory_space<vmem>>) semaphore(%arg15 : memref<!tpu.dma_semaphore, #tpu.memory_space<semaphore_mem>>)
    %mul3A_50 = arith.constant 640 : i32
    %mul3A_51 = arith.muli %arg1, %mul3A_50 : i32
    %mul3A_52 = arith.constant 640 : i32
    %mul3A_53 = arith.muli %arg1, %mul3A_52 : i32
    "tpu.region"() ({
      %run_scoped3A = tpu.sem_alloc : memref<!tpu.dma_semaphore, #tpu.memory_space<semaphore_mem>>
      %dma_start3A_64 = arith.constant 0 : i32
      %dma_start3A_65 = tpu.memref_slice %arg10[%mul3A_53, %dma_start3A_64] : memref<10240x128xf32, #tpu.memory_space<vmem_shared>> -> memref<640x128xf32, #tpu.memory_space<vmem_shared>>
      %dma_start3A_66 = arith.constant 0 : i32
      %dma_start3A_67 = tpu.memref_slice %arg5[%mul3A_51, %dma_start3A_66] : memref<10240x128xf32, #tpu.memory_space<hbm>> -> memref<640x128xf32, #tpu.memory_space<hbm>>
      tpu.enqueue_dma source(%dma_start3A_67 : memref<640x128xf32, #tpu.memory_space<hbm>>) target(%dma_start3A_65 : memref<640x128xf32, #tpu.memory_space<vmem_shared>>) target_semaphore(%run_scoped3A : memref<!tpu.dma_semaphore, #tpu.memory_space<semaphore_mem>>)
      %dma_wait3A = arith.constant 0 : i32
      %dma_wait3A_68 = tpu.memref_slice %arg10[%mul3A_53, %dma_wait3A] : memref<10240x128xf32, #tpu.memory_space<vmem_shared>> -> memref<640x128xf32, #tpu.memory_space<vmem_shared>>
      %dma_wait3A_69 = arith.constant 0 : i32
      %dma_wait3A_70 = tpu.memref_slice %arg5[%mul3A_51, %dma_wait3A_69] : memref<10240x128xf32, #tpu.memory_space<hbm>> -> memref<640x128xf32, #tpu.memory_space<hbm>>
      tpu.wait_dma2 semaphore(%run_scoped3A : memref<!tpu.dma_semaphore, #tpu.memory_space<semaphore_mem>>) src(%dma_wait3A_70 : memref<640x128xf32, #tpu.memory_space<hbm>>) dst(%dma_wait3A_68 : memref<640x128xf32, #tpu.memory_space<vmem_shared>>)
      tpu.yield
    }) : () -> ()
    %barrier3A = arith.constant 0 : index
    tpu.barrier barrier_id(%barrier3A)
    %scan3A = arith.constant 0 : i32
    %scan3A_54 = arith.constant 0 : i32
    %scan3A_55 = arith.constant 50 : i32
    %scan3A_56 = arith.addi %scan3A_54, %scan3A_55 : i32
    %scan3A_57 = arith.constant 1 : i32
    scf.for %scan3A_64 = %scan3A_54 to %scan3A_56 step %scan3A_57  : i32 {
      %mul3A_65 = arith.constant 5 : i32
      %mul3A_66 = arith.muli %mul3A_65, %scan3A_64 : i32
      %add3A_67 = arith.constant 0 : i32
      %add3A_68 = arith.addi %mul3A_66, %add3A_67 : i32
      %mul3A_69 = arith.constant 40 : i32
      %mul3A_70 = arith.muli %add3A_68, %mul3A_69 : i32
      %dma_wait3A = arith.constant 0 : i32
      %dma_wait3A_71 = arith.constant 0 : i32
      %dma_wait3A_72 = arith.constant 0 : i32
      %dma_wait3A_73 = tpu.memref_slice %arg9[%dma_wait3A, %dma_wait3A_71, %dma_wait3A_72] : memref<5x40x128xf32, #tpu.memory_space<vmem>> -> memref<1x40x128xf32, #tpu.memory_space<vmem>>
      %dma_wait3A_74 = tpu.memref_squeeze %dma_wait3A_73 : memref<1x40x128xf32, #tpu.memory_space<vmem>> -> memref<40x128xf32, #tpu.memory_space<vmem>>
      %dma_wait3A_75 = tpu.memref_slice %arg7[%mul3A_70] : memref<10000xi32, #tpu.memory_space<vmem>> -> memref<40xi32, #tpu.memory_space<vmem>>
      %dma_wait3A_76 = arith.constant 0 : i32
      %dma_wait3A_77 = arith.constant 0 : i32
      %dma_wait3A_78 = tpu.memref_slice %arg2[%dma_wait3A_76, %dma_wait3A_77] : memref<10000x128xf32, #tpu.memory_space<hbm>> -> memref<10000x128xf32, #tpu.memory_space<hbm>>
      tpu.wait_indirect_dma semaphore(%arg11 : memref<!tpu.dma_semaphore, #tpu.memory_space<semaphore_mem>>) src(%dma_wait3A_78 : memref<10000x128xf32, #tpu.memory_space<hbm>>) dst(%dma_wait3A_74 : memref<40x128xf32, #tpu.memory_space<vmem>>)
      %add3A_79 = arith.constant 0 : i32
      %add3A_80 = arith.addi %mul3A_66, %add3A_79 : i32
      %mul3A_81 = arith.constant 40 : i32
      %mul3A_82 = arith.muli %add3A_80, %mul3A_81 : i32
      %dma_start3A_83 = arith.constant 0 : i32
      %dma_start3A_84 = arith.constant 0 : i32
      %dma_start3A_85 = arith.constant 0 : i32
      %dma_start3A_86 = tpu.memref_slice %arg9[%dma_start3A_83, %dma_start3A_84, %dma_start3A_85] : memref<5x40x128xf32, #tpu.memory_space<vmem>> -> memref<1x40x128xf32, #tpu.memory_space<vmem>>
      %dma_start3A_87 = tpu.memref_squeeze %dma_start3A_86 : memref<1x40x128xf32, #tpu.memory_space<vmem>> -> memref<40x128xf32, #tpu.memory_space<vmem>>
      %dma_start3A_88 = tpu.memref_slice %arg8[%mul3A_82] : memref<10000xi32, #tpu.memory_space<vmem>> -> memref<40xi32, #tpu.memory_space<vmem>>
      %dma_start3A_89 = arith.constant 0 : i32
      %dma_start3A_90 = arith.constant 0 : i32
      %dma_start3A_91 = tpu.memref_slice %arg10[%dma_start3A_89, %dma_start3A_90] : memref<10240x128xf32, #tpu.memory_space<vmem_shared>> -> memref<10240x128xf32, #tpu.memory_space<vmem_shared>>
      tpu.enqueue_indirect_dma source(%dma_start3A_87 : memref<40x128xf32, #tpu.memory_space<vmem>>) target(%dma_start3A_91 : memref<10240x128xf32, #tpu.memory_space<vmem_shared>>) offsets(%dma_start3A_88 : memref<40xi32, #tpu.memory_space<vmem>>) semaphore(%arg16 : memref<!tpu.dma_semaphore, #tpu.memory_space<semaphore_mem>>) {add = true}
      %add3A_92 = arith.constant 1 : i32
      %add3A_93 = arith.addi %mul3A_66, %add3A_92 : i32
      %mul3A_94 = arith.constant 40 : i32
      %mul3A_95 = arith.muli %add3A_93, %mul3A_94 : i32
      %dma_wait3A_96 = arith.constant 1 : i32
      %dma_wait3A_97 = arith.constant 0 : i32
      %dma_wait3A_98 = arith.constant 0 : i32
      %dma_wait3A_99 = tpu.memref_slice %arg9[%dma_wait3A_96, %dma_wait3A_97, %dma_wait3A_98] : memref<5x40x128xf32, #tpu.memory_space<vmem>> -> memref<1x40x128xf32, #tpu.memory_space<vmem>>
      %dma_wait3A_100 = tpu.memref_squeeze %dma_wait3A_99 : memref<1x40x128xf32, #tpu.memory_space<vmem>> -> memref<40x128xf32, #tpu.memory_space<vmem>>
      %dma_wait3A_101 = tpu.memref_slice %arg7[%mul3A_95] : memref<10000xi32, #tpu.memory_space<vmem>> -> memref<40xi32, #tpu.memory_space<vmem>>
      %dma_wait3A_102 = arith.constant 0 : i32
      %dma_wait3A_103 = arith.constant 0 : i32
      %dma_wait3A_104 = tpu.memref_slice %arg2[%dma_wait3A_102, %dma_wait3A_103] : memref<10000x128xf32, #tpu.memory_space<hbm>> -> memref<10000x128xf32, #tpu.memory_space<hbm>>
      tpu.wait_indirect_dma semaphore(%arg12 : memref<!tpu.dma_semaphore, #tpu.memory_space<semaphore_mem>>) src(%dma_wait3A_104 : memref<10000x128xf32, #tpu.memory_space<hbm>>) dst(%dma_wait3A_100 : memref<40x128xf32, #tpu.memory_space<vmem>>)
      %add3A_105 = arith.constant 1 : i32
      %add3A_106 = arith.addi %mul3A_66, %add3A_105 : i32
      %mul3A_107 = arith.constant 40 : i32
      %mul3A_108 = arith.muli %add3A_106, %mul3A_107 : i32
      %dma_start3A_109 = arith.constant 1 : i32
      %dma_start3A_110 = arith.constant 0 : i32
      %dma_start3A_111 = arith.constant 0 : i32
      %dma_start3A_112 = tpu.memref_slice %arg9[%dma_start3A_109, %dma_start3A_110, %dma_start3A_111] : memref<5x40x128xf32, #tpu.memory_space<vmem>> -> memref<1x40x128xf32, #tpu.memory_space<vmem>>
      %dma_start3A_113 = tpu.memref_squeeze %dma_start3A_112 : memref<1x40x128xf32, #tpu.memory_space<vmem>> -> memref<40x128xf32, #tpu.memory_space<vmem>>
      %dma_start3A_114 = tpu.memref_slice %arg8[%mul3A_108] : memref<10000xi32, #tpu.memory_space<vmem>> -> memref<40xi32, #tpu.memory_space<vmem>>
      %dma_start3A_115 = arith.constant 0 : i32
      %dma_start3A_116 = arith.constant 0 : i32
      %dma_start3A_117 = tpu.memref_slice %arg10[%dma_start3A_115, %dma_start3A_116] : memref<10240x128xf32, #tpu.memory_space<vmem_shared>> -> memref<10240x128xf32, #tpu.memory_space<vmem_shared>>
      tpu.enqueue_indirect_dma source(%dma_start3A_113 : memref<40x128xf32, #tpu.memory_space<vmem>>) target(%dma_start3A_117 : memref<10240x128xf32, #tpu.memory_space<vmem_shared>>) offsets(%dma_start3A_114 : memref<40xi32, #tpu.memory_space<vmem>>) semaphore(%arg17 : memref<!tpu.dma_semaphore, #tpu.memory_space<semaphore_mem>>) {add = true}
      %add3A_118 = arith.constant 2 : i32
      %add3A_119 = arith.addi %mul3A_66, %add3A_118 : i32
      %mul3A_120 = arith.constant 40 : i32
      %mul3A_121 = arith.muli %add3A_119, %mul3A_120 : i32
      %dma_wait3A_122 = arith.constant 2 : i32
      %dma_wait3A_123 = arith.constant 0 : i32
      %dma_wait3A_124 = arith.constant 0 : i32
      %dma_wait3A_125 = tpu.memref_slice %arg9[%dma_wait3A_122, %dma_wait3A_123, %dma_wait3A_124] : memref<5x40x128xf32, #tpu.memory_space<vmem>> -> memref<1x40x128xf32, #tpu.memory_space<vmem>>
      %dma_wait3A_126 = tpu.memref_squeeze %dma_wait3A_125 : memref<1x40x128xf32, #tpu.memory_space<vmem>> -> memref<40x128xf32, #tpu.memory_space<vmem>>
      %dma_wait3A_127 = tpu.memref_slice %arg7[%mul3A_121] : memref<10000xi32, #tpu.memory_space<vmem>> -> memref<40xi32, #tpu.memory_space<vmem>>
      %dma_wait3A_128 = arith.constant 0 : i32
      %dma_wait3A_129 = arith.constant 0 : i32
      %dma_wait3A_130 = tpu.memref_slice %arg2[%dma_wait3A_128, %dma_wait3A_129] : memref<10000x128xf32, #tpu.memory_space<hbm>> -> memref<10000x128xf32, #tpu.memory_space<hbm>>
      tpu.wait_indirect_dma semaphore(%arg13 : memref<!tpu.dma_semaphore, #tpu.memory_space<semaphore_mem>>) src(%dma_wait3A_130 : memref<10000x128xf32, #tpu.memory_space<hbm>>) dst(%dma_wait3A_126 : memref<40x128xf32, #tpu.memory_space<vmem>>)
      %add3A_131 = arith.constant 2 : i32
      %add3A_132 = arith.addi %mul3A_66, %add3A_131 : i32
      %mul3A_133 = arith.constant 40 : i32
      %mul3A_134 = arith.muli %add3A_132, %mul3A_133 : i32
      %dma_start3A_135 = arith.constant 2 : i32
      %dma_start3A_136 = arith.constant 0 : i32
      %dma_start3A_137 = arith.constant 0 : i32
      %dma_start3A_138 = tpu.memref_slice %arg9[%dma_start3A_135, %dma_start3A_136, %dma_start3A_137] : memref<5x40x128xf32, #tpu.memory_space<vmem>> -> memref<1x40x128xf32, #tpu.memory_space<vmem>>
      %dma_start3A_139 = tpu.memref_squeeze %dma_start3A_138 : memref<1x40x128xf32, #tpu.memory_space<vmem>> -> memref<40x128xf32, #tpu.memory_space<vmem>>
      %dma_start3A_140 = tpu.memref_slice %arg8[%mul3A_134] : memref<10000xi32, #tpu.memory_space<vmem>> -> memref<40xi32, #tpu.memory_space<vmem>>
      %dma_start3A_141 = arith.constant 0 : i32
      %dma_start3A_142 = arith.constant 0 : i32
      %dma_start3A_143 = tpu.memref_slice %arg10[%dma_start3A_141, %dma_start3A_142] : memref<10240x128xf32, #tpu.memory_space<vmem_shared>> -> memref<10240x128xf32, #tpu.memory_space<vmem_shared>>
      tpu.enqueue_indirect_dma source(%dma_start3A_139 : memref<40x128xf32, #tpu.memory_space<vmem>>) target(%dma_start3A_143 : memref<10240x128xf32, #tpu.memory_space<vmem_shared>>) offsets(%dma_start3A_140 : memref<40xi32, #tpu.memory_space<vmem>>) semaphore(%arg18 : memref<!tpu.dma_semaphore, #tpu.memory_space<semaphore_mem>>) {add = true}
      %add3A_144 = arith.constant 3 : i32
      %add3A_145 = arith.addi %mul3A_66, %add3A_144 : i32
      %mul3A_146 = arith.constant 40 : i32
      %mul3A_147 = arith.muli %add3A_145, %mul3A_146 : i32
      %dma_wait3A_148 = arith.constant 3 : i32
      %dma_wait3A_149 = arith.constant 0 : i32
      %dma_wait3A_150 = arith.constant 0 : i32
      %dma_wait3A_151 = tpu.memref_slice %arg9[%dma_wait3A_148, %dma_wait3A_149, %dma_wait3A_150] : memref<5x40x128xf32, #tpu.memory_space<vmem>> -> memref<1x40x128xf32, #tpu.memory_space<vmem>>
      %dma_wait3A_152 = tpu.memref_squeeze %dma_wait3A_151 : memref<1x40x128xf32, #tpu.memory_space<vmem>> -> memref<40x128xf32, #tpu.memory_space<vmem>>
      %dma_wait3A_153 = tpu.memref_slice %arg7[%mul3A_147] : memref<10000xi32, #tpu.memory_space<vmem>> -> memref<40xi32, #tpu.memory_space<vmem>>
      %dma_wait3A_154 = arith.constant 0 : i32
      %dma_wait3A_155 = arith.constant 0 : i32
      %dma_wait3A_156 = tpu.memref_slice %arg2[%dma_wait3A_154, %dma_wait3A_155] : memref<10000x128xf32, #tpu.memory_space<hbm>> -> memref<10000x128xf32, #tpu.memory_space<hbm>>
      tpu.wait_indirect_dma semaphore(%arg14 : memref<!tpu.dma_semaphore, #tpu.memory_space<semaphore_mem>>) src(%dma_wait3A_156 : memref<10000x128xf32, #tpu.memory_space<hbm>>) dst(%dma_wait3A_152 : memref<40x128xf32, #tpu.memory_space<vmem>>)
      %add3A_157 = arith.constant 3 : i32
      %add3A_158 = arith.addi %mul3A_66, %add3A_157 : i32
      %mul3A_159 = arith.constant 40 : i32
      %mul3A_160 = arith.muli %add3A_158, %mul3A_159 : i32
      %dma_start3A_161 = arith.constant 3 : i32
      %dma_start3A_162 = arith.constant 0 : i32
      %dma_start3A_163 = arith.constant 0 : i32
      %dma_start3A_164 = tpu.memref_slice %arg9[%dma_start3A_161, %dma_start3A_162, %dma_start3A_163] : memref<5x40x128xf32, #tpu.memory_space<vmem>> -> memref<1x40x128xf32, #tpu.memory_space<vmem>>
      %dma_start3A_165 = tpu.memref_squeeze %dma_start3A_164 : memref<1x40x128xf32, #tpu.memory_space<vmem>> -> memref<40x128xf32, #tpu.memory_space<vmem>>
      %dma_start3A_166 = tpu.memref_slice %arg8[%mul3A_160] : memref<10000xi32, #tpu.memory_space<vmem>> -> memref<40xi32, #tpu.memory_space<vmem>>
      %dma_start3A_167 = arith.constant 0 : i32
      %dma_start3A_168 = arith.constant 0 : i32
      %dma_start3A_169 = tpu.memref_slice %arg10[%dma_start3A_167, %dma_start3A_168] : memref<10240x128xf32, #tpu.memory_space<vmem_shared>> -> memref<10240x128xf32, #tpu.memory_space<vmem_shared>>
      tpu.enqueue_indirect_dma source(%dma_start3A_165 : memref<40x128xf32, #tpu.memory_space<vmem>>) target(%dma_start3A_169 : memref<10240x128xf32, #tpu.memory_space<vmem_shared>>) offsets(%dma_start3A_166 : memref<40xi32, #tpu.memory_space<vmem>>) semaphore(%arg19 : memref<!tpu.dma_semaphore, #tpu.memory_space<semaphore_mem>>) {add = true}
      %add3A_170 = arith.constant 4 : i32
      %add3A_171 = arith.addi %mul3A_66, %add3A_170 : i32
      %mul3A_172 = arith.constant 40 : i32
      %mul3A_173 = arith.muli %add3A_171, %mul3A_172 : i32
      %dma_wait3A_174 = arith.constant 4 : i32
      %dma_wait3A_175 = arith.constant 0 : i32
      %dma_wait3A_176 = arith.constant 0 : i32
      %dma_wait3A_177 = tpu.memref_slice %arg9[%dma_wait3A_174, %dma_wait3A_175, %dma_wait3A_176] : memref<5x40x128xf32, #tpu.memory_space<vmem>> -> memref<1x40x128xf32, #tpu.memory_space<vmem>>
      %dma_wait3A_178 = tpu.memref_squeeze %dma_wait3A_177 : memref<1x40x128xf32, #tpu.memory_space<vmem>> -> memref<40x128xf32, #tpu.memory_space<vmem>>
      %dma_wait3A_179 = tpu.memref_slice %arg7[%mul3A_173] : memref<10000xi32, #tpu.memory_space<vmem>> -> memref<40xi32, #tpu.memory_space<vmem>>
      %dma_wait3A_180 = arith.constant 0 : i32
      %dma_wait3A_181 = arith.constant 0 : i32
      %dma_wait3A_182 = tpu.memref_slice %arg2[%dma_wait3A_180, %dma_wait3A_181] : memref<10000x128xf32, #tpu.memory_space<hbm>> -> memref<10000x128xf32, #tpu.memory_space<hbm>>
      tpu.wait_indirect_dma semaphore(%arg15 : memref<!tpu.dma_semaphore, #tpu.memory_space<semaphore_mem>>) src(%dma_wait3A_182 : memref<10000x128xf32, #tpu.memory_space<hbm>>) dst(%dma_wait3A_178 : memref<40x128xf32, #tpu.memory_space<vmem>>)
      %add3A_183 = arith.constant 4 : i32
      %add3A_184 = arith.addi %mul3A_66, %add3A_183 : i32
      %mul3A_185 = arith.constant 40 : i32
      %mul3A_186 = arith.muli %add3A_184, %mul3A_185 : i32
      %dma_start3A_187 = arith.constant 4 : i32
      %dma_start3A_188 = arith.constant 0 : i32
      %dma_start3A_189 = arith.constant 0 : i32
      %dma_start3A_190 = tpu.memref_slice %arg9[%dma_start3A_187, %dma_start3A_188, %dma_start3A_189] : memref<5x40x128xf32, #tpu.memory_space<vmem>> -> memref<1x40x128xf32, #tpu.memory_space<vmem>>
      %dma_start3A_191 = tpu.memref_squeeze %dma_start3A_190 : memref<1x40x128xf32, #tpu.memory_space<vmem>> -> memref<40x128xf32, #tpu.memory_space<vmem>>
      %dma_start3A_192 = tpu.memref_slice %arg8[%mul3A_186] : memref<10000xi32, #tpu.memory_space<vmem>> -> memref<40xi32, #tpu.memory_space<vmem>>
      %dma_start3A_193 = arith.constant 0 : i32
      %dma_start3A_194 = arith.constant 0 : i32
      %dma_start3A_195 = tpu.memref_slice %arg10[%dma_start3A_193, %dma_start3A_194] : memref<10240x128xf32, #tpu.memory_space<vmem_shared>> -> memref<10240x128xf32, #tpu.memory_space<vmem_shared>>
      tpu.enqueue_indirect_dma source(%dma_start3A_191 : memref<40x128xf32, #tpu.memory_space<vmem>>) target(%dma_start3A_195 : memref<10240x128xf32, #tpu.memory_space<vmem_shared>>) offsets(%dma_start3A_192 : memref<40xi32, #tpu.memory_space<vmem>>) semaphore(%arg20 : memref<!tpu.dma_semaphore, #tpu.memory_space<semaphore_mem>>) {add = true}
      %add3A_196 = arith.constant 0 : i32
      %add3A_197 = arith.addi %mul3A_66, %add3A_196 : i32
      %add3A_198 = arith.constant 5 : i32
      %add3A_199 = arith.addi %add3A_197, %add3A_198 : i32
      %add3A_200 = arith.constant 0 : i32
      %add3A_201 = arith.addi %mul3A_66, %add3A_200 : i32
      %mul3A_202 = arith.constant 40 : i32
      %mul3A_203 = arith.muli %add3A_201, %mul3A_202 : i32
      %dma_wait3A_204 = arith.constant 0 : i32
      %dma_wait3A_205 = arith.constant 0 : i32
      %dma_wait3A_206 = arith.constant 0 : i32
      %dma_wait3A_207 = tpu.memref_slice %arg9[%dma_wait3A_204, %dma_wait3A_205, %dma_wait3A_206] : memref<5x40x128xf32, #tpu.memory_space<vmem>> -> memref<1x40x128xf32, #tpu.memory_space<vmem>>
      %dma_wait3A_208 = tpu.memref_squeeze %dma_wait3A_207 : memref<1x40x128xf32, #tpu.memory_space<vmem>> -> memref<40x128xf32, #tpu.memory_space<vmem>>
      %dma_wait3A_209 = tpu.memref_slice %arg8[%mul3A_203] : memref<10000xi32, #tpu.memory_space<vmem>> -> memref<40xi32, #tpu.memory_space<vmem>>
      %dma_wait3A_210 = arith.constant 0 : i32
      %dma_wait3A_211 = arith.constant 0 : i32
      %dma_wait3A_212 = tpu.memref_slice %arg10[%dma_wait3A_210, %dma_wait3A_211] : memref<10240x128xf32, #tpu.memory_space<vmem_shared>> -> memref<10240x128xf32, #tpu.memory_space<vmem_shared>>
      tpu.wait_indirect_dma semaphore(%arg16 : memref<!tpu.dma_semaphore, #tpu.memory_space<semaphore_mem>>) src(%dma_wait3A_208 : memref<40x128xf32, #tpu.memory_space<vmem>>) dst(%dma_wait3A_212 : memref<10240x128xf32, #tpu.memory_space<vmem_shared>>)
      %lt3A = arith.constant 250 : i32
      %lt3A_213 = arith.cmpi slt, %add3A_199, %lt3A : i32
      %convert_element_type3A = arith.extui %lt3A_213 : i1 to i32
      %cond3A = arith.constant 0 : i32
      %cond3A_214 = arith.cmpi ne, %convert_element_type3A, %cond3A : i32
      scf.if %cond3A_214 {
        %mul3A_303 = arith.constant 40 : i32
        %mul3A_304 = arith.muli %add3A_199, %mul3A_303 : i32
        %dma_start3A_305 = arith.constant 0 : i32
        %dma_start3A_306 = arith.constant 0 : i32
        %dma_start3A_307 = arith.constant 0 : i32
        %dma_start3A_308 = tpu.memref_slice %arg9[%dma_start3A_305, %dma_start3A_306, %dma_start3A_307] : memref<5x40x128xf32, #tpu.memory_space<vmem>> -> memref<1x40x128xf32, #tpu.memory_space<vmem>>
        %dma_start3A_309 = tpu.memref_squeeze %dma_start3A_308 : memref<1x40x128xf32, #tpu.memory_space<vmem>> -> memref<40x128xf32, #tpu.memory_space<vmem>>
        %dma_start3A_310 = tpu.memref_slice %arg7[%mul3A_304] : memref<10000xi32, #tpu.memory_space<vmem>> -> memref<40xi32, #tpu.memory_space<vmem>>
        %dma_start3A_311 = arith.constant 0 : i32
        %dma_start3A_312 = arith.constant 0 : i32
        %dma_start3A_313 = tpu.memref_slice %arg2[%dma_start3A_311, %dma_start3A_312] : memref<10000x128xf32, #tpu.memory_space<hbm>> -> memref<10000x128xf32, #tpu.memory_space<hbm>>
        tpu.enqueue_indirect_dma source(%dma_start3A_313 : memref<10000x128xf32, #tpu.memory_space<hbm>>) target(%dma_start3A_309 : memref<40x128xf32, #tpu.memory_space<vmem>>) offsets(%dma_start3A_310 : memref<40xi32, #tpu.memory_space<vmem>>) semaphore(%arg11 : memref<!tpu.dma_semaphore, #tpu.memory_space<semaphore_mem>>)
      } else {
      }
      %add3A_215 = arith.constant 1 : i32
      %add3A_216 = arith.addi %mul3A_66, %add3A_215 : i32
      %add3A_217 = arith.constant 5 : i32
      %add3A_218 = arith.addi %add3A_216, %add3A_217 : i32
      %add3A_219 = arith.constant 1 : i32
      %add3A_220 = arith.addi %mul3A_66, %add3A_219 : i32
      %mul3A_221 = arith.constant 40 : i32
      %mul3A_222 = arith.muli %add3A_220, %mul3A_221 : i32
      %dma_wait3A_223 = arith.constant 1 : i32
      %dma_wait3A_224 = arith.constant 0 : i32
      %dma_wait3A_225 = arith.constant 0 : i32
      %dma_wait3A_226 = tpu.memref_slice %arg9[%dma_wait3A_223, %dma_wait3A_224, %dma_wait3A_225] : memref<5x40x128xf32, #tpu.memory_space<vmem>> -> memref<1x40x128xf32, #tpu.memory_space<vmem>>
      %dma_wait3A_227 = tpu.memref_squeeze %dma_wait3A_226 : memref<1x40x128xf32, #tpu.memory_space<vmem>> -> memref<40x128xf32, #tpu.memory_space<vmem>>
      %dma_wait3A_228 = tpu.memref_slice %arg8[%mul3A_222] : memref<10000xi32, #tpu.memory_space<vmem>> -> memref<40xi32, #tpu.memory_space<vmem>>
      %dma_wait3A_229 = arith.constant 0 : i32
      %dma_wait3A_230 = arith.constant 0 : i32
      %dma_wait3A_231 = tpu.memref_slice %arg10[%dma_wait3A_229, %dma_wait3A_230] : memref<10240x128xf32, #tpu.memory_space<vmem_shared>> -> memref<10240x128xf32, #tpu.memory_space<vmem_shared>>
      tpu.wait_indirect_dma semaphore(%arg17 : memref<!tpu.dma_semaphore, #tpu.memory_space<semaphore_mem>>) src(%dma_wait3A_227 : memref<40x128xf32, #tpu.memory_space<vmem>>) dst(%dma_wait3A_231 : memref<10240x128xf32, #tpu.memory_space<vmem_shared>>)
      %lt3A_232 = arith.constant 250 : i32
      %lt3A_233 = arith.cmpi slt, %add3A_218, %lt3A_232 : i32
      %convert_element_type3A_234 = arith.extui %lt3A_233 : i1 to i32
      %cond3A_235 = arith.constant 0 : i32
      %cond3A_236 = arith.cmpi ne, %convert_element_type3A_234, %cond3A_235 : i32
      scf.if %cond3A_236 {
        %mul3A_303 = arith.constant 40 : i32
        %mul3A_304 = arith.muli %add3A_218, %mul3A_303 : i32
        %dma_start3A_305 = arith.constant 1 : i32
        %dma_start3A_306 = arith.constant 0 : i32
        %dma_start3A_307 = arith.constant 0 : i32
        %dma_start3A_308 = tpu.memref_slice %arg9[%dma_start3A_305, %dma_start3A_306, %dma_start3A_307] : memref<5x40x128xf32, #tpu.memory_space<vmem>> -> memref<1x40x128xf32, #tpu.memory_space<vmem>>
        %dma_start3A_309 = tpu.memref_squeeze %dma_start3A_308 : memref<1x40x128xf32, #tpu.memory_space<vmem>> -> memref<40x128xf32, #tpu.memory_space<vmem>>
        %dma_start3A_310 = tpu.memref_slice %arg7[%mul3A_304] : memref<10000xi32, #tpu.memory_space<vmem>> -> memref<40xi32, #tpu.memory_space<vmem>>
        %dma_start3A_311 = arith.constant 0 : i32
        %dma_start3A_312 = arith.constant 0 : i32
        %dma_start3A_313 = tpu.memref_slice %arg2[%dma_start3A_311, %dma_start3A_312] : memref<10000x128xf32, #tpu.memory_space<hbm>> -> memref<10000x128xf32, #tpu.memory_space<hbm>>
        tpu.enqueue_indirect_dma source(%dma_start3A_313 : memref<10000x128xf32, #tpu.memory_space<hbm>>) target(%dma_start3A_309 : memref<40x128xf32, #tpu.memory_space<vmem>>) offsets(%dma_start3A_310 : memref<40xi32, #tpu.memory_space<vmem>>) semaphore(%arg12 : memref<!tpu.dma_semaphore, #tpu.memory_space<semaphore_mem>>)
      } else {
      }
      %add3A_237 = arith.constant 2 : i32
      %add3A_238 = arith.addi %mul3A_66, %add3A_237 : i32
      %add3A_239 = arith.constant 5 : i32
      %add3A_240 = arith.addi %add3A_238, %add3A_239 : i32
      %add3A_241 = arith.constant 2 : i32
      %add3A_242 = arith.addi %mul3A_66, %add3A_241 : i32
      %mul3A_243 = arith.constant 40 : i32
      %mul3A_244 = arith.muli %add3A_242, %mul3A_243 : i32
      %dma_wait3A_245 = arith.constant 2 : i32
      %dma_wait3A_246 = arith.constant 0 : i32
      %dma_wait3A_247 = arith.constant 0 : i32
      %dma_wait3A_248 = tpu.memref_slice %arg9[%dma_wait3A_245, %dma_wait3A_246, %dma_wait3A_247] : memref<5x40x128xf32, #tpu.memory_space<vmem>> -> memref<1x40x128xf32, #tpu.memory_space<vmem>>
      %dma_wait3A_249 = tpu.memref_squeeze %dma_wait3A_248 : memref<1x40x128xf32, #tpu.memory_space<vmem>> -> memref<40x128xf32, #tpu.memory_space<vmem>>
      %dma_wait3A_250 = tpu.memref_slice %arg8[%mul3A_244] : memref<10000xi32, #tpu.memory_space<vmem>> -> memref<40xi32, #tpu.memory_space<vmem>>
      %dma_wait3A_251 = arith.constant 0 : i32
      %dma_wait3A_252 = arith.constant 0 : i32
      %dma_wait3A_253 = tpu.memref_slice %arg10[%dma_wait3A_251, %dma_wait3A_252] : memref<10240x128xf32, #tpu.memory_space<vmem_shared>> -> memref<10240x128xf32, #tpu.memory_space<vmem_shared>>
      tpu.wait_indirect_dma semaphore(%arg18 : memref<!tpu.dma_semaphore, #tpu.memory_space<semaphore_mem>>) src(%dma_wait3A_249 : memref<40x128xf32, #tpu.memory_space<vmem>>) dst(%dma_wait3A_253 : memref<10240x128xf32, #tpu.memory_space<vmem_shared>>)
      %lt3A_254 = arith.constant 250 : i32
      %lt3A_255 = arith.cmpi slt, %add3A_240, %lt3A_254 : i32
      %convert_element_type3A_256 = arith.extui %lt3A_255 : i1 to i32
      %cond3A_257 = arith.constant 0 : i32
      %cond3A_258 = arith.cmpi ne, %convert_element_type3A_256, %cond3A_257 : i32
      scf.if %cond3A_258 {
        %mul3A_303 = arith.constant 40 : i32
        %mul3A_304 = arith.muli %add3A_240, %mul3A_303 : i32
        %dma_start3A_305 = arith.constant 2 : i32
        %dma_start3A_306 = arith.constant 0 : i32
        %dma_start3A_307 = arith.constant 0 : i32
        %dma_start3A_308 = tpu.memref_slice %arg9[%dma_start3A_305, %dma_start3A_306, %dma_start3A_307] : memref<5x40x128xf32, #tpu.memory_space<vmem>> -> memref<1x40x128xf32, #tpu.memory_space<vmem>>
        %dma_start3A_309 = tpu.memref_squeeze %dma_start3A_308 : memref<1x40x128xf32, #tpu.memory_space<vmem>> -> memref<40x128xf32, #tpu.memory_space<vmem>>
        %dma_start3A_310 = tpu.memref_slice %arg7[%mul3A_304] : memref<10000xi32, #tpu.memory_space<vmem>> -> memref<40xi32, #tpu.memory_space<vmem>>
        %dma_start3A_311 = arith.constant 0 : i32
        %dma_start3A_312 = arith.constant 0 : i32
        %dma_start3A_313 = tpu.memref_slice %arg2[%dma_start3A_311, %dma_start3A_312] : memref<10000x128xf32, #tpu.memory_space<hbm>> -> memref<10000x128xf32, #tpu.memory_space<hbm>>
        tpu.enqueue_indirect_dma source(%dma_start3A_313 : memref<10000x128xf32, #tpu.memory_space<hbm>>) target(%dma_start3A_309 : memref<40x128xf32, #tpu.memory_space<vmem>>) offsets(%dma_start3A_310 : memref<40xi32, #tpu.memory_space<vmem>>) semaphore(%arg13 : memref<!tpu.dma_semaphore, #tpu.memory_space<semaphore_mem>>)
      } else {
      }
      %add3A_259 = arith.constant 3 : i32
      %add3A_260 = arith.addi %mul3A_66, %add3A_259 : i32
      %add3A_261 = arith.constant 5 : i32
      %add3A_262 = arith.addi %add3A_260, %add3A_261 : i32
      %add3A_263 = arith.constant 3 : i32
      %add3A_264 = arith.addi %mul3A_66, %add3A_263 : i32
      %mul3A_265 = arith.constant 40 : i32
      %mul3A_266 = arith.muli %add3A_264, %mul3A_265 : i32
      %dma_wait3A_267 = arith.constant 3 : i32
      %dma_wait3A_268 = arith.constant 0 : i32
      %dma_wait3A_269 = arith.constant 0 : i32
      %dma_wait3A_270 = tpu.memref_slice %arg9[%dma_wait3A_267, %dma_wait3A_268, %dma_wait3A_269] : memref<5x40x128xf32, #tpu.memory_space<vmem>> -> memref<1x40x128xf32, #tpu.memory_space<vmem>>
      %dma_wait3A_271 = tpu.memref_squeeze %dma_wait3A_270 : memref<1x40x128xf32, #tpu.memory_space<vmem>> -> memref<40x128xf32, #tpu.memory_space<vmem>>
      %dma_wait3A_272 = tpu.memref_slice %arg8[%mul3A_266] : memref<10000xi32, #tpu.memory_space<vmem>> -> memref<40xi32, #tpu.memory_space<vmem>>
      %dma_wait3A_273 = arith.constant 0 : i32
      %dma_wait3A_274 = arith.constant 0 : i32
      %dma_wait3A_275 = tpu.memref_slice %arg10[%dma_wait3A_273, %dma_wait3A_274] : memref<10240x128xf32, #tpu.memory_space<vmem_shared>> -> memref<10240x128xf32, #tpu.memory_space<vmem_shared>>
      tpu.wait_indirect_dma semaphore(%arg19 : memref<!tpu.dma_semaphore, #tpu.memory_space<semaphore_mem>>) src(%dma_wait3A_271 : memref<40x128xf32, #tpu.memory_space<vmem>>) dst(%dma_wait3A_275 : memref<10240x128xf32, #tpu.memory_space<vmem_shared>>)
      %lt3A_276 = arith.constant 250 : i32
      %lt3A_277 = arith.cmpi slt, %add3A_262, %lt3A_276 : i32
      %convert_element_type3A_278 = arith.extui %lt3A_277 : i1 to i32
      %cond3A_279 = arith.constant 0 : i32
      %cond3A_280 = arith.cmpi ne, %convert_element_type3A_278, %cond3A_279 : i32
      scf.if %cond3A_280 {
        %mul3A_303 = arith.constant 40 : i32
        %mul3A_304 = arith.muli %add3A_262, %mul3A_303 : i32
        %dma_start3A_305 = arith.constant 3 : i32
        %dma_start3A_306 = arith.constant 0 : i32
        %dma_start3A_307 = arith.constant 0 : i32
        %dma_start3A_308 = tpu.memref_slice %arg9[%dma_start3A_305, %dma_start3A_306, %dma_start3A_307] : memref<5x40x128xf32, #tpu.memory_space<vmem>> -> memref<1x40x128xf32, #tpu.memory_space<vmem>>
        %dma_start3A_309 = tpu.memref_squeeze %dma_start3A_308 : memref<1x40x128xf32, #tpu.memory_space<vmem>> -> memref<40x128xf32, #tpu.memory_space<vmem>>
        %dma_start3A_310 = tpu.memref_slice %arg7[%mul3A_304] : memref<10000xi32, #tpu.memory_space<vmem>> -> memref<40xi32, #tpu.memory_space<vmem>>
        %dma_start3A_311 = arith.constant 0 : i32
        %dma_start3A_312 = arith.constant 0 : i32
        %dma_start3A_313 = tpu.memref_slice %arg2[%dma_start3A_311, %dma_start3A_312] : memref<10000x128xf32, #tpu.memory_space<hbm>> -> memref<10000x128xf32, #tpu.memory_space<hbm>>
        tpu.enqueue_indirect_dma source(%dma_start3A_313 : memref<10000x128xf32, #tpu.memory_space<hbm>>) target(%dma_start3A_309 : memref<40x128xf32, #tpu.memory_space<vmem>>) offsets(%dma_start3A_310 : memref<40xi32, #tpu.memory_space<vmem>>) semaphore(%arg14 : memref<!tpu.dma_semaphore, #tpu.memory_space<semaphore_mem>>)
      } else {
      }
      %add3A_281 = arith.constant 4 : i32
      %add3A_282 = arith.addi %mul3A_66, %add3A_281 : i32
      %add3A_283 = arith.constant 5 : i32
      %add3A_284 = arith.addi %add3A_282, %add3A_283 : i32
      %add3A_285 = arith.constant 4 : i32
      %add3A_286 = arith.addi %mul3A_66, %add3A_285 : i32
      %mul3A_287 = arith.constant 40 : i32
      %mul3A_288 = arith.muli %add3A_286, %mul3A_287 : i32
      %dma_wait3A_289 = arith.constant 4 : i32
      %dma_wait3A_290 = arith.constant 0 : i32
      %dma_wait3A_291 = arith.constant 0 : i32
      %dma_wait3A_292 = tpu.memref_slice %arg9[%dma_wait3A_289, %dma_wait3A_290, %dma_wait3A_291] : memref<5x40x128xf32, #tpu.memory_space<vmem>> -> memref<1x40x128xf32, #tpu.memory_space<vmem>>
      %dma_wait3A_293 = tpu.memref_squeeze %dma_wait3A_292 : memref<1x40x128xf32, #tpu.memory_space<vmem>> -> memref<40x128xf32, #tpu.memory_space<vmem>>
      %dma_wait3A_294 = tpu.memref_slice %arg8[%mul3A_288] : memref<10000xi32, #tpu.memory_space<vmem>> -> memref<40xi32, #tpu.memory_space<vmem>>
      %dma_wait3A_295 = arith.constant 0 : i32
      %dma_wait3A_296 = arith.constant 0 : i32
      %dma_wait3A_297 = tpu.memref_slice %arg10[%dma_wait3A_295, %dma_wait3A_296] : memref<10240x128xf32, #tpu.memory_space<vmem_shared>> -> memref<10240x128xf32, #tpu.memory_space<vmem_shared>>
      tpu.wait_indirect_dma semaphore(%arg20 : memref<!tpu.dma_semaphore, #tpu.memory_space<semaphore_mem>>) src(%dma_wait3A_293 : memref<40x128xf32, #tpu.memory_space<vmem>>) dst(%dma_wait3A_297 : memref<10240x128xf32, #tpu.memory_space<vmem_shared>>)
      %lt3A_298 = arith.constant 250 : i32
      %lt3A_299 = arith.cmpi slt, %add3A_284, %lt3A_298 : i32
      %convert_element_type3A_300 = arith.extui %lt3A_299 : i1 to i32
      %cond3A_301 = arith.constant 0 : i32
      %cond3A_302 = arith.cmpi ne, %convert_element_type3A_300, %cond3A_301 : i32
      scf.if %cond3A_302 {
        %mul3A_303 = arith.constant 40 : i32
        %mul3A_304 = arith.muli %add3A_284, %mul3A_303 : i32
        %dma_start3A_305 = arith.constant 4 : i32
        %dma_start3A_306 = arith.constant 0 : i32
        %dma_start3A_307 = arith.constant 0 : i32
        %dma_start3A_308 = tpu.memref_slice %arg9[%dma_start3A_305, %dma_start3A_306, %dma_start3A_307] : memref<5x40x128xf32, #tpu.memory_space<vmem>> -> memref<1x40x128xf32, #tpu.memory_space<vmem>>
        %dma_start3A_309 = tpu.memref_squeeze %dma_start3A_308 : memref<1x40x128xf32, #tpu.memory_space<vmem>> -> memref<40x128xf32, #tpu.memory_space<vmem>>
        %dma_start3A_310 = tpu.memref_slice %arg7[%mul3A_304] : memref<10000xi32, #tpu.memory_space<vmem>> -> memref<40xi32, #tpu.memory_space<vmem>>
        %dma_start3A_311 = arith.constant 0 : i32
        %dma_start3A_312 = arith.constant 0 : i32
        %dma_start3A_313 = tpu.memref_slice %arg2[%dma_start3A_311, %dma_start3A_312] : memref<10000x128xf32, #tpu.memory_space<hbm>> -> memref<10000x128xf32, #tpu.memory_space<hbm>>
        tpu.enqueue_indirect_dma source(%dma_start3A_313 : memref<10000x128xf32, #tpu.memory_space<hbm>>) target(%dma_start3A_309 : memref<40x128xf32, #tpu.memory_space<vmem>>) offsets(%dma_start3A_310 : memref<40xi32, #tpu.memory_space<vmem>>) semaphore(%arg15 : memref<!tpu.dma_semaphore, #tpu.memory_space<semaphore_mem>>)
      } else {
      }
    }
    %scan3A_58 = arith.constant 50 : i32
    %barrier3A_59 = arith.constant 0 : index
    tpu.barrier barrier_id(%barrier3A_59)
    %mul3A_60 = arith.constant 640 : i32
    %mul3A_61 = arith.muli %arg1, %mul3A_60 : i32
    %mul3A_62 = arith.constant 640 : i32
    %mul3A_63 = arith.muli %arg1, %mul3A_62 : i32
    "tpu.region"() ({
      %run_scoped3A = tpu.sem_alloc : memref<!tpu.dma_semaphore, #tpu.memory_space<semaphore_mem>>
      %dma_start3A_64 = arith.constant 0 : i32
      %dma_start3A_65 = tpu.memref_slice %arg6[%arg0, %mul3A_63, %dma_start3A_64] : memref<2x10240x128xf32, #tpu.memory_space<hbm>> -> memref<1x640x128xf32, #tpu.memory_space<hbm>>
      %dma_start3A_66 = tpu.memref_squeeze %dma_start3A_65 : memref<1x640x128xf32, #tpu.memory_space<hbm>> -> memref<640x128xf32, #tpu.memory_space<hbm>>
      %dma_start3A_67 = arith.constant 0 : i32
      %dma_start3A_68 = tpu.memref_slice %arg10[%mul3A_61, %dma_start3A_67] : memref<10240x128xf32, #tpu.memory_space<vmem_shared>> -> memref<640x128xf32, #tpu.memory_space<vmem_shared>>
      tpu.enqueue_dma source(%dma_start3A_68 : memref<640x128xf32, #tpu.memory_space<vmem_shared>>) target(%dma_start3A_66 : memref<640x128xf32, #tpu.memory_space<hbm>>) target_semaphore(%run_scoped3A : memref<!tpu.dma_semaphore, #tpu.memory_space<semaphore_mem>>)
      %dma_wait3A = arith.constant 0 : i32
      %dma_wait3A_69 = tpu.memref_slice %arg6[%arg0, %mul3A_63, %dma_wait3A] : memref<2x10240x128xf32, #tpu.memory_space<hbm>> -> memref<1x640x128xf32, #tpu.memory_space<hbm>>
      %dma_wait3A_70 = tpu.memref_squeeze %dma_wait3A_69 : memref<1x640x128xf32, #tpu.memory_space<hbm>> -> memref<640x128xf32, #tpu.memory_space<hbm>>
      %dma_wait3A_71 = arith.constant 0 : i32
      %dma_wait3A_72 = tpu.memref_slice %arg10[%mul3A_61, %dma_wait3A_71] : memref<10240x128xf32, #tpu.memory_space<vmem_shared>> -> memref<640x128xf32, #tpu.memory_space<vmem_shared>>
      tpu.wait_dma2 semaphore(%run_scoped3A : memref<!tpu.dma_semaphore, #tpu.memory_space<semaphore_mem>>) src(%dma_wait3A_72 : memref<640x128xf32, #tpu.memory_space<vmem_shared>>) dst(%dma_wait3A_70 : memref<640x128xf32, #tpu.memory_space<hbm>>)
      tpu.yield
    }) : () -> ()
    return
  }
}

#map = affine_map<(d0, d1) -> (0, 0)>
#map1 = affine_map<(d0, d1) -> (0, 0, 0)>
module attributes {stable_mosaic.version = 14 : i64} {
  func.func @_sc_count(%arg0: i32, %arg1: i32, %arg2: memref<32x10000xi32, #tpu.memory_space<hbm>>, %arg3: memref<10240x128xf32, #tpu.memory_space<hbm>>, %arg4: memref<2x10240x128xf32, #tpu.memory_space<hbm>>, %arg5: memref<10000xi32, #tpu.memory_space<vmem>>, %arg6: memref<40x128xf32, #tpu.memory_space<vmem>>, %arg7: memref<10240x128xf32, #tpu.memory_space<vmem_shared>>, %arg8: memref<!tpu.dma_semaphore, #tpu.memory_space<semaphore_mem>>, %arg9: memref<!tpu.dma_semaphore, #tpu.memory_space<semaphore_mem>>, %arg10: memref<!tpu.dma_semaphore, #tpu.memory_space<semaphore_mem>>, %arg11: memref<!tpu.dma_semaphore, #tpu.memory_space<semaphore_mem>>) attributes {dimension_semantics = [#tpu.dimension_semantics<core_parallel>, #tpu.dimension_semantics<subcore_parallel>], iteration_bounds = array<i64: 2, 16>, scalar_prefetch = 0 : i64, scratch_operands = 7 : i64, tpu.core_type = #tpu.core_type<sc_vector_subcore>, window_params = [{transform_indices = #map}, {transform_indices = #map}, {transform_indices = #map1}]} {
    %mul3A = arith.constant 16 : i32
    %mul3A_0 = arith.muli %arg0, %mul3A : i32
    %add3A = arith.addi %mul3A_0, %arg1 : i32
    "tpu.region"() ({
      %run_scoped3A = tpu.sem_alloc : memref<!tpu.dma_semaphore, #tpu.memory_space<semaphore_mem>>
      %dma_start3A = arith.constant 0 : i32
      %dma_start3A_22 = tpu.memref_slice %arg2[%add3A, %dma_start3A] : memref<32x10000xi32, #tpu.memory_space<hbm>> -> memref<1x10000xi32, #tpu.memory_space<hbm>>
      %dma_start3A_23 = tpu.memref_squeeze %dma_start3A_22 : memref<1x10000xi32, #tpu.memory_space<hbm>> -> memref<10000xi32, #tpu.memory_space<hbm>>
      %dma_start3A_24 = arith.constant 0 : i32
      %dma_start3A_25 = tpu.memref_slice %arg2[%add3A, %dma_start3A_24] : memref<32x10000xi32, #tpu.memory_space<hbm>> -> memref<1x10000xi32, #tpu.memory_space<hbm>>
      %dma_start3A_26 = tpu.memref_squeeze %dma_start3A_25 : memref<1x10000xi32, #tpu.memory_space<hbm>> -> memref<10000xi32, #tpu.memory_space<hbm>>
      tpu.enqueue_dma source(%dma_start3A_26 : memref<10000xi32, #tpu.memory_space<hbm>>) target(%arg5 : memref<10000xi32, #tpu.memory_space<vmem>>) target_semaphore(%run_scoped3A : memref<!tpu.dma_semaphore, #tpu.memory_space<semaphore_mem>>)
      %dma_wait3A = arith.constant 0 : i32
      %dma_wait3A_27 = tpu.memref_slice %arg2[%add3A, %dma_wait3A] : memref<32x10000xi32, #tpu.memory_space<hbm>> -> memref<1x10000xi32, #tpu.memory_space<hbm>>
      %dma_wait3A_28 = tpu.memref_squeeze %dma_wait3A_27 : memref<1x10000xi32, #tpu.memory_space<hbm>> -> memref<10000xi32, #tpu.memory_space<hbm>>
      %dma_wait3A_29 = arith.constant 0 : i32
      %dma_wait3A_30 = tpu.memref_slice %arg2[%add3A, %dma_wait3A_29] : memref<32x10000xi32, #tpu.memory_space<hbm>> -> memref<1x10000xi32, #tpu.memory_space<hbm>>
      %dma_wait3A_31 = tpu.memref_squeeze %dma_wait3A_30 : memref<1x10000xi32, #tpu.memory_space<hbm>> -> memref<10000xi32, #tpu.memory_space<hbm>>
      tpu.wait_dma2 semaphore(%run_scoped3A : memref<!tpu.dma_semaphore, #tpu.memory_space<semaphore_mem>>) src(%dma_wait3A_31 : memref<10000xi32, #tpu.memory_space<hbm>>) dst(%arg5 : memref<10000xi32, #tpu.memory_space<vmem>>)
      tpu.yield
    }) : () -> ()
    %mul3A_1 = arith.constant 640 : i32
    %mul3A_2 = arith.muli %arg1, %mul3A_1 : i32
    %mul3A_3 = arith.constant 640 : i32
    %mul3A_4 = arith.muli %arg1, %mul3A_3 : i32
    "tpu.region"() ({
      %run_scoped3A = tpu.sem_alloc : memref<!tpu.dma_semaphore, #tpu.memory_space<semaphore_mem>>
      %dma_start3A = arith.constant 0 : i32
      %dma_start3A_22 = tpu.memref_slice %arg7[%mul3A_4, %dma_start3A] : memref<10240x128xf32, #tpu.memory_space<vmem_shared>> -> memref<640x128xf32, #tpu.memory_space<vmem_shared>>
      %dma_start3A_23 = arith.constant 0 : i32
      %dma_start3A_24 = tpu.memref_slice %arg3[%mul3A_2, %dma_start3A_23] : memref<10240x128xf32, #tpu.memory_space<hbm>> -> memref<640x128xf32, #tpu.memory_space<hbm>>
      tpu.enqueue_dma source(%dma_start3A_24 : memref<640x128xf32, #tpu.memory_space<hbm>>) target(%dma_start3A_22 : memref<640x128xf32, #tpu.memory_space<vmem_shared>>) target_semaphore(%run_scoped3A : memref<!tpu.dma_semaphore, #tpu.memory_space<semaphore_mem>>)
      %dma_wait3A = arith.constant 0 : i32
      %dma_wait3A_25 = tpu.memref_slice %arg7[%mul3A_4, %dma_wait3A] : memref<10240x128xf32, #tpu.memory_space<vmem_shared>> -> memref<640x128xf32, #tpu.memory_space<vmem_shared>>
      %dma_wait3A_26 = arith.constant 0 : i32
      %dma_wait3A_27 = tpu.memref_slice %arg3[%mul3A_2, %dma_wait3A_26] : memref<10240x128xf32, #tpu.memory_space<hbm>> -> memref<640x128xf32, #tpu.memory_space<hbm>>
      tpu.wait_dma2 semaphore(%run_scoped3A : memref<!tpu.dma_semaphore, #tpu.memory_space<semaphore_mem>>) src(%dma_wait3A_27 : memref<640x128xf32, #tpu.memory_space<hbm>>) dst(%dma_wait3A_25 : memref<640x128xf32, #tpu.memory_space<vmem_shared>>)
      tpu.yield
    }) : () -> ()
    %broadcast_in_dim3A = arith.constant 1.000000e+00 : f32
    %broadcast_in_dim3A_5 = vector.broadcast %broadcast_in_dim3A : f32 to vector<16xf32>
    %scan3A = arith.constant 0 : i32
    %scan3A_6 = arith.constant 0 : i32
    %scan3A_7 = arith.constant 320 : i32
    %scan3A_8 = arith.addi %scan3A_6, %scan3A_7 : i32
    %scan3A_9 = arith.constant 1 : i32
    scf.for %scan3A_22 = %scan3A_6 to %scan3A_8 step %scan3A_9  : i32 {
      %jit3A = arith.constant 8 : i32
      %div3A = arith.divsi %scan3A_22, %jit3A : i32
      %sign3A = arith.constant 0 : i32
      %sign3A_23 = arith.cmpi sgt, %scan3A_22, %sign3A : i32
      %sign3A_24 = arith.extui %sign3A_23 : i1 to i32
      %sign3A_25 = arith.constant 0 : i32
      %sign3A_26 = arith.cmpi slt, %scan3A_22, %sign3A_25 : i32
      %sign3A_27 = arith.extui %sign3A_26 : i1 to i32
      %sign3A_28 = arith.subi %sign3A_24, %sign3A_27 : i32
      %sign3A_29 = arith.constant 0 : i32
      %sign3A_30 = arith.cmpi sgt, %jit3A, %sign3A_29 : i32
      %sign3A_31 = arith.extui %sign3A_30 : i1 to i32
      %sign3A_32 = arith.constant 0 : i32
      %sign3A_33 = arith.cmpi slt, %jit3A, %sign3A_32 : i32
      %sign3A_34 = arith.extui %sign3A_33 : i1 to i32
      %sign3A_35 = arith.subi %sign3A_31, %sign3A_34 : i32
      %ne3A = arith.cmpi ne, %sign3A_28, %sign3A_35 : i32
      %rem3A = arith.remsi %scan3A_22, %jit3A : i32
      %ne3A_36 = arith.constant 0 : i32
      %ne3A_37 = arith.cmpi ne, %rem3A, %ne3A_36 : i32
      %and3A = arith.andi %ne3A, %ne3A_37 : i1
      %sub3A = arith.constant 1 : i32
      %sub3A_38 = arith.subi %div3A, %sub3A : i32
      %select_n3A = arith.select %and3A, %sub3A_38, %div3A : i32
      %jit3A_39 = arith.constant 8 : i32
      %eq3A = arith.constant 0 : i32
      %eq3A_40 = arith.cmpi eq, %jit3A_39, %eq3A : i32
      %jit3A_41 = arith.constant 1 : i32
      %select_n3A_42 = arith.select %eq3A_40, %jit3A_41, %jit3A_39 : i32
      %rem3A_43 = arith.remsi %scan3A_22, %select_n3A_42 : i32
      %ne3A_44 = arith.constant 0 : i32
      %ne3A_45 = arith.cmpi ne, %rem3A_43, %ne3A_44 : i32
      %lt3A = arith.constant 0 : i32
      %lt3A_46 = arith.cmpi slt, %rem3A_43, %lt3A : i32
      %lt3A_47 = arith.constant 0 : i32
      %lt3A_48 = arith.cmpi slt, %select_n3A_42, %lt3A_47 : i32
      %ne3A_49 = arith.xori %lt3A_46, %lt3A_48 : i1
      %and3A_50 = arith.andi %ne3A_49, %ne3A_45 : i1
      %add3A_51 = arith.addi %rem3A_43, %select_n3A_42 : i32
      %select_n3A_52 = arith.select %and3A_50, %add3A_51, %rem3A_43 : i32
      %mul3A_53 = arith.constant 16 : i32
      %mul3A_54 = arith.muli %select_n3A_52, %mul3A_53 : i32
      %swap3A = arith.index_cast %select_n3A : i32 to index
      %swap3A_55 = arith.index_cast %mul3A_54 : i32 to index
      %swap3A_56 = tpu.vector_load %arg6[%swap3A, %swap3A_55] {strides = array<i32>} : memref<40x128xf32, #tpu.memory_space<vmem>>, vector<1x16xf32>,
      %swap3A_57 = vector.shape_cast %swap3A_56 : vector<1x16xf32> to vector<16xf32>
      %swap3A_58 = vector.shape_cast %broadcast_in_dim3A_5 : vector<16xf32> to vector<1x16xf32>
      tpu.vector_store %arg6[%swap3A, %swap3A_55], %swap3A_58 {strides = array<i32>} : memref<40x128xf32, #tpu.memory_space<vmem>>, vector<1x16xf32>,
    }
    %scan3A_10 = arith.constant 320 : i32
    %barrier3A = arith.constant 0 : index
    tpu.barrier barrier_id(%barrier3A)
    %scan3A_11 = arith.constant 0 : i32
    %scan3A_12 = arith.constant 0 : i32
    %scan3A_13 = arith.constant 62 : i32
    %scan3A_14 = arith.addi %scan3A_12, %scan3A_13 : i32
    %scan3A_15 = arith.constant 1 : i32
    scf.for %scan3A_22 = %scan3A_12 to %scan3A_14 step %scan3A_15  : i32 {
      %mul3A_23 = arith.constant 4 : i32
      %mul3A_24 = arith.muli %scan3A_22, %mul3A_23 : i32
      %add3A_25 = arith.constant 0 : i32
      %add3A_26 = arith.addi %mul3A_24, %add3A_25 : i32
      %mul3A_27 = arith.constant 40 : i32
      %mul3A_28 = arith.muli %add3A_26, %mul3A_27 : i32
      %dma_start3A = tpu.memref_slice %arg5[%mul3A_28] : memref<10000xi32, #tpu.memory_space<vmem>> -> memref<40xi32, #tpu.memory_space<vmem>>
      %dma_start3A_29 = arith.constant 0 : i32
      %dma_start3A_30 = arith.constant 0 : i32
      %dma_start3A_31 = tpu.memref_slice %arg7[%dma_start3A_29, %dma_start3A_30] : memref<10240x128xf32, #tpu.memory_space<vmem_shared>> -> memref<10240x128xf32, #tpu.memory_space<vmem_shared>>
      tpu.enqueue_indirect_dma source(%arg6 : memref<40x128xf32, #tpu.memory_space<vmem>>) target(%dma_start3A_31 : memref<10240x128xf32, #tpu.memory_space<vmem_shared>>) offsets(%dma_start3A : memref<40xi32, #tpu.memory_space<vmem>>) semaphore(%arg8 : memref<!tpu.dma_semaphore, #tpu.memory_space<semaphore_mem>>) {add = true}
      %add3A_32 = arith.constant 1 : i32
      %add3A_33 = arith.addi %mul3A_24, %add3A_32 : i32
      %mul3A_34 = arith.constant 40 : i32
      %mul3A_35 = arith.muli %add3A_33, %mul3A_34 : i32
      %dma_start3A_36 = tpu.memref_slice %arg5[%mul3A_35] : memref<10000xi32, #tpu.memory_space<vmem>> -> memref<40xi32, #tpu.memory_space<vmem>>
      %dma_start3A_37 = arith.constant 0 : i32
      %dma_start3A_38 = arith.constant 0 : i32
      %dma_start3A_39 = tpu.memref_slice %arg7[%dma_start3A_37, %dma_start3A_38] : memref<10240x128xf32, #tpu.memory_space<vmem_shared>> -> memref<10240x128xf32, #tpu.memory_space<vmem_shared>>
      tpu.enqueue_indirect_dma source(%arg6 : memref<40x128xf32, #tpu.memory_space<vmem>>) target(%dma_start3A_39 : memref<10240x128xf32, #tpu.memory_space<vmem_shared>>) offsets(%dma_start3A_36 : memref<40xi32, #tpu.memory_space<vmem>>) semaphore(%arg9 : memref<!tpu.dma_semaphore, #tpu.memory_space<semaphore_mem>>) {add = true}
      %add3A_40 = arith.constant 2 : i32
      %add3A_41 = arith.addi %mul3A_24, %add3A_40 : i32
      %mul3A_42 = arith.constant 40 : i32
      %mul3A_43 = arith.muli %add3A_41, %mul3A_42 : i32
      %dma_start3A_44 = tpu.memref_slice %arg5[%mul3A_43] : memref<10000xi32, #tpu.memory_space<vmem>> -> memref<40xi32, #tpu.memory_space<vmem>>
      %dma_start3A_45 = arith.constant 0 : i32
      %dma_start3A_46 = arith.constant 0 : i32
      %dma_start3A_47 = tpu.memref_slice %arg7[%dma_start3A_45, %dma_start3A_46] : memref<10240x128xf32, #tpu.memory_space<vmem_shared>> -> memref<10240x128xf32, #tpu.memory_space<vmem_shared>>
      tpu.enqueue_indirect_dma source(%arg6 : memref<40x128xf32, #tpu.memory_space<vmem>>) target(%dma_start3A_47 : memref<10240x128xf32, #tpu.memory_space<vmem_shared>>) offsets(%dma_start3A_44 : memref<40xi32, #tpu.memory_space<vmem>>) semaphore(%arg10 : memref<!tpu.dma_semaphore, #tpu.memory_space<semaphore_mem>>) {add = true}
      %add3A_48 = arith.constant 3 : i32
      %add3A_49 = arith.addi %mul3A_24, %add3A_48 : i32
      %mul3A_50 = arith.constant 40 : i32
      %mul3A_51 = arith.muli %add3A_49, %mul3A_50 : i32
      %dma_start3A_52 = tpu.memref_slice %arg5[%mul3A_51] : memref<10000xi32, #tpu.memory_space<vmem>> -> memref<40xi32, #tpu.memory_space<vmem>>
      %dma_start3A_53 = arith.constant 0 : i32
      %dma_start3A_54 = arith.constant 0 : i32
      %dma_start3A_55 = tpu.memref_slice %arg7[%dma_start3A_53, %dma_start3A_54] : memref<10240x128xf32, #tpu.memory_space<vmem_shared>> -> memref<10240x128xf32, #tpu.memory_space<vmem_shared>>
      tpu.enqueue_indirect_dma source(%arg6 : memref<40x128xf32, #tpu.memory_space<vmem>>) target(%dma_start3A_55 : memref<10240x128xf32, #tpu.memory_space<vmem_shared>>) offsets(%dma_start3A_52 : memref<40xi32, #tpu.memory_space<vmem>>) semaphore(%arg11 : memref<!tpu.dma_semaphore, #tpu.memory_space<semaphore_mem>>) {add = true}
      %add3A_56 = arith.constant 0 : i32
      %add3A_57 = arith.addi %mul3A_24, %add3A_56 : i32
      %mul3A_58 = arith.constant 40 : i32
      %mul3A_59 = arith.muli %add3A_57, %mul3A_58 : i32
      %dma_wait3A = tpu.memref_slice %arg5[%mul3A_59] : memref<10000xi32, #tpu.memory_space<vmem>> -> memref<40xi32, #tpu.memory_space<vmem>>
      %dma_wait3A_60 = arith.constant 0 : i32
      %dma_wait3A_61 = arith.constant 0 : i32
      %dma_wait3A_62 = tpu.memref_slice %arg7[%dma_wait3A_60, %dma_wait3A_61] : memref<10240x128xf32, #tpu.memory_space<vmem_shared>> -> memref<10240x128xf32, #tpu.memory_space<vmem_shared>>
      tpu.wait_indirect_dma semaphore(%arg8 : memref<!tpu.dma_semaphore, #tpu.memory_space<semaphore_mem>>) src(%arg6 : memref<40x128xf32, #tpu.memory_space<vmem>>) dst(%dma_wait3A_62 : memref<10240x128xf32, #tpu.memory_space<vmem_shared>>)
      %add3A_63 = arith.constant 1 : i32
      %add3A_64 = arith.addi %mul3A_24, %add3A_63 : i32
      %mul3A_65 = arith.constant 40 : i32
      %mul3A_66 = arith.muli %add3A_64, %mul3A_65 : i32
      %dma_wait3A_67 = tpu.memref_slice %arg5[%mul3A_66] : memref<10000xi32, #tpu.memory_space<vmem>> -> memref<40xi32, #tpu.memory_space<vmem>>
      %dma_wait3A_68 = arith.constant 0 : i32
      %dma_wait3A_69 = arith.constant 0 : i32
      %dma_wait3A_70 = tpu.memref_slice %arg7[%dma_wait3A_68, %dma_wait3A_69] : memref<10240x128xf32, #tpu.memory_space<vmem_shared>> -> memref<10240x128xf32, #tpu.memory_space<vmem_shared>>
      tpu.wait_indirect_dma semaphore(%arg9 : memref<!tpu.dma_semaphore, #tpu.memory_space<semaphore_mem>>) src(%arg6 : memref<40x128xf32, #tpu.memory_space<vmem>>) dst(%dma_wait3A_70 : memref<10240x128xf32, #tpu.memory_space<vmem_shared>>)
      %add3A_71 = arith.constant 2 : i32
      %add3A_72 = arith.addi %mul3A_24, %add3A_71 : i32
      %mul3A_73 = arith.constant 40 : i32
      %mul3A_74 = arith.muli %add3A_72, %mul3A_73 : i32
      %dma_wait3A_75 = tpu.memref_slice %arg5[%mul3A_74] : memref<10000xi32, #tpu.memory_space<vmem>> -> memref<40xi32, #tpu.memory_space<vmem>>
      %dma_wait3A_76 = arith.constant 0 : i32
      %dma_wait3A_77 = arith.constant 0 : i32
      %dma_wait3A_78 = tpu.memref_slice %arg7[%dma_wait3A_76, %dma_wait3A_77] : memref<10240x128xf32, #tpu.memory_space<vmem_shared>> -> memref<10240x128xf32, #tpu.memory_space<vmem_shared>>
      tpu.wait_indirect_dma semaphore(%arg10 : memref<!tpu.dma_semaphore, #tpu.memory_space<semaphore_mem>>) src(%arg6 : memref<40x128xf32, #tpu.memory_space<vmem>>) dst(%dma_wait3A_78 : memref<10240x128xf32, #tpu.memory_space<vmem_shared>>)
      %add3A_79 = arith.constant 3 : i32
      %add3A_80 = arith.addi %mul3A_24, %add3A_79 : i32
      %mul3A_81 = arith.constant 40 : i32
      %mul3A_82 = arith.muli %add3A_80, %mul3A_81 : i32
      %dma_wait3A_83 = tpu.memref_slice %arg5[%mul3A_82] : memref<10000xi32, #tpu.memory_space<vmem>> -> memref<40xi32, #tpu.memory_space<vmem>>
      %dma_wait3A_84 = arith.constant 0 : i32
      %dma_wait3A_85 = arith.constant 0 : i32
      %dma_wait3A_86 = tpu.memref_slice %arg7[%dma_wait3A_84, %dma_wait3A_85] : memref<10240x128xf32, #tpu.memory_space<vmem_shared>> -> memref<10240x128xf32, #tpu.memory_space<vmem_shared>>
      tpu.wait_indirect_dma semaphore(%arg11 : memref<!tpu.dma_semaphore, #tpu.memory_space<semaphore_mem>>) src(%arg6 : memref<40x128xf32, #tpu.memory_space<vmem>>) dst(%dma_wait3A_86 : memref<10240x128xf32, #tpu.memory_space<vmem_shared>>)
    }
    %scan3A_16 = arith.constant 62 : i32
    "tpu.region"() ({
      %run_scoped3A = tpu.sem_alloc : memref<!tpu.dma_semaphore, #tpu.memory_space<semaphore_mem>>
      %dma_start3A = arith.constant 9920 : i32
      %dma_start3A_22 = tpu.memref_slice %arg5[%dma_start3A] : memref<10000xi32, #tpu.memory_space<vmem>> -> memref<40xi32, #tpu.memory_space<vmem>>
      %dma_start3A_23 = arith.constant 0 : i32
      %dma_start3A_24 = arith.constant 0 : i32
      %dma_start3A_25 = tpu.memref_slice %arg7[%dma_start3A_23, %dma_start3A_24] : memref<10240x128xf32, #tpu.memory_space<vmem_shared>> -> memref<10240x128xf32, #tpu.memory_space<vmem_shared>>
      tpu.enqueue_indirect_dma source(%arg6 : memref<40x128xf32, #tpu.memory_space<vmem>>) target(%dma_start3A_25 : memref<10240x128xf32, #tpu.memory_space<vmem_shared>>) offsets(%dma_start3A_22 : memref<40xi32, #tpu.memory_space<vmem>>) semaphore(%run_scoped3A : memref<!tpu.dma_semaphore, #tpu.memory_space<semaphore_mem>>) {add = true}
      %dma_wait3A = arith.constant 9920 : i32
      %dma_wait3A_26 = tpu.memref_slice %arg5[%dma_wait3A] : memref<10000xi32, #tpu.memory_space<vmem>> -> memref<40xi32, #tpu.memory_space<vmem>>
      %dma_wait3A_27 = arith.constant 0 : i32
      %dma_wait3A_28 = arith.constant 0 : i32
      %dma_wait3A_29 = tpu.memref_slice %arg7[%dma_wait3A_27, %dma_wait3A_28] : memref<10240x128xf32, #tpu.memory_space<vmem_shared>> -> memref<10240x128xf32, #tpu.memory_space<vmem_shared>>
      tpu.wait_indirect_dma semaphore(%run_scoped3A : memref<!tpu.dma_semaphore, #tpu.memory_space<semaphore_mem>>) src(%arg6 : memref<40x128xf32, #tpu.memory_space<vmem>>) dst(%dma_wait3A_29 : memref<10240x128xf32, #tpu.memory_space<vmem_shared>>)
      tpu.yield
    }) : () -> ()
    "tpu.region"() ({
      %run_scoped3A = tpu.sem_alloc : memref<!tpu.dma_semaphore, #tpu.memory_space<semaphore_mem>>
      %dma_start3A = arith.constant 9960 : i32
      %dma_start3A_22 = tpu.memref_slice %arg5[%dma_start3A] : memref<10000xi32, #tpu.memory_space<vmem>> -> memref<40xi32, #tpu.memory_space<vmem>>
      %dma_start3A_23 = arith.constant 0 : i32
      %dma_start3A_24 = arith.constant 0 : i32
      %dma_start3A_25 = tpu.memref_slice %arg7[%dma_start3A_23, %dma_start3A_24] : memref<10240x128xf32, #tpu.memory_space<vmem_shared>> -> memref<10240x128xf32, #tpu.memory_space<vmem_shared>>
      tpu.enqueue_indirect_dma source(%arg6 : memref<40x128xf32, #tpu.memory_space<vmem>>) target(%dma_start3A_25 : memref<10240x128xf32, #tpu.memory_space<vmem_shared>>) offsets(%dma_start3A_22 : memref<40xi32, #tpu.memory_space<vmem>>) semaphore(%run_scoped3A : memref<!tpu.dma_semaphore, #tpu.memory_space<semaphore_mem>>) {add = true}
      %dma_wait3A = arith.constant 9960 : i32
      %dma_wait3A_26 = tpu.memref_slice %arg5[%dma_wait3A] : memref<10000xi32, #tpu.memory_space<vmem>> -> memref<40xi32, #tpu.memory_space<vmem>>
      %dma_wait3A_27 = arith.constant 0 : i32
      %dma_wait3A_28 = arith.constant 0 : i32
      %dma_wait3A_29 = tpu.memref_slice %arg7[%dma_wait3A_27, %dma_wait3A_28] : memref<10240x128xf32, #tpu.memory_space<vmem_shared>> -> memref<10240x128xf32, #tpu.memory_space<vmem_shared>>
      tpu.wait_indirect_dma semaphore(%run_scoped3A : memref<!tpu.dma_semaphore, #tpu.memory_space<semaphore_mem>>) src(%arg6 : memref<40x128xf32, #tpu.memory_space<vmem>>) dst(%dma_wait3A_29 : memref<10240x128xf32, #tpu.memory_space<vmem_shared>>)
      tpu.yield
    }) : () -> ()
    %barrier3A_17 = arith.constant 0 : index
    tpu.barrier barrier_id(%barrier3A_17)
    %mul3A_18 = arith.constant 640 : i32
    %mul3A_19 = arith.muli %arg1, %mul3A_18 : i32
    %mul3A_20 = arith.constant 640 : i32
    %mul3A_21 = arith.muli %arg1, %mul3A_20 : i32
    "tpu.region"() ({
      %run_scoped3A = tpu.sem_alloc : memref<!tpu.dma_semaphore, #tpu.memory_space<semaphore_mem>>
      %dma_start3A = arith.constant 0 : i32
      %dma_start3A_22 = tpu.memref_slice %arg4[%arg0, %mul3A_21, %dma_start3A] : memref<2x10240x128xf32, #tpu.memory_space<hbm>> -> memref<1x640x128xf32, #tpu.memory_space<hbm>>
      %dma_start3A_23 = tpu.memref_squeeze %dma_start3A_22 : memref<1x640x128xf32, #tpu.memory_space<hbm>> -> memref<640x128xf32, #tpu.memory_space<hbm>>
      %dma_start3A_24 = arith.constant 0 : i32
      %dma_start3A_25 = tpu.memref_slice %arg7[%mul3A_19, %dma_start3A_24] : memref<10240x128xf32, #tpu.memory_space<vmem_shared>> -> memref<640x128xf32, #tpu.memory_space<vmem_shared>>
      tpu.enqueue_dma source(%dma_start3A_25 : memref<640x128xf32, #tpu.memory_space<vmem_shared>>) target(%dma_start3A_23 : memref<640x128xf32, #tpu.memory_space<hbm>>) target_semaphore(%run_scoped3A : memref<!tpu.dma_semaphore, #tpu.memory_space<semaphore_mem>>)
      %dma_wait3A = arith.constant 0 : i32
      %dma_wait3A_26 = tpu.memref_slice %arg4[%arg0, %mul3A_21, %dma_wait3A] : memref<2x10240x128xf32, #tpu.memory_space<hbm>> -> memref<1x640x128xf32, #tpu.memory_space<hbm>>
      %dma_wait3A_27 = tpu.memref_squeeze %dma_wait3A_26 : memref<1x640x128xf32, #tpu.memory_space<hbm>> -> memref<640x128xf32, #tpu.memory_space<hbm>>
      %dma_wait3A_28 = arith.constant 0 : i32
      %dma_wait3A_29 = tpu.memref_slice %arg7[%mul3A_19, %dma_wait3A_28] : memref<10240x128xf32, #tpu.memory_space<vmem_shared>> -> memref<640x128xf32, #tpu.memory_space<vmem_shared>>
      tpu.wait_dma2 semaphore(%run_scoped3A : memref<!tpu.dma_semaphore, #tpu.memory_space<semaphore_mem>>) src(%dma_wait3A_29 : memref<640x128xf32, #tpu.memory_space<vmem_shared>>) dst(%dma_wait3A_27 : memref<640x128xf32, #tpu.memory_space<hbm>>)
      tpu.yield
    }) : () -> ()
    return
  }
}

module attributes {stable_mosaic.version = 14 : i64} {
  func.func @_lin_body(%arg0: i32, %arg1: memref<1024x128xf32, #tpu.memory_space<vmem>>, %arg2: memref<128x128xf32, #tpu.memory_space<vmem>>, %arg3: memref<128x128xf32, #tpu.memory_space<vmem>>, %arg4: memref<1x128xf32, #tpu.memory_space<vmem>>, %arg5: memref<1024x128xf32, #tpu.memory_space<vmem>>, %arg6: memref<1024x128xf32, #tpu.memory_space<vmem>>) attributes {dimension_semantics = [#tpu.dimension_semantics<arbitrary>], iteration_bounds = array<i64: 10>, scalar_prefetch = 0 : i64, scratch_operands = 0 : i64, tpu.core_type = #tpu.core_type<tc>, window_params = [{transform_indices = @transform_0, window_bounds = array<i64: 1024, 128>}, {pipeline_mode = #tpu.pipeline_mode<synchronous>, transform_indices = @transform_1, window_bounds = array<i64: 128, 128>}, {pipeline_mode = #tpu.pipeline_mode<synchronous>, transform_indices = @transform_2, window_bounds = array<i64: 128, 128>}, {pipeline_mode = #tpu.pipeline_mode<synchronous>, transform_indices = @transform_3, window_bounds = array<i64: 1, 128>}, {transform_indices = @transform_4, window_bounds = array<i64: 1024, 128>}, {transform_indices = @transform_5, window_bounds = array<i64: 1024, 128>}]} {
    %get3A = arith.constant 0 : index
    %get3A_0 = arith.constant 0 : index
    %get3A_1 = vector.load %arg1[%get3A, %get3A_0] : memref<1024x128xf32, #tpu.memory_space<vmem>>, vector<1024x128xf32>
    %get3A_2 = arith.constant 0 : index
    %get3A_3 = arith.constant 0 : index
    %get3A_4 = vector.load %arg2[%get3A_2, %get3A_3] : memref<128x128xf32, #tpu.memory_space<vmem>>, vector<128x128xf32>
    %dot_general3A = arith.constant dense<0.000000e+00> : vector<1024x128xf32>
    %dot_general3A_5 = tpu.matmul %get3A_1, %get3A_4, %dot_general3A {dimension_numbers = #tpu.dot_dimension_numbers<[1], [1], [0], [0], [0, 0, 1, 0], [], []>, precision = #tpu.contract_precision<fp32>, transpose_lhs_hint = false} : vector<1024x128xf32>, vector<128x128xf32>, vector<1024x128xf32> -> vector<1024x128xf32>
    %swap3A = arith.constant 0 : index
    %swap3A_6 = arith.constant 0 : index
    %swap3A_7 = vector.load %arg5[%swap3A, %swap3A_6] : memref<1024x128xf32, #tpu.memory_space<vmem>>, vector<1024x128xf32>
    tpu.vector_store %arg5[%swap3A, %swap3A_6], %dot_general3A_5 {strides = array<i32>} : memref<1024x128xf32, #tpu.memory_space<vmem>>, vector<1024x128xf32>,
    %get3A_8 = arith.constant 0 : index
    %get3A_9 = arith.constant 0 : index
    %get3A_10 = vector.load %arg3[%get3A_8, %get3A_9] : memref<128x128xf32, #tpu.memory_space<vmem>>, vector<128x128xf32>
    %dot_general3A_11 = arith.constant dense<0.000000e+00> : vector<1024x128xf32>
    %dot_general3A_12 = tpu.matmul %get3A_1, %get3A_10, %dot_general3A_11 {dimension_numbers = #tpu.dot_dimension_numbers<[1], [1], [0], [0], [0, 0, 1, 0], [], []>, precision = #tpu.contract_precision<fp32>, transpose_lhs_hint = false} : vector<1024x128xf32>, vector<128x128xf32>, vector<1024x128xf32> -> vector<1024x128xf32>
    %get3A_13 = arith.constant 0 : index
    %get3A_14 = arith.constant 0 : index
    %get3A_15 = vector.load %arg4[%get3A_13, %get3A_14] : memref<1x128xf32, #tpu.memory_space<vmem>>, vector<1x128xf32>
    %add3A = vector.broadcast %get3A_15 : vector<1x128xf32> to vector<1024x128xf32>
    %add3A_16 = arith.addf %dot_general3A_12, %add3A : vector<1024x128xf32>
    %swap3A_17 = arith.constant 0 : index
    %swap3A_18 = arith.constant 0 : index
    %swap3A_19 = vector.load %arg6[%swap3A_17, %swap3A_18] : memref<1024x128xf32, #tpu.memory_space<vmem>>, vector<1024x128xf32>
    tpu.vector_store %arg6[%swap3A_17, %swap3A_18], %add3A_16 {strides = array<i32>} : memref<1024x128xf32, #tpu.memory_space<vmem>>, vector<1024x128xf32>,
    return
  }
  func.func @transform_0(%arg0: i32) -> (i32, i32) {
    %c0_i32 = arith.constant 0 : i32
    %c0_i32_0 = arith.constant 0 : i32
    return %arg0, %c0_i32 : i32, i32
  }
  func.func @transform_1(%arg0: i32) -> (i32, i32) {
    %c0_i32 = arith.constant 0 : i32
    %c0_i32_0 = arith.constant 0 : i32
    %c0_i32_1 = arith.constant 0 : i32
    return %c0_i32, %c0_i32_0 : i32, i32
  }
  func.func @transform_2(%arg0: i32) -> (i32, i32) {
    %c0_i32 = arith.constant 0 : i32
    %c0_i32_0 = arith.constant 0 : i32
    %c0_i32_1 = arith.constant 0 : i32
    return %c0_i32, %c0_i32_0 : i32, i32
  }
  func.func @transform_3(%arg0: i32) -> (i32, i32) {
    %c0_i32 = arith.constant 0 : i32
    %c0_i32_0 = arith.constant 0 : i32
    %c0_i32_1 = arith.constant 0 : i32
    return %c0_i32, %c0_i32_0 : i32, i32
  }
  func.func @transform_4(%arg0: i32) -> (i32, i32) {
    %c0_i32 = arith.constant 0 : i32
    %c0_i32_0 = arith.constant 0 : i32
    return %arg0, %c0_i32 : i32, i32
  }
  func.func @transform_5(%arg0: i32) -> (i32, i32) {
    %c0_i32 = arith.constant 0 : i32
    %c0_i32_0 = arith.constant 0 : i32
    return %arg0, %c0_i32 : i32, i32
  }
}

module attributes {stable_mosaic.version = 14 : i64} {
  func.func @_comb_body(%arg0: i32, %arg1: memref<2x1024x128xf32, #tpu.memory_space<vmem>>, %arg2: memref<2x1024x128xf32, #tpu.memory_space<vmem>>, %arg3: memref<1024x128xf32, #tpu.memory_space<vmem>>, %arg4: memref<128x128xf32, #tpu.memory_space<vmem>>, %arg5: memref<128x128xf32, #tpu.memory_space<vmem>>, %arg6: memref<1x128xf32, #tpu.memory_space<vmem>>, %arg7: memref<1024x128xf32, #tpu.memory_space<vmem>>, %arg8: memref<1024x128xf32, #tpu.memory_space<vmem>>) attributes {dimension_semantics = [#tpu.dimension_semantics<arbitrary>], iteration_bounds = array<i64: 10>, scalar_prefetch = 0 : i64, scratch_operands = 0 : i64, tpu.core_type = #tpu.core_type<tc>, window_params = [{transform_indices = @transform_0, window_bounds = array<i64: 2, 1024, 128>}, {transform_indices = @transform_1, window_bounds = array<i64: 2, 1024, 128>}, {transform_indices = @transform_2, window_bounds = array<i64: 1024, 128>}, {pipeline_mode = #tpu.pipeline_mode<synchronous>, transform_indices = @transform_3, window_bounds = array<i64: 128, 128>}, {pipeline_mode = #tpu.pipeline_mode<synchronous>, transform_indices = @transform_4, window_bounds = array<i64: 128, 128>}, {pipeline_mode = #tpu.pipeline_mode<synchronous>, transform_indices = @transform_5, window_bounds = array<i64: 1, 128>}, {transform_indices = @transform_6, window_bounds = array<i64: 1024, 128>}, {transform_indices = @transform_7, window_bounds = array<i64: 1024, 128>}]} {
    %get3A = arith.constant 0 : index
    %get3A_0 = arith.constant 0 : index
    %get3A_1 = arith.constant 0 : index
    %get3A_2 = vector.load %arg2[%get3A, %get3A_0, %get3A_1] : memref<2x1024x128xf32, #tpu.memory_space<vmem>>, vector<1x1024x128xf32>
    %get3A_3 = vector.shape_cast %get3A_2 : vector<1x1024x128xf32> to vector<1024x128xf32>
    %get3A_4 = arith.constant 1 : index
    %get3A_5 = arith.constant 0 : index
    %get3A_6 = arith.constant 0 : index
    %get3A_7 = vector.load %arg2[%get3A_4, %get3A_5, %get3A_6] : memref<2x1024x128xf32, #tpu.memory_space<vmem>>, vector<1x1024x128xf32>
    %get3A_8 = vector.shape_cast %get3A_7 : vector<1x1024x128xf32> to vector<1024x128xf32>
    %add3A = arith.addf %get3A_3, %get3A_8 : vector<1024x128xf32>
    %get3A_9 = arith.constant 0 : index
    %get3A_10 = arith.constant 0 : index
    %get3A_11 = arith.constant 0 : index
    %get3A_12 = vector.load %arg1[%get3A_9, %get3A_10, %get3A_11] : memref<2x1024x128xf32, #tpu.memory_space<vmem>>, vector<1x1024x128xf32>
    %get3A_13 = vector.shape_cast %get3A_12 : vector<1x1024x128xf32> to vector<1024x128xf32>
    %get3A_14 = arith.constant 1 : index
    %get3A_15 = arith.constant 0 : index
    %get3A_16 = arith.constant 0 : index
    %get3A_17 = vector.load %arg1[%get3A_14, %get3A_15, %get3A_16] : memref<2x1024x128xf32, #tpu.memory_space<vmem>>, vector<1x1024x128xf32>
    %get3A_18 = vector.shape_cast %get3A_17 : vector<1x1024x128xf32> to vector<1024x128xf32>
    %add3A_19 = arith.addf %get3A_13, %get3A_18 : vector<1024x128xf32>
    %max3A = arith.constant 1.000000e+00 : f32
    %max3A_20 = vector.broadcast %max3A : f32 to vector<1024x128xf32>
    %max3A_21 = arith.maximumf %add3A, %max3A_20 : vector<1024x128xf32>
    %div3A = arith.divf %add3A_19, %max3A_21 : vector<1024x128xf32>
    %get3A_22 = arith.constant 0 : index
    %get3A_23 = arith.constant 0 : index
    %get3A_24 = vector.load %arg3[%get3A_22, %get3A_23] : memref<1024x128xf32, #tpu.memory_space<vmem>>, vector<1024x128xf32>
    %add3A_25 = arith.addf %div3A, %get3A_24 : vector<1024x128xf32>
    %max3A_26 = arith.constant 0.000000e+00 : f32
    %max3A_27 = vector.broadcast %max3A_26 : f32 to vector<1024x128xf32>
    %max3A_28 = arith.maximumf %add3A_25, %max3A_27 : vector<1024x128xf32>
    %get3A_29 = arith.constant 0 : index
    %get3A_30 = arith.constant 0 : index
    %get3A_31 = vector.load %arg4[%get3A_29, %get3A_30] : memref<128x128xf32, #tpu.memory_space<vmem>>, vector<128x128xf32>
    %dot_general3A = arith.constant dense<0.000000e+00> : vector<1024x128xf32>
    %dot_general3A_32 = tpu.matmul %max3A_28, %get3A_31, %dot_general3A {dimension_numbers = #tpu.dot_dimension_numbers<[1], [1], [0], [0], [0, 0, 1, 0], [], []>, precision = #tpu.contract_precision<fp32>, transpose_lhs_hint = false} : vector<1024x128xf32>, vector<128x128xf32>, vector<1024x128xf32> -> vector<1024x128xf32>
    %swap3A = arith.constant 0 : index
    %swap3A_33 = arith.constant 0 : index
    %swap3A_34 = vector.load %arg7[%swap3A, %swap3A_33] : memref<1024x128xf32, #tpu.memory_space<vmem>>, vector<1024x128xf32>
    tpu.vector_store %arg7[%swap3A, %swap3A_33], %dot_general3A_32 {strides = array<i32>} : memref<1024x128xf32, #tpu.memory_space<vmem>>, vector<1024x128xf32>,
    %get3A_35 = arith.constant 0 : index
    %get3A_36 = arith.constant 0 : index
    %get3A_37 = vector.load %arg5[%get3A_35, %get3A_36] : memref<128x128xf32, #tpu.memory_space<vmem>>, vector<128x128xf32>
    %dot_general3A_38 = arith.constant dense<0.000000e+00> : vector<1024x128xf32>
    %dot_general3A_39 = tpu.matmul %max3A_28, %get3A_37, %dot_general3A_38 {dimension_numbers = #tpu.dot_dimension_numbers<[1], [1], [0], [0], [0, 0, 1, 0], [], []>, precision = #tpu.contract_precision<fp32>, transpose_lhs_hint = false} : vector<1024x128xf32>, vector<128x128xf32>, vector<1024x128xf32> -> vector<1024x128xf32>
    %get3A_40 = arith.constant 0 : index
    %get3A_41 = arith.constant 0 : index
    %get3A_42 = vector.load %arg6[%get3A_40, %get3A_41] : memref<1x128xf32, #tpu.memory_space<vmem>>, vector<1x128xf32>
    %add3A_43 = vector.broadcast %get3A_42 : vector<1x128xf32> to vector<1024x128xf32>
    %add3A_44 = arith.addf %dot_general3A_39, %add3A_43 : vector<1024x128xf32>
    %swap3A_45 = arith.constant 0 : index
    %swap3A_46 = arith.constant 0 : index
    %swap3A_47 = vector.load %arg8[%swap3A_45, %swap3A_46] : memref<1024x128xf32, #tpu.memory_space<vmem>>, vector<1024x128xf32>
    tpu.vector_store %arg8[%swap3A_45, %swap3A_46], %add3A_44 {strides = array<i32>} : memref<1024x128xf32, #tpu.memory_space<vmem>>, vector<1024x128xf32>,
    return
  }
  func.func @transform_0(%arg0: i32) -> (i32, i32, i32) {
    %c0_i32 = arith.constant 0 : i32
    %c0_i32_0 = arith.constant 0 : i32
    %c0_i32_1 = arith.constant 0 : i32
    return %c0_i32, %arg0, %c0_i32_0 : i32, i32, i32
  }
  func.func @transform_1(%arg0: i32) -> (i32, i32, i32) {
    %c0_i32 = arith.constant 0 : i32
    %c0_i32_0 = arith.constant 0 : i32
    %c0_i32_1 = arith.constant 0 : i32
    return %c0_i32, %arg0, %c0_i32_0 : i32, i32, i32
  }
  func.func @transform_2(%arg0: i32) -> (i32, i32) {
    %c0_i32 = arith.constant 0 : i32
    %c0_i32_0 = arith.constant 0 : i32
    return %arg0, %c0_i32 : i32, i32
  }
  func.func @transform_3(%arg0: i32) -> (i32, i32) {
    %c0_i32 = arith.constant 0 : i32
    %c0_i32_0 = arith.constant 0 : i32
    %c0_i32_1 = arith.constant 0 : i32
    return %c0_i32, %c0_i32_0 : i32, i32
  }
  func.func @transform_4(%arg0: i32) -> (i32, i32) {
    %c0_i32 = arith.constant 0 : i32
    %c0_i32_0 = arith.constant 0 : i32
    %c0_i32_1 = arith.constant 0 : i32
    return %c0_i32, %c0_i32_0 : i32, i32
  }
  func.func @transform_5(%arg0: i32) -> (i32, i32) {
    %c0_i32 = arith.constant 0 : i32
    %c0_i32_0 = arith.constant 0 : i32
    %c0_i32_1 = arith.constant 0 : i32
    return %c0_i32, %c0_i32_0 : i32, i32
  }
  func.func @transform_6(%arg0: i32) -> (i32, i32) {
    %c0_i32 = arith.constant 0 : i32
    %c0_i32_0 = arith.constant 0 : i32
    return %arg0, %c0_i32 : i32, i32
  }
  func.func @transform_7(%arg0: i32) -> (i32, i32) {
    %c0_i32 = arith.constant 0 : i32
    %c0_i32_0 = arith.constant 0 : i32
    return %arg0, %c0_i32 : i32, i32
  }
}

module attributes {stable_mosaic.version = 14 : i64} {
  func.func @_final_body(%arg0: i32, %arg1: memref<2x1024x128xf32, #tpu.memory_space<vmem>>, %arg2: memref<2x1024x128xf32, #tpu.memory_space<vmem>>, %arg3: memref<1024x128xf32, #tpu.memory_space<vmem>>, %arg4: memref<1024x128xf32, #tpu.memory_space<vmem>>) attributes {dimension_semantics = [#tpu.dimension_semantics<arbitrary>], iteration_bounds = array<i64: 10>, scalar_prefetch = 0 : i64, scratch_operands = 0 : i64, tpu.core_type = #tpu.core_type<tc>, window_params = [{transform_indices = @transform_0, window_bounds = array<i64: 2, 1024, 128>}, {transform_indices = @transform_1, window_bounds = array<i64: 2, 1024, 128>}, {transform_indices = @transform_2, window_bounds = array<i64: 1024, 128>}, {transform_indices = @transform_3, window_bounds = array<i64: 1024, 128>}]} {
    %get3A = arith.constant 0 : index
    %get3A_0 = arith.constant 0 : index
    %get3A_1 = arith.constant 0 : index
    %get3A_2 = vector.load %arg2[%get3A, %get3A_0, %get3A_1] : memref<2x1024x128xf32, #tpu.memory_space<vmem>>, vector<1x1024x128xf32>
    %get3A_3 = vector.shape_cast %get3A_2 : vector<1x1024x128xf32> to vector<1024x128xf32>
    %get3A_4 = arith.constant 1 : index
    %get3A_5 = arith.constant 0 : index
    %get3A_6 = arith.constant 0 : index
    %get3A_7 = vector.load %arg2[%get3A_4, %get3A_5, %get3A_6] : memref<2x1024x128xf32, #tpu.memory_space<vmem>>, vector<1x1024x128xf32>
    %get3A_8 = vector.shape_cast %get3A_7 : vector<1x1024x128xf32> to vector<1024x128xf32>
    %add3A = arith.addf %get3A_3, %get3A_8 : vector<1024x128xf32>
    %get3A_9 = arith.constant 0 : index
    %get3A_10 = arith.constant 0 : index
    %get3A_11 = arith.constant 0 : index
    %get3A_12 = vector.load %arg1[%get3A_9, %get3A_10, %get3A_11] : memref<2x1024x128xf32, #tpu.memory_space<vmem>>, vector<1x1024x128xf32>
    %get3A_13 = vector.shape_cast %get3A_12 : vector<1x1024x128xf32> to vector<1024x128xf32>
    %get3A_14 = arith.constant 1 : index
    %get3A_15 = arith.constant 0 : index
    %get3A_16 = arith.constant 0 : index
    %get3A_17 = vector.load %arg1[%get3A_14, %get3A_15, %get3A_16] : memref<2x1024x128xf32, #tpu.memory_space<vmem>>, vector<1x1024x128xf32>
    %get3A_18 = vector.shape_cast %get3A_17 : vector<1x1024x128xf32> to vector<1024x128xf32>
    %add3A_19 = arith.addf %get3A_13, %get3A_18 : vector<1024x128xf32>
    %max3A = arith.constant 1.000000e+00 : f32
    %max3A_20 = vector.broadcast %max3A : f32 to vector<1024x128xf32>
    %max3A_21 = arith.maximumf %add3A, %max3A_20 : vector<1024x128xf32>
    %div3A = arith.divf %add3A_19, %max3A_21 : vector<1024x128xf32>
    %get3A_22 = arith.constant 0 : index
    %get3A_23 = arith.constant 0 : index
    %get3A_24 = vector.load %arg3[%get3A_22, %get3A_23] : memref<1024x128xf32, #tpu.memory_space<vmem>>, vector<1024x128xf32>
    %add3A_25 = arith.addf %div3A, %get3A_24 : vector<1024x128xf32>
    %swap3A = arith.constant 0 : index
    %swap3A_26 = arith.constant 0 : index
    %swap3A_27 = vector.load %arg4[%swap3A, %swap3A_26] : memref<1024x128xf32, #tpu.memory_space<vmem>>, vector<1024x128xf32>
    tpu.vector_store %arg4[%swap3A, %swap3A_26], %add3A_25 {strides = array<i32>} : memref<1024x128xf32, #tpu.memory_space<vmem>>, vector<1024x128xf32>,
    return
  }
  func.func @transform_0(%arg0: i32) -> (i32, i32, i32) {
    %c0_i32 = arith.constant 0 : i32
    %c0_i32_0 = arith.constant 0 : i32
    %c0_i32_1 = arith.constant 0 : i32
    return %c0_i32, %arg0, %c0_i32_0 : i32, i32, i32
  }
  func.func @transform_1(%arg0: i32) -> (i32, i32, i32) {
    %c0_i32 = arith.constant 0 : i32
    %c0_i32_0 = arith.constant 0 : i32
    %c0_i32_1 = arith.constant 0 : i32
    return %c0_i32, %arg0, %c0_i32_0 : i32, i32, i32
  }
  func.func @transform_2(%arg0: i32) -> (i32, i32) {
    %c0_i32 = arith.constant 0 : i32
    %c0_i32_0 = arith.constant 0 : i32
    return %arg0, %c0_i32 : i32, i32
  }
  func.func @transform_3(%arg0: i32) -> (i32, i32) {
    %c0_i32 = arith.constant 0 : i32
    %c0_i32_0 = arith.constant 0 : i32
    return %arg0, %c0_i32 : i32, i32
  }
}

</mosaic_0001>

<sc_bundles>
// kernel: kernel.11.cloned.1.call-start
scs
__scs_entry_jumppad:
0x0: {  	(pc) =	sbr.rel $0x88, $3  }
0x1: {  	(tag) =	ssettag $0x0;
	lr =	simm.s32 $0x1  }
0x2: {  	[smem:$0x3F99] =	sst lr;
	_ =	strace $0xD0000000  }
0x3: {  	_ = 	snop  }
0x4: {  	_ = 	snop  }
0x5: {  	_ = 	snop  }
0x6: {  	_ = 	snop  }
0x7: {  	_ = 	snop  }
__scs_overlays_trampoline_lowered:
0x8: {  	[smem:$0x3FA8] =	sst s0  }
0x9: {  	[smem:$0x3FA9] =	sst s1  }
0xa: {  	[smem:$0x3FAA] =	sst s2  }
0xb: {  	[smem:$0x3FAB] =	sst s3  }
0xc: {  	[smem:$0x3FAC] =	sst s4  }
0xd: {  	[smem:$0x3FAD] =	sst s5  }
0xe: {  	[smem:$0x3FAE] =	sst s6  }
0xf: {  	[smem:$0x3FAF] =	sst s7  }
0x10: {  	[smem:$0x3FB0] =	sst s8  }
0x11: {  	[smem:$0x3FB1] =	sst s9;
	s0 =	simm.s32 @!p0 $0x0  }
0x12: {  	s1 =	sld [smem:$0x3F97];
	s0 =	simm.s32 @p0 $0x1  }
0x13: {  	[smem:$0x3FB2] =	sst s0;
	s0 =	simm.s32 @!p1 $0x0  }
0x14: {  	s2 =	sld [smem:$0x3F96];
	s0 =	simm.s32 @p1 $0x1  }
0x15: {  	[smem:$0x3FB3] =	sst s0;
	s0 =	simm.s32 @!p2 $0x0  }
0x16: {  	s3 =	sld [smem:$0x3FDB];
	s0 =	simm.s32 @p2 $0x1  }
0x17: {  	s4 =	simm.s32 $0x1BF5;
	[smem:$0x3FB5] =	sst s0  }
0x18: {  	s0 =	sld [smem:$0x3F98];
	_ =	swait.ge [sflag:s4], $0x0  }
0x19: {  	s7 =	sld [smem:$0x3F99]  }
0x1a: {  	s8 =	sadd.s32 $0xFFFFE003, lr  }
0x1b: {  	s9 =	sadd.s32 $0xFFFFFEF7, lr;
	s5 =	simm.s32 $0xFFFFFFFF;
	p2 =	slt.u32 s8, $0xFFFFF086  }
0x1c: {  	p1 =	slt.u32 s9, $0xF7A;
	s5 =	simm.s32 @!p2 $0x0  }
0x1d: {  	s5 =	simm.s32 @p1 $0x1;
	p0 =	seq.s32 s7, s2  }
0x1e: {  	s7 =	smul.u32 @!p0 $0xF7A, s2;
	p2 =	seq.s32 @!p0 s5, $0x0  }
0x1f: {  	s9 =	smul.u32 $0xF7A, s1;
	s8 =	simm.s32 @!p0 $0x1BF5;
	p2 =	por !p2, p0  }
0x20: {  	[sflag:s8] =	ssyncset.s32 @!p0 $0xFFFFF086;
	s6 =	sadd.s32 @!p0 s3, s7;
	s7 =	simm.s32 @!p0 $0x108  }
0x21: {  	s3 =	sadd.s32 s3, s9;
	s6 =	sadd.s32 @!p0 $0x88, s6;
	s7 =	simm.s32 @p2 $0x1082  }
0x22: {  	[simem:s7], [sflag:s8] =	dma.local @!p0 [hbm:s6], $0xF7A  }
0x23: {  	s9 =	sor.u32 $0xD0000000, s2;
	s6 =	simm.s32 $0x108;
	_ =	swait.ge @!p0 [sflag:s8], $0x0  }
0x24: {  	s3 =	sadd.s32 $0x88, s3;
	s6 =	simm.s32 @!p1 $0x1082;
	[sflag:s4] =	ssyncset.s32 $0xFFFFF086  }
0x25: {  	[simem:s6], [sflag:s4] =	dma.local [hbm:s3], $0xF7A  }
0x26: {  	[smem:$0x3F99] =	sst s1;
	(tag) =	ssettag s2;
	_ =	strace s9  }
0x27: {  	s1 =	sld [smem:$0x3FA9]  }
0x28: {  	s2 =	sld [smem:$0x3FAA]  }
0x29: {  	s4 =	sld [smem:$0x3FAC]  }
0x2a: {  	p0 =	seq.s32 s5, $0x0;
	s5 =	sld [smem:$0x3FAD]  }
0x2b: {  	s6 =	sld [smem:$0x3FAE]  }
0x2c: {  	s7 =	sld [smem:$0x3FAF]  }
0x2d: {  	s3 =	simm.s32 $0x108;
	s8 =	sld [smem:$0x3FB0]  }
0x2e: {  	s3 =	simm.s32 @!p0 $0x1082;
	s9 =	sld [smem:$0x3FB1]  }
0x2f: {  	lr =	sadd.s32 s0, s3;
	s0 =	sld [smem:$0x3FA8]  }
0x30: {  	s3 =	sld [smem:$0x3FAB]  }
0x31: {  	[smem:$0x3FB4] =	sst s10  }
0x32: {  	s10 =	sld [smem:$0x3FB2];
	_ =	sdelay $0x3  }
0x33: {  	p0 =	seq.s32 s10, $0x1;
	s10 =	sld [smem:$0x3FB4];
	_ =	sdelay $0x3  }
0x34: {  	[smem:$0x3FB4] =	sst s10  }
0x35: {  	s10 =	sld [smem:$0x3FB3];
	_ =	sdelay $0x3  }
0x36: {  	p1 =	seq.s32 s10, $0x1;
	s10 =	sld [smem:$0x3FB4];
	_ =	sdelay $0x3  }
0x37: {  	[smem:$0x3FB4] =	sst s10  }
0x38: {  	s10 =	sld [smem:$0x3FB5]  }
0x39: {  	_ = 	snop;
	(pc) =	sbr.ind lr, $3  }
0x3a: {  	_ = 	snop  }
0x3b: {  	_ = 	snop  }
0x3c: {  	p2 =	seq.s32 s10, $0x1;
	s10 =	sld [smem:$0x3FB4]  }
0x3d: {  	_ =	shalt  }
0x3e: {  	_ =	shalt  }
0x3f: {  	_ =	shalt  }
0x40: {  	_ =	shalt  }
0x41: {  	_ =	shalt  }
0x42: {  	_ =	shalt  }
0x43: {  	_ =	shalt  }
0x44: {  	_ =	shalt  }
0x45: {  	_ =	shalt  }
0x46: {  	_ =	shalt  }
0x47: {  	_ =	shalt  }
0x48: {  	_ =	shalt  }
0x49: {  	_ =	shalt  }
0x4a: {  	_ =	shalt  }
0x4b: {  	_ =	shalt  }
0x4c: {  	_ =	shalt  }
0x4d: {  	_ =	shalt  }
0x4e: {  	_ =	shalt  }
0x4f: {  	_ =	shalt  }
0x50: {  	_ =	shalt  }
0x51: {  	_ =	shalt  }
0x52: {  	_ =	shalt  }
0x53: {  	_ =	shalt  }
0x54: {  	_ =	shalt  }
0x55: {  	_ =	shalt  }
0x56: {  	_ =	shalt  }
0x57: {  	_ =	shalt  }
0x58: {  	_ =	shalt  }
0x59: {  	_ =	shalt  }
0x5a: {  	_ =	shalt  }
0x5b: {  	_ =	shalt  }
0x5c: {  	_ =	shalt  }
0x5d: {  	_ =	shalt  }
0x5e: {  	_ =	shalt  }
0x5f: {  	_ =	shalt  }
0x60: {  	_ =	shalt  }
0x61: {  	_ =	shalt  }
0x62: {  	_ =	shalt  }
0x63: {  	_ =	shalt  }
0x64: {  	_ =	shalt  }
0x65: {  	_ =	shalt  }
0x66: {  	_ =	shalt  }
0x67: {  	_ =	shalt  }
0x68: {  	_ =	shalt  }
0x69: {  	_ =	shalt  }
0x6a: {  	_ =	shalt  }
0x6b: {  	_ =	shalt  }
0x6c: {  	_ =	shalt  }
0x6d: {  	_ =	shalt  }
0x6e: {  	_ =	shalt  }
0x6f: {  	_ =	shalt  }
0x70: {  	_ =	shalt  }
0x71: {  	_ =	shalt  }
0x72: {  	_ =	shalt  }
0x73: {  	_ =	shalt  }
0x74: {  	_ =	shalt  }
0x75: {  	_ =	shalt  }
0x76: {  	_ =	shalt  }
0x77: {  	_ =	shalt  }
0x78: {  	_ =	shalt  }
0x79: {  	_ =	shalt  }
0x7a: {  	_ =	shalt  }
0x7b: {  	_ =	shalt  }
0x7c: {  	_ =	shalt  }
0x7d: {  	_ =	shalt  }
0x7e: {  	_ =	shalt  }
0x7f: {  	_ =	shalt  }
0x80: {  	_ =	shalt  }
0x81: {  	_ =	shalt  }
0x82: {  	_ =	shalt  }
0x83: {  	_ =	shalt  }
0x84: {  	_ =	shalt  }
0x85: {  	_ =	shalt  }
0x86: {  	_ =	shalt  }
0x87: {  	_ =	shalt  }
.Lfunc_end0:
.L_simem_size_0:
called_computation.1_lowered:
.L_overlay_start_0:
0x88: {  	s2 =	sld [smem:$0x3FD9]  }
0x89: {  	s3 =	sld [smem:$0x3FFE];
	_ =	sdelay $0x1  }
0x8a: {  	s1 =	srdreg.scid  }
0x8b: {  	s0 =	sand.u32 $0x1, s1  }
0x8c: {  	s17 =	sshll.u32 s0, $0xA;
	s2 =	sadd.s32 s3, s2  }
0x8d: {  	s2 =	sadd.s32 s2, s17  }
0x8e: {  	[smem:$0x3FC0] =	sst s2  }
0x8f: {  	_ = 	snop  }
0x90: {  	s2 =	sld [smem:$0x3FD0];
	(tm) =	ssettm $0x1  }
0x91: {  	s18 =	sld [smem:$0x3FFB];
	_ =	sdelay $0x3  }
0x92: {  	_ =	strace s18  }
0x93: {  	s3 =	sld [smem:$0x3FFC];
	_ =	sdelay $0x3  }
0x94: {  	_ =	strace s3  }
0x95: {  	s3 =	sld [smem:$0x3FFD];
	_ =	sdelay $0x3  }
0x96: {  	_ =	strace s3  }
0x97: {  	_ =	strace $0x8FFFFFFF  }
0x98: {  	s19 =	sld [smem:$0x3FDB];
	_ =	sdelay $0x1  }
0x99: {  	s4 =	simm.s32 $_scs_section_size  }
0x9a: {  	s5 =	simm.s32 $_size__tile_overlayer_lowered;
	s6 =	simm.s32 $_tile_overlayer_lowered  }
0x9b: {  	s22 =	simm.s32 $0x1BFF;
	s21 =	sshll.u32 s6, $0x1;
	s3 =	sadd.s32 s4, s19  }
0x9c: {  	s7 =	simm.s32 $0x0;
	s20 =	sshll.u32 s5, $0x1;
	s5 =	sadd.s32 s21, s3  }
0x9d: {  	[timem:s7], [sflag:s22] =	dma.local [hbm:s5], s20  }
0x9e: {  	_ =	swait.ge [sflag:s22], s20  }
0x9f: {  	s4 =	ssub.s32 $0x0, s20;
	[sflag:s22] =	ssyncset.done $0x0  }
0xa0: {  	[sflag:s22] =	ssyncadd.s32 s4;
	_ =	sdelay $0x1  }
0xa1: {  	s23 =	simm.s32 $0x1B8B  }
0xa2: {  	_ =	swait.ge [sflag:s23], $0x1  }
0xa3: {  	[sflag:s23] =	ssyncset.done $0x0  }
0xa4: {  	s25 =	simm.s32 $0x1B8E;
	s24 =	sld [smem:$0x3FFE];
	[sflag:s23] =	ssyncadd.s32 $0xFFFFFFFF  }
0xa5: {  	s26 =	simm.s32 $execute0_lowered;
	[smem:$0x3FD2] =	sst s25  }
0xa6: {  	s5 =	sshll.u32 s26, $0x1;
	_ =	strace $0x80000046;
	[dreg:$0x1] =	wrdreg $0xFFFFFFFF  }
0xa7: {  	s28 =	simm.s32 $_size_execute0_lowered;
	s3 =	sadd.s32 s3, s5;
	[dreg:$0x0] =	wrdreg $0x0  }
0xa8: {  	s5 =	sshll.u32 s28, $0x1;
	[dreg:$0x2] =	wrdreg s3  }
0xa9: {  	[dreg:$0x3] =	wrdreg s5  }
0xaa: {  	[dreg:$0x4] =	wrdreg $0xC0  }
0xab: {  	_ =	task [dreg:s7], $0x5FFFF  }
0xac: {  	[dreg:$0x1] =	wrdreg $0xFFFFFFFF  }
0xad: {  	[dreg:$0x0] =	wrdreg $0x60  }
0xae: {  	[dreg:$0x2] =	wrdreg s2  }
0xaf: {  	[dreg:$0x3] =	wrdreg s24  }
0xb0: {  	[dreg:$0x4] =	wrdreg $0xB3000  }
0xb1: {  	[dreg:$0x5] =	wrdreg $0xA  }
0xb2: {  	_ =	task.clear_ibuf [dreg:s7], $0x6FFFF;
	_ =	strace $0x90000046  }
0xb3: {  	s29 =	simm.s32 $0xA;
	_ =	strace $0x80000048  }
0xb4: {  	_ =	swait.ge [sflag:s29], $0x1  }
0xb5: {  	[sflag:s29] =	ssyncadd.s32 $0xFFFFFFFF  }
0xb6: {  	_ =	strace $0x90000048  }
0xb7: {  	_ =	sfence  }
0xb8: {  	s30 =	sld [smem:$0x0];
	_ =	sdelay $0x2  }
0xb9: {  	s31 =	sshll.u32 s1, $0xD;
	s1 =	sshrl.u32 s1, $0x2  }
0xba: {  	s3 =	sand.u32 $0x4000, s31;
	s1 =	sadd.s32 s1, s30  }
0xbb: {  	s0 =	sor.u32 s3, s0;
	s1 =	sshll.u32 s1, $0x11  }
0xbc: {  	s0 =	sor.u32 s1, s0  }
0xbd: {  	s0 =	sadd.s32 $0x8F2B, s0  }
0xbe: {  	[sflag:s0] =	ssyncadd.remote.s32 $0x1  }
0xbf: {  	_ =	sfence.sel $0xFFFF  }
0xc0: {  	[dreg:$0x0] =	wrdreg $0xFFFFFFFF;
	(pc) =	sbr.abs _section_cstart, $3  }
0xc1: {  	[dreg:$0x1] =	wrdreg $0xFFFFFFFF  }
0xc2: {  	_ =	task.clear_ibuf [dreg:s7], $0x2FFFF;
	_ =	strace $0x9FFFFFFF  }
0xc3: {  	(tm) =	ssettm $0x7FFFFFFF  }
tec
execute0_lowered:
.L_overlay_start_1:
0x0: {  	(tag) =	ssettag $0x1  }
0x1: {  	s1 =	rddreg [dreg:$0x0]  }
0x2: {  	s0 =	srdreg.scid;
	s4 =	rddreg [dreg:$0x1]  }
0x3: {  	s13 =	stileid.u32;
	s3 =	rddreg [dreg:$0x2];
	s6 =	simm.s32 $0x0  }
0x4: {  	s10 =	simm.s32 $0x80;
	s11 =	simm.s32 $0x400;
	s12 =	simm.s32 $0xB  }
0x5: {  	s14 =	simm.s32 $0x28;
	s15 =	simm.s32 $0x4F00;
	s16 =	simm.s32 $0x6300  }
0x6: {  	s18 =	simm.s32 $0x7700;
	s20 =	simm.s32 $0x8B00;
	s28 =	simm.s32 $0x3  }
0x7: {  	s29 =	simm.s32 $0x4;
	s30 =	simm.s32 $0x5;
	s31 =	simm.s32 $0x6  }
0x8: {  	s17 =	simm.s32 $0xA;
	s0 =	sand.u32 $0x1, s0;
	s21 =	smul.u32 $0x14000, s13  }
0x9: {  	s5 =	sshll.u32 s13, $0x7;
	[smem:$0x7FF] =	sst s6;
	s8 =	smul.u32 $0x50000, s13  }
0xa: {  	s26 =	sshll.u32 s13, $0x6;
	s2 =	sshll.u32 s0, $0x4;
	s5 =	sand.u32 $0x380, s5  }
0xb: {  	s22 =	smul.u32 $0x140000, s0;
	_ =	strace $0x80000047;
	s0 =	ssub.s32 $0x2, s0  }
0xc: {  	s2 =	sor.u32 s13, s2;
	s7 =	sshrl.u32 s21, $0x3;
	s23 =	sshrl.u32 s0, $0x1  }
0xd: {  	s25 =	sshrl.u32 s8, $0x2;
	s13 =	simm.s32 $0x9;
	s2 =	sshrl.u32 s2, $0x3  }
0xe: {  	s7 =	sadd.s32 s7, s4;
	s0 =	ssub.s32 s0, s23;
	s2 =	smul.u32 $0x13C00, s2  }
0xf: {  	s23 =	sor.u32 $0x1C0B, s26;
	s26 =	simm.s32 $0x2;
	s7 =	sadd.s32 $0x15800, s7  }
0x10: {  	s9 =	smax.u32 s0, $0x1;
	s0 =	simm.s32 $0x8;
	s2 =	sor.u32 s5, s2  }
0x11: {  	s5 =	sadd.s32 s21, s22;
	s22 =	simm.s32 $0x9F00;
	s2 =	sshrl.u32 s2, $0x3  }
0x12: {  	s21 =	simm.s32 $0x0;
	s5 =	sshrl.u32 s5, $0x3;
	s2 =	sadd.s32 s2, s4  }
0x13: {  	s4 =	sadd.s32 s5, s4;
	s24 =	sadd.s32 $0xBA00, s2;
	s6 =	sadd.s32 $0x1C00, s2  }
0x14: {  	s2 =	sadd.s32 s25, s3;
	s8 =	sadd.s32 $0x3D800, s4;
	s25 =	simm.s32 $0x1  }
0x15: {  	[dreg:$0x4] =	wrdreg s24;
	s24 =	sshrl.u32 s2, $0x3;
	s2 =	simm.s32 $0x7  }
.LBB2_1:
0x16: {  	s4 =	simm.s32 $0x0;
	s5 =	rddreg [dreg:$0x4]  }
0x17: {  	[tilespmem:s4], [sflag:$0xB] =	stream.strided.gather [hbm4b:s5+s10], $0x2780, s11, s10, $0x38;
	[tilespmem:$0x1F300] =	vst v63  }
0x18: {  	_ =	swait.ge [sflag:s12], $0x2780  }
0x19: {  	[sflag:s12] =	ssyncset.done $0x0  }
0x1a: {  	s19 =	simm.s32 $0x2780;
	[sflag:s12] =	ssyncadd.s32 $0xFFFFD880  }
0x1b: {  	[tilespmem:s19], [sflag:$0xB] =	stream.strided.gather [hbm4b:s6+s10], $0x2780, s11, s10, $0x38;
	[tilespmem:$0x1F300] =	vst v63  }
0x1c: {  	_ =	swait.ge [sflag:s12], $0x2780  }
0x1d: {  	[sflag:s12] =	ssyncset.done $0x0  }
0x1e: {  	[sflag:s12] =	ssyncadd.s32 $0xFFFFD880  }
0x1f: {  	[tilespmem:s15], [sflag:$0x1] =	stream.indirect.gather [hbm4b:s1+s14], $0x80, s4, s14, $0xb8;
	[tilespmem:$0x1F300] =	vst v63  }
0x20: {  	_ = 	snop  }
0x21: {  	[tilespmem:s16], [sflag:$0x2] =	stream.indirect.gather [hbm4b:s1+s14], $0x80, s14, s14, $0xb8;
	[tilespmem:$0x1F300] =	vst v63  }
0x22: {  	s5 =	simm.s32 $0x50  }
0x23: {  	[tilespmem:s18], [sflag:$0x3] =	stream.indirect.gather [hbm4b:s1+s14], $0x80, s5, s14, $0xb8;
	[tilespmem:$0x1F300] =	vst v63  }
0x24: {  	s19 =	simm.s32 $0x78  }
0x25: {  	[tilespmem:s20], [sflag:$0x4] =	stream.indirect.gather [hbm4b:s1+s14], $0x80, s19, s14, $0xb8;
	[tilespmem:$0x1F300] =	vst v63  }
0x26: {  	s5 =	simm.s32 $0xA0  }
0x27: {  	[tilespmem:s22], [sflag:$0x5] =	stream.indirect.gather [hbm4b:s1+s14], $0x80, s5, s14, $0xb8;
	[tilespmem:$0x1F300] =	vst v63  }
0x28: {  	[spmem:s24], [sflag:s23] =	dma.local [hbm:s7], $0x2800  }
0x29: {  	_ =	swait.ge [sflag:s12], $0x2800  }
0x2a: {  	[sflag:s12] =	ssyncset.done $0x0  }
0x2b: {  	[sflag:s12] =	ssyncadd.s32 $0xFFFFD800  }
0x2c: {  	[bflag:$0x0] =	sbarrier.arrive $0xFFFF  }
0x2d: {  	_ =	swait.ge [sflag:s25], $0x1400  }
0x2e: {  	[sflag:s25] =	ssyncset.done $0x0  }
0x2f: {  	s19 =	simm.s32 $0x2780;
	[sflag:s25] =	ssyncadd.s32 $0xFFFFEC00  }
0x30: {  	[spmem:s3] =	stream.indirect.scatter.add.f32 [tilespmem:s15], [sflag:$0x6], $0x80, s19, s14, $0xb8;
	[tilespmem:$0x1F300] =	vst v63  }
0x31: {  	_ =	swait.ge [sflag:s26], $0x1400  }
0x32: {  	[sflag:s26] =	ssyncset.done $0x0  }
0x33: {  	s5 =	simm.s32 $0x27A8;
	[sflag:s26] =	ssyncadd.s32 $0xFFFFEC00  }
0x34: {  	[spmem:s3] =	stream.indirect.scatter.add.f32 [tilespmem:s16], [sflag:$0x7], $0x80, s5, s14, $0xb8;
	[tilespmem:$0x1F300] =	vst v63  }
0x35: {  	_ =	swait.ge [sflag:s28], $0x1400  }
0x36: {  	[sflag:s28] =	ssyncset.done $0x0  }
0x37: {  	s19 =	simm.s32 $0x27D0;
	[sflag:s28] =	ssyncadd.s32 $0xFFFFEC00  }
0x38: {  	[spmem:s3] =	stream.indirect.scatter.add.f32 [tilespmem:s18], [sflag:$0x8], $0x80, s19, s14, $0xb8;
	[tilespmem:$0x1F300] =	vst v63  }
0x39: {  	_ =	swait.ge [sflag:s29], $0x1400  }
0x3a: {  	[sflag:s29] =	ssyncset.done $0x0  }
0x3b: {  	s5 =	simm.s32 $0x27F8;
	[sflag:s29] =	ssyncadd.s32 $0xFFFFEC00  }
0x3c: {  	[spmem:s3] =	stream.indirect.scatter.add.f32 [tilespmem:s20], [sflag:$0x9], $0x80, s5, s14, $0xb8;
	[tilespmem:$0x1F300] =	vst v63  }
0x3d: {  	_ =	swait.ge [sflag:s30], $0x1400  }
0x3e: {  	[sflag:s30] =	ssyncset.done $0x0  }
0x3f: {  	s19 =	simm.s32 $0x2820;
	[sflag:s30] =	ssyncadd.s32 $0xFFFFEC00  }
0x40: {  	[spmem:s3] =	stream.indirect.scatter.add.f32 [tilespmem:s22], [sflag:$0xA], $0x80, s19, s14, $0xb8;
	[tilespmem:$0x1F300] =	vst v63  }
0x41: {  	_ =	swait.ge [sflag:s31], $0x1400  }
0x42: {  	[sflag:s31] =	ssyncset.done $0x0  }
0x43: {  	s5 =	simm.s32 $0xC8;
	[sflag:s31] =	ssyncadd.s32 $0xFFFFEC00  }
0x44: {  	[tilespmem:s15], [sflag:$0x1] =	stream.indirect.gather [hbm4b:s1+s14], $0x80, s5, s14, $0xb8;
	[tilespmem:$0x1F300] =	vst v63  }
0x45: {  	_ =	swait.ge [sflag:s2], $0x1400  }
0x46: {  	[sflag:s2] =	ssyncset.done $0x0  }
0x47: {  	s19 =	simm.s32 $0xF0;
	[sflag:s2] =	ssyncadd.s32 $0xFFFFEC00  }
0x48: {  	[tilespmem:s16], [sflag:$0x2] =	stream.indirect.gather [hbm4b:s1+s14], $0x80, s19, s14, $0xb8;
	[tilespmem:$0x1F300] =	vst v63  }
0x49: {  	_ =	swait.ge [sflag:s0], $0x1400  }
0x4a: {  	[sflag:s0] =	ssyncset.done $0x0  }
0x4b: {  	s5 =	simm.s32 $0x118;
	[sflag:s0] =	ssyncadd.s32 $0xFFFFEC00  }
0x4c: {  	[tilespmem:s18], [sflag:$0x3] =	stream.indirect.gather [hbm4b:s1+s14], $0x80, s5, s14, $0xb8;
	[tilespmem:$0x1F300] =	vst v63  }
0x4d: {  	_ =	swait.ge [sflag:s13], $0x1400  }
0x4e: {  	[sflag:s13] =	ssyncset.done $0x0  }
0x4f: {  	s19 =	simm.s32 $0x140;
	[sflag:s13] =	ssyncadd.s32 $0xFFFFEC00  }
0x50: {  	[tilespmem:s20], [sflag:$0x4] =	stream.indirect.gather [hbm4b:s1+s14], $0x80, s19, s14, $0xb8;
	[tilespmem:$0x1F300] =	vst v63  }
0x51: {  	_ =	swait.ge [sflag:s17], $0x1400  }
0x52: {  	[sflag:s17] =	ssyncset.done $0x0  }
0x53: {  	s4 =	simm.s32 $0x168;
	s19 =	simm.s32 $0x320;
	[sflag:s17] =	ssyncadd.s32 $0xFFFFEC00  }
.LBB2_2:
0x54: {  	[tilespmem:s22], [sflag:$0x5] =	stream.indirect.gather [hbm4b:s1+s14], $0x80, s4, s14, $0xb8;
	[tilespmem:$0x1F300] =	vst v63  }
0x55: {  	s4 =	smov.u32 s19  }
0x56: {  	p0 =	sne.s32 s19, $0x9600;
	s19 =	sadd.s32 $0x320, s19;
	_ =	swait.ge [sflag:s25], $0x1400  }
0x57: {  	s4 =	sshra.s32 s4, $0x2;
	[sflag:s25] =	ssyncset.done $0x0  }
0x58: {  	s5 =	sadd.s32 $0x2780, s4;
	[sflag:s25] =	ssyncadd.s32 $0xFFFFEC00  }
0x59: {  	[spmem:s3] =	stream.indirect.scatter.add.f32 [tilespmem:s15], [sflag:$0x6], $0x80, s5, s14, $0xb8;
	[tilespmem:$0x1F300] =	vst v63  }
0x5a: {  	_ =	swait.ge [sflag:s26], $0x1400  }
0x5b: {  	[sflag:s26] =	ssyncset.done $0x0  }
0x5c: {  	s5 =	sadd.s32 $0x27A8, s4;
	[sflag:s26] =	ssyncadd.s32 $0xFFFFEC00  }
0x5d: {  	[spmem:s3] =	stream.indirect.scatter.add.f32 [tilespmem:s16], [sflag:$0x7], $0x80, s5, s14, $0xb8;
	[tilespmem:$0x1F300] =	vst v63  }
0x5e: {  	_ =	swait.ge [sflag:s28], $0x1400  }
0x5f: {  	[sflag:s28] =	ssyncset.done $0x0  }
0x60: {  	s5 =	sadd.s32 $0x27D0, s4;
	[sflag:s28] =	ssyncadd.s32 $0xFFFFEC00  }
0x61: {  	[spmem:s3] =	stream.indirect.scatter.add.f32 [tilespmem:s18], [sflag:$0x8], $0x80, s5, s14, $0xb8;
	[tilespmem:$0x1F300] =	vst v63  }
0x62: {  	_ =	swait.ge [sflag:s29], $0x1400  }
0x63: {  	[sflag:s29] =	ssyncset.done $0x0  }
0x64: {  	s5 =	sadd.s32 $0x27F8, s4;
	[sflag:s29] =	ssyncadd.s32 $0xFFFFEC00  }
0x65: {  	[spmem:s3] =	stream.indirect.scatter.add.f32 [tilespmem:s20], [sflag:$0x9], $0x80, s5, s14, $0xb8;
	[tilespmem:$0x1F300] =	vst v63  }
0x66: {  	_ =	swait.ge [sflag:s30], $0x1400  }
0x67: {  	[sflag:s30] =	ssyncset.done $0x0  }
0x68: {  	s5 =	sadd.s32 $0x2820, s4;
	[sflag:s30] =	ssyncadd.s32 $0xFFFFEC00  }
0x69: {  	[spmem:s3] =	stream.indirect.scatter.add.f32 [tilespmem:s22], [sflag:$0xA], $0x80, s5, s14, $0xb8;
	[tilespmem:$0x1F300] =	vst v63  }
0x6a: {  	_ =	swait.ge [sflag:s31], $0x1400  }
0x6b: {  	[sflag:s31] =	ssyncset.done $0x0  }
0x6c: {  	s5 =	sadd.s32 $0xC8, s4;
	[sflag:s31] =	ssyncadd.s32 $0xFFFFEC00  }
0x6d: {  	[tilespmem:s15], [sflag:$0x1] =	stream.indirect.gather [hbm4b:s1+s14], $0x80, s5, s14, $0xb8;
	[tilespmem:$0x1F300] =	vst v63  }
0x6e: {  	_ =	swait.ge [sflag:s2], $0x1400  }
0x6f: {  	[sflag:s2] =	ssyncset.done $0x0  }
0x70: {  	s5 =	sadd.s32 $0xF0, s4;
	[sflag:s2] =	ssyncadd.s32 $0xFFFFEC00  }
0x71: {  	[tilespmem:s16], [sflag:$0x2] =	stream.indirect.gather [hbm4b:s1+s14], $0x80, s5, s14, $0xb8;
	[tilespmem:$0x1F300] =	vst v63  }
0x72: {  	_ =	swait.ge [sflag:s0], $0x1400  }
0x73: {  	[sflag:s0] =	ssyncset.done $0x0  }
0x74: {  	s5 =	sadd.s32 $0x118, s4;
	[sflag:s0] =	ssyncadd.s32 $0xFFFFEC00  }
0x75: {  	[tilespmem:s18], [sflag:$0x3] =	stream.indirect.gather [hbm4b:s1+s14], $0x80, s5, s14, $0xb8;
	[tilespmem:$0x1F300] =	vst v63  }
0x76: {  	_ =	swait.ge [sflag:s13], $0x1400  }
0x77: {  	[sflag:s13] =	ssyncset.done $0x0  }
.Ltmp0:
0x78: {  	s5 =	sadd.s32 $0x140, s4;
	[sflag:s13] =	ssyncadd.s32 $0xFFFFEC00;
	(pc) =	sbr.rel @p0 .LBB2_2-.Ltmp0, $4  }
0x79: {  	[tilespmem:s20], [sflag:$0x4] =	stream.indirect.gather [hbm4b:s1+s14], $0x80, s5, s14, $0xb8;
	[tilespmem:$0x1F300] =	vst v63  }
0x7a: {  	_ =	swait.ge [sflag:s17], $0x1400  }
0x7b: {  	[sflag:s17] =	ssyncset.done $0x0  }
0x7c: {  	s4 =	sadd.s32 $0x168, s4;
	[sflag:s17] =	ssyncadd.s32 $0xFFFFEC00  }
0x7d: {  	[tilespmem:s22], [sflag:$0x5] =	stream.indirect.gather [hbm4b:s1+s14], $0x80, s4, s14, $0xb8;
	[tilespmem:$0x1F300] =	vst v63  }
0x7e: {  	_ =	swait.ge [sflag:s25], $0x1400  }
0x7f: {  	[sflag:s25] =	ssyncset.done $0x0  }
0x80: {  	s19 =	simm.s32 $0x4DC8;
	[sflag:s25] =	ssyncadd.s32 $0xFFFFEC00  }
0x81: {  	[spmem:s3] =	stream.indirect.scatter.add.f32 [tilespmem:s15], [sflag:$0x6], $0x80, s19, s14, $0xb8;
	[tilespmem:$0x1F300] =	vst v63  }
0x82: {  	_ =	swait.ge [sflag:s26], $0x1400  }
0x83: {  	[sflag:s26] =	ssyncset.done $0x0  }
0x84: {  	s5 =	simm.s32 $0x4DF0;
	[sflag:s26] =	ssyncadd.s32 $0xFFFFEC00  }
0x85: {  	[spmem:s3] =	stream.indirect.scatter.add.f32 [tilespmem:s16], [sflag:$0x7], $0x80, s5, s14, $0xb8;
	[tilespmem:$0x1F300] =	vst v63  }
0x86: {  	_ =	swait.ge [sflag:s28], $0x1400  }
0x87: {  	[sflag:s28] =	ssyncset.done $0x0  }
0x88: {  	s19 =	simm.s32 $0x4E18;
	[sflag:s28] =	ssyncadd.s32 $0xFFFFEC00  }
0x89: {  	[spmem:s3] =	stream.indirect.scatter.add.f32 [tilespmem:s18], [sflag:$0x8], $0x80, s19, s14, $0xb8;
	[tilespmem:$0x1F300] =	vst v63  }
0x8a: {  	_ =	swait.ge [sflag:s29], $0x1400  }
0x8b: {  	[sflag:s29] =	ssyncset.done $0x0  }
0x8c: {  	s5 =	simm.s32 $0x4E40;
	[sflag:s29] =	ssyncadd.s32 $0xFFFFEC00  }
0x8d: {  	[spmem:s3] =	stream.indirect.scatter.add.f32 [tilespmem:s20], [sflag:$0x9], $0x80, s5, s14, $0xb8;
	[tilespmem:$0x1F300] =	vst v63  }
0x8e: {  	_ =	swait.ge [sflag:s30], $0x1400  }
0x8f: {  	[sflag:s30] =	ssyncset.done $0x0  }
0x90: {  	s19 =	simm.s32 $0x4E68;
	[sflag:s30] =	ssyncadd.s32 $0xFFFFEC00  }
0x91: {  	[spmem:s3] =	stream.indirect.scatter.add.f32 [tilespmem:s22], [sflag:$0xA], $0x80, s19, s14, $0xb8;
	[tilespmem:$0x1F300] =	vst v63  }
0x92: {  	_ =	swait.ge [sflag:s31], $0x1400  }
0x93: {  	[sflag:s31] =	ssyncset.done $0x0  }
0x94: {  	[sflag:s31] =	ssyncadd.s32 $0xFFFFEC00  }
0x95: {  	_ =	swait.ge [sflag:s2], $0x1400  }
0x96: {  	[sflag:s2] =	ssyncset.done $0x0  }
0x97: {  	[sflag:s2] =	ssyncadd.s32 $0xFFFFEC00  }
0x98: {  	_ =	swait.ge [sflag:s0], $0x1400  }
0x99: {  	[sflag:s0] =	ssyncset.done $0x0  }
0x9a: {  	[sflag:s0] =	ssyncadd.s32 $0xFFFFEC00  }
0x9b: {  	_ =	swait.ge [sflag:s13], $0x1400  }
0x9c: {  	[sflag:s13] =	ssyncset.done $0x0  }
0x9d: {  	[sflag:s13] =	ssyncadd.s32 $0xFFFFEC00  }
0x9e: {  	_ =	swait.ge [sflag:s17], $0x1400  }
0x9f: {  	s21 =	sadd.s32 $0x1, s21;
	[sflag:s17] =	ssyncset.done $0x0  }
0xa0: {  	p0 =	sne.s32 s21, s9;
	[sflag:s17] =	ssyncadd.s32 $0xFFFFEC00  }
.Ltmp1:
0xa1: {  	[bflag:$0x0] =	sbarrier.arrive $0xFFFF;
	(pc) =	sbr.rel @p0 .LBB2_1-.Ltmp1, $4  }
0xa2: {  	[hbm:s8], [sflag:s23] =	dma.local [spmem:s24], $0x2800  }
0xa3: {  	_ =	swait.ge [sflag:s12], $0x2800  }
0xa4: {  	[sflag:s12] =	ssyncset.done $0x0  }
0xa5: {  	[sflag:s12] =	ssyncadd.s32 $0xFFFFD800  }
0xa6: {  	_ =	sfence.sel $0x180000  }
0xa7: {  	[bflag:$0x0] =	sbarrier.arrive $0xFFFF  }
0xa8: {  	_ =	strace $0x90000047  }
0xa9: {  	s0 =	stileid.u32;
	[bflag:$0x2] =	sbarrier.arrive $0xFFFF  }
0xaa: {  	p0 =	sne.s32 s0, $0x0;
	s0 =	rddreg [dreg:$0x3]  }
0xab: {  	s0 =	sadd.s32 @!p0 $0x100000, s0  }
0xac: {  	[sflag:s0] =	ssyncadd.tile.s32 @!p0 $0x1;
	_ =	shalt  }
.Lfunc_end2:
_tile_overlayer_lowered:
.L_overlay_start_2:
0xad: {  	(tag) =	ssettag $0x2  }
0xae: {  	s0 =	rddreg [dreg:$0x0];
	s2 =	stileid.u32  }
0xaf: {  	s1 =	rddreg [dreg:$0x1];
	p0 =	sne.s32 s2, $0x0  }
0xb0: {  	s3 =	rddreg [dreg:$0x2];
	[bflag:$0x3] =	sbarrier.arrive $0xFFFF;
	s2 =	simm.s32 @!p0 $0x1C0B  }
0xb1: {  	[timem:s3], [sflag:s2] =	dma.local @!p0 [hbm:s0], s1  }
0xb2: {  	s0 =	simm.s32 @!p0 $0xB  }
0xb3: {  	_ =	swait.ge @!p0 [sflag:s0], s1  }
0xb4: {  	s1 =	ssub.s32 @!p0 $0x0, s1;
	[sflag:s0] =	ssyncset.done @!p0 $0x0  }
0xb5: {  	[sflag:s0] =	ssyncadd.s32 @!p0 s1  }
0xb6: {  	[bflag:$0x3] =	sbarrier.arrive $0xFFFF  }
0xb7: {  	_ =	shalt  }

// kernel: kernel.14.cloned.1.call-start
scs
__scs_entry_jumppad:
0x0: {  	(pc) =	sbr.rel $0x88, $3  }
0x1: {  	(tag) =	ssettag $0x0;
	lr =	simm.s32 $0x1  }
0x2: {  	[smem:$0x3F99] =	sst lr;
	_ =	strace $0xD0000000  }
0x3: {  	_ = 	snop  }
0x4: {  	_ = 	snop  }
0x5: {  	_ = 	snop  }
0x6: {  	_ = 	snop  }
0x7: {  	_ = 	snop  }
__scs_overlays_trampoline_lowered:
0x8: {  	[smem:$0x3FA8] =	sst s0  }
0x9: {  	[smem:$0x3FA9] =	sst s1  }
0xa: {  	[smem:$0x3FAA] =	sst s2  }
0xb: {  	[smem:$0x3FAB] =	sst s3  }
0xc: {  	[smem:$0x3FAC] =	sst s4  }
0xd: {  	[smem:$0x3FAD] =	sst s5  }
0xe: {  	[smem:$0x3FAE] =	sst s6  }
0xf: {  	[smem:$0x3FAF] =	sst s7  }
0x10: {  	[smem:$0x3FB0] =	sst s8  }
0x11: {  	[smem:$0x3FB1] =	sst s9;
	s0 =	simm.s32 @!p0 $0x0  }
0x12: {  	s1 =	sld [smem:$0x3F97];
	s0 =	simm.s32 @p0 $0x1  }
0x13: {  	[smem:$0x3FB2] =	sst s0;
	s0 =	simm.s32 @!p1 $0x0  }
0x14: {  	s2 =	sld [smem:$0x3F96];
	s0 =	simm.s32 @p1 $0x1  }
0x15: {  	[smem:$0x3FB3] =	sst s0;
	s0 =	simm.s32 @!p2 $0x0  }
0x16: {  	s3 =	sld [smem:$0x3FDB];
	s0 =	simm.s32 @p2 $0x1  }
0x17: {  	s4 =	simm.s32 $0x1BF5;
	[smem:$0x3FB5] =	sst s0  }
0x18: {  	s0 =	sld [smem:$0x3F98];
	_ =	swait.ge [sflag:s4], $0x0  }
0x19: {  	s7 =	sld [smem:$0x3F99]  }
0x1a: {  	s8 =	sadd.s32 $0xFFFFE003, lr  }
0x1b: {  	s9 =	sadd.s32 $0xFFFFFEF7, lr;
	s5 =	simm.s32 $0xFFFFFFFF;
	p2 =	slt.u32 s8, $0xFFFFF086  }
0x1c: {  	p1 =	slt.u32 s9, $0xF7A;
	s5 =	simm.s32 @!p2 $0x0  }
0x1d: {  	s5 =	simm.s32 @p1 $0x1;
	p0 =	seq.s32 s7, s2  }
0x1e: {  	s7 =	smul.u32 @!p0 $0xF7A, s2;
	p2 =	seq.s32 @!p0 s5, $0x0  }
0x1f: {  	s9 =	smul.u32 $0xF7A, s1;
	s8 =	simm.s32 @!p0 $0x1BF5;
	p2 =	por !p2, p0  }
0x20: {  	[sflag:s8] =	ssyncset.s32 @!p0 $0xFFFFF086;
	s6 =	sadd.s32 @!p0 s3, s7;
	s7 =	simm.s32 @!p0 $0x108  }
0x21: {  	s3 =	sadd.s32 s3, s9;
	s6 =	sadd.s32 @!p0 $0x88, s6;
	s7 =	simm.s32 @p2 $0x1082  }
0x22: {  	[simem:s7], [sflag:s8] =	dma.local @!p0 [hbm:s6], $0xF7A  }
0x23: {  	s9 =	sor.u32 $0xD0000000, s2;
	s6 =	simm.s32 $0x108;
	_ =	swait.ge @!p0 [sflag:s8], $0x0  }
0x24: {  	s3 =	sadd.s32 $0x88, s3;
	s6 =	simm.s32 @!p1 $0x1082;
	[sflag:s4] =	ssyncset.s32 $0xFFFFF086  }
0x25: {  	[simem:s6], [sflag:s4] =	dma.local [hbm:s3], $0xF7A  }
0x26: {  	[smem:$0x3F99] =	sst s1;
	(tag) =	ssettag s2;
	_ =	strace s9  }
0x27: {  	s1 =	sld [smem:$0x3FA9]  }
0x28: {  	s2 =	sld [smem:$0x3FAA]  }
0x29: {  	s4 =	sld [smem:$0x3FAC]  }
0x2a: {  	p0 =	seq.s32 s5, $0x0;
	s5 =	sld [smem:$0x3FAD]  }
0x2b: {  	s6 =	sld [smem:$0x3FAE]  }
0x2c: {  	s7 =	sld [smem:$0x3FAF]  }
0x2d: {  	s3 =	simm.s32 $0x108;
	s8 =	sld [smem:$0x3FB0]  }
0x2e: {  	s3 =	simm.s32 @!p0 $0x1082;
	s9 =	sld [smem:$0x3FB1]  }
0x2f: {  	lr =	sadd.s32 s0, s3;
	s0 =	sld [smem:$0x3FA8]  }
0x30: {  	s3 =	sld [smem:$0x3FAB]  }
0x31: {  	[smem:$0x3FB4] =	sst s10  }
0x32: {  	s10 =	sld [smem:$0x3FB2];
	_ =	sdelay $0x3  }
0x33: {  	p0 =	seq.s32 s10, $0x1;
	s10 =	sld [smem:$0x3FB4];
	_ =	sdelay $0x3  }
0x34: {  	[smem:$0x3FB4] =	sst s10  }
0x35: {  	s10 =	sld [smem:$0x3FB3];
	_ =	sdelay $0x3  }
0x36: {  	p1 =	seq.s32 s10, $0x1;
	s10 =	sld [smem:$0x3FB4];
	_ =	sdelay $0x3  }
0x37: {  	[smem:$0x3FB4] =	sst s10  }
0x38: {  	s10 =	sld [smem:$0x3FB5]  }
0x39: {  	_ = 	snop;
	(pc) =	sbr.ind lr, $3  }
0x3a: {  	_ = 	snop  }
0x3b: {  	_ = 	snop  }
0x3c: {  	p2 =	seq.s32 s10, $0x1;
	s10 =	sld [smem:$0x3FB4]  }
0x3d: {  	_ =	shalt  }
0x3e: {  	_ =	shalt  }
0x3f: {  	_ =	shalt  }
0x40: {  	_ =	shalt  }
0x41: {  	_ =	shalt  }
0x42: {  	_ =	shalt  }
0x43: {  	_ =	shalt  }
0x44: {  	_ =	shalt  }
0x45: {  	_ =	shalt  }
0x46: {  	_ =	shalt  }
0x47: {  	_ =	shalt  }
0x48: {  	_ =	shalt  }
0x49: {  	_ =	shalt  }
0x4a: {  	_ =	shalt  }
0x4b: {  	_ =	shalt  }
0x4c: {  	_ =	shalt  }
0x4d: {  	_ =	shalt  }
0x4e: {  	_ =	shalt  }
0x4f: {  	_ =	shalt  }
0x50: {  	_ =	shalt  }
0x51: {  	_ =	shalt  }
0x52: {  	_ =	shalt  }
0x53: {  	_ =	shalt  }
0x54: {  	_ =	shalt  }
0x55: {  	_ =	shalt  }
0x56: {  	_ =	shalt  }
0x57: {  	_ =	shalt  }
0x58: {  	_ =	shalt  }
0x59: {  	_ =	shalt  }
0x5a: {  	_ =	shalt  }
0x5b: {  	_ =	shalt  }
0x5c: {  	_ =	shalt  }
0x5d: {  	_ =	shalt  }
0x5e: {  	_ =	shalt  }
0x5f: {  	_ =	shalt  }
0x60: {  	_ =	shalt  }
0x61: {  	_ =	shalt  }
0x62: {  	_ =	shalt  }
0x63: {  	_ =	shalt  }
0x64: {  	_ =	shalt  }
0x65: {  	_ =	shalt  }
0x66: {  	_ =	shalt  }
0x67: {  	_ =	shalt  }
0x68: {  	_ =	shalt  }
0x69: {  	_ =	shalt  }
0x6a: {  	_ =	shalt  }
0x6b: {  	_ =	shalt  }
0x6c: {  	_ =	shalt  }
0x6d: {  	_ =	shalt  }
0x6e: {  	_ =	shalt  }
0x6f: {  	_ =	shalt  }
0x70: {  	_ =	shalt  }
0x71: {  	_ =	shalt  }
0x72: {  	_ =	shalt  }
0x73: {  	_ =	shalt  }
0x74: {  	_ =	shalt  }
0x75: {  	_ =	shalt  }
0x76: {  	_ =	shalt  }
0x77: {  	_ =	shalt  }
0x78: {  	_ =	shalt  }
0x79: {  	_ =	shalt  }
0x7a: {  	_ =	shalt  }
0x7b: {  	_ =	shalt  }
0x7c: {  	_ =	shalt  }
0x7d: {  	_ =	shalt  }
0x7e: {  	_ =	shalt  }
0x7f: {  	_ =	shalt  }
0x80: {  	_ =	shalt  }
0x81: {  	_ =	shalt  }
0x82: {  	_ =	shalt  }
0x83: {  	_ =	shalt  }
0x84: {  	_ =	shalt  }
0x85: {  	_ =	shalt  }
0x86: {  	_ =	shalt  }
0x87: {  	_ =	shalt  }
.Lfunc_end0:
.L_simem_size_0:
called_computation.2_lowered:
.L_overlay_start_0:
0x88: {  	s2 =	sld [smem:$0x3FD9]  }
0x89: {  	s3 =	sld [smem:$0x3FFE];
	_ =	sdelay $0x1  }
0x8a: {  	s1 =	srdreg.scid  }
0x8b: {  	s0 =	sand.u32 $0x1, s1  }
0x8c: {  	s17 =	sshll.u32 s0, $0xA;
	s2 =	sadd.s32 s3, s2  }
0x8d: {  	s2 =	sadd.s32 s2, s17  }
0x8e: {  	[smem:$0x3FC0] =	sst s2  }
0x8f: {  	_ = 	snop  }
0x90: {  	s2 =	sld [smem:$0x3FD0];
	(tm) =	ssettm $0x1  }
0x91: {  	s18 =	sld [smem:$0x3FFB];
	_ =	sdelay $0x3  }
0x92: {  	_ =	strace s18  }
0x93: {  	s3 =	sld [smem:$0x3FFC];
	_ =	sdelay $0x3  }
0x94: {  	_ =	strace s3  }
0x95: {  	s3 =	sld [smem:$0x3FFD];
	_ =	sdelay $0x3  }
0x96: {  	_ =	strace s3  }
0x97: {  	_ =	strace $0x8FFFFFFF  }
0x98: {  	s19 =	sld [smem:$0x3FDB];
	_ =	sdelay $0x1  }
0x99: {  	s4 =	simm.s32 $_scs_section_size  }
0x9a: {  	s5 =	simm.s32 $_size__tile_overlayer_lowered;
	s6 =	simm.s32 $_tile_overlayer_lowered  }
0x9b: {  	s22 =	simm.s32 $0x1BFF;
	s21 =	sshll.u32 s6, $0x1;
	s3 =	sadd.s32 s4, s19  }
0x9c: {  	s7 =	simm.s32 $0x0;
	s20 =	sshll.u32 s5, $0x1;
	s5 =	sadd.s32 s21, s3  }
0x9d: {  	[timem:s7], [sflag:s22] =	dma.local [hbm:s5], s20  }
0x9e: {  	_ =	swait.ge [sflag:s22], s20  }
0x9f: {  	s4 =	ssub.s32 $0x0, s20;
	[sflag:s22] =	ssyncset.done $0x0  }
0xa0: {  	[sflag:s22] =	ssyncadd.s32 s4;
	_ =	sdelay $0x1  }
0xa1: {  	s23 =	simm.s32 $0x1B8B  }
0xa2: {  	_ =	swait.ge [sflag:s23], $0x1  }
0xa3: {  	[sflag:s23] =	ssyncset.done $0x0  }
0xa4: {  	s25 =	simm.s32 $0x1B8E;
	s24 =	sld [smem:$0x3FFE];
	[sflag:s23] =	ssyncadd.s32 $0xFFFFFFFF  }
0xa5: {  	s26 =	simm.s32 $execute0_lowered;
	[smem:$0x3FD2] =	sst s25  }
0xa6: {  	s5 =	sshll.u32 s26, $0x1;
	_ =	strace $0x8000004C;
	[dreg:$0x1] =	wrdreg $0xFFFFFFFF  }
0xa7: {  	s28 =	simm.s32 $_size_execute0_lowered;
	s3 =	sadd.s32 s3, s5;
	[dreg:$0x0] =	wrdreg $0x0  }
0xa8: {  	s5 =	sshll.u32 s28, $0x1;
	[dreg:$0x2] =	wrdreg s3  }
0xa9: {  	[dreg:$0x3] =	wrdreg s5  }
0xaa: {  	[dreg:$0x4] =	wrdreg $0xC0  }
0xab: {  	_ =	task [dreg:s7], $0x5FFFF  }
0xac: {  	[dreg:$0x1] =	wrdreg $0xFFFFFFFF  }
0xad: {  	[dreg:$0x0] =	wrdreg $0x60  }
0xae: {  	[dreg:$0x2] =	wrdreg s2  }
0xaf: {  	[dreg:$0x3] =	wrdreg s24  }
0xb0: {  	[dreg:$0x4] =	wrdreg $0xB3000  }
0xb1: {  	[dreg:$0x5] =	wrdreg $0x9  }
0xb2: {  	_ =	task.clear_ibuf [dreg:s7], $0x6FFFF;
	_ =	strace $0x9000004C  }
0xb3: {  	s29 =	simm.s32 $0x9;
	_ =	strace $0x8000004E  }
0xb4: {  	_ =	swait.ge [sflag:s29], $0x1  }
0xb5: {  	[sflag:s29] =	ssyncadd.s32 $0xFFFFFFFF  }
0xb6: {  	_ =	strace $0x9000004E  }
0xb7: {  	_ =	sfence  }
0xb8: {  	s30 =	sld [smem:$0x0];
	_ =	sdelay $0x2  }
0xb9: {  	s31 =	sshll.u32 s1, $0xD;
	s1 =	sshrl.u32 s1, $0x2  }
0xba: {  	s3 =	sand.u32 $0x4000, s31;
	s1 =	sadd.s32 s1, s30  }
0xbb: {  	s0 =	sor.u32 s3, s0;
	s1 =	sshll.u32 s1, $0x11  }
0xbc: {  	s0 =	sor.u32 s1, s0  }
0xbd: {  	s0 =	sadd.s32 $0x8F2B, s0  }
0xbe: {  	[sflag:s0] =	ssyncadd.remote.s32 $0x1  }
0xbf: {  	_ =	sfence.sel $0xFFFF  }
0xc0: {  	[dreg:$0x0] =	wrdreg $0xFFFFFFFF;
	(pc) =	sbr.abs _section_cstart, $3  }
0xc1: {  	[dreg:$0x1] =	wrdreg $0xFFFFFFFF  }
0xc2: {  	_ =	task.clear_ibuf [dreg:s7], $0x2FFFF;
	_ =	strace $0x9FFFFFFF  }
0xc3: {  	(tm) =	ssettm $0x7FFFFFFF  }
tec
execute0_lowered:
.L_overlay_start_1:
0x0: {  	(tag) =	ssettag $0x1  }
0x1: {  	s1 =	rddreg [dreg:$0x0]  }
0x2: {  	s0 =	srdreg.scid;
	s4 =	rddreg [dreg:$0x1]  }
0x3: {  	s13 =	stileid.u32;
	s3 =	rddreg [dreg:$0x2];
	s6 =	simm.s32 $0x0  }
0x4: {  	s10 =	simm.s32 $0x80;
	s11 =	simm.s32 $0x400;
	s12 =	simm.s32 $0xB  }
0x5: {  	s14 =	simm.s32 $0x28;
	s15 =	simm.s32 $0x4F00;
	s16 =	simm.s32 $0x6300  }
0x6: {  	s18 =	simm.s32 $0x7700;
	s20 =	simm.s32 $0x8B00;
	s28 =	simm.s32 $0x3  }
0x7: {  	s29 =	simm.s32 $0x4;
	s30 =	simm.s32 $0x5;
	s31 =	simm.s32 $0x6  }
0x8: {  	s17 =	simm.s32 $0xA;
	s0 =	sand.u32 $0x1, s0;
	s21 =	smul.u32 $0x14000, s13  }
0x9: {  	s5 =	sshll.u32 s13, $0x7;
	[smem:$0x7FF] =	sst s6;
	s8 =	smul.u32 $0x50000, s13  }
0xa: {  	s26 =	sshll.u32 s13, $0x6;
	s2 =	sshll.u32 s0, $0x4;
	s5 =	sand.u32 $0x380, s5  }
0xb: {  	s22 =	smul.u32 $0x140000, s0;
	_ =	strace $0x8000004D;
	s0 =	ssub.s32 $0x2, s0  }
0xc: {  	s2 =	sor.u32 s13, s2;
	s7 =	sshrl.u32 s21, $0x3;
	s23 =	sshrl.u32 s0, $0x1  }
0xd: {  	s25 =	sshrl.u32 s8, $0x2;
	s13 =	simm.s32 $0x9;
	s2 =	sshrl.u32 s2, $0x3  }
0xe: {  	s7 =	sadd.s32 s7, s4;
	s0 =	ssub.s32 s0, s23;
	s2 =	smul.u32 $0x13C00, s2  }
0xf: {  	s23 =	sor.u32 $0x1C0B, s26;
	s26 =	simm.s32 $0x2;
	s7 =	sadd.s32 $0x15800, s7  }
0x10: {  	s9 =	smax.u32 s0, $0x1;
	s0 =	simm.s32 $0x8;
	s2 =	sor.u32 s5, s2  }
0x11: {  	s5 =	sadd.s32 s21, s22;
	s22 =	simm.s32 $0x9F00;
	s2 =	sshrl.u32 s2, $0x3  }
0x12: {  	s21 =	simm.s32 $0x0;
	s5 =	sshrl.u32 s5, $0x3;
	s2 =	sadd.s32 s2, s4  }
0x13: {  	s4 =	sadd.s32 s5, s4;
	s24 =	sadd.s32 $0xBA00, s2;
	s6 =	sadd.s32 $0x1C00, s2  }
0x14: {  	s2 =	sadd.s32 s25, s3;
	s8 =	sadd.s32 $0x3D800, s4;
	s25 =	simm.s32 $0x1  }
0x15: {  	[dreg:$0x4] =	wrdreg s24;
	s24 =	sshrl.u32 s2, $0x3;
	s2 =	simm.s32 $0x7  }
.LBB2_1:
0x16: {  	s4 =	simm.s32 $0x0;
	s5 =	rddreg [dreg:$0x4]  }
0x17: {  	[tilespmem:s4], [sflag:$0xB] =	stream.strided.gather [hbm4b:s5+s10], $0x2780, s11, s10, $0x38;
	[tilespmem:$0x1F300] =	vst v63  }
0x18: {  	_ =	swait.ge [sflag:s12], $0x2780  }
0x19: {  	[sflag:s12] =	ssyncset.done $0x0  }
0x1a: {  	s19 =	simm.s32 $0x2780;
	[sflag:s12] =	ssyncadd.s32 $0xFFFFD880  }
0x1b: {  	[tilespmem:s19], [sflag:$0xB] =	stream.strided.gather [hbm4b:s6+s10], $0x2780, s11, s10, $0x38;
	[tilespmem:$0x1F300] =	vst v63  }
0x1c: {  	_ =	swait.ge [sflag:s12], $0x2780  }
0x1d: {  	[sflag:s12] =	ssyncset.done $0x0  }
0x1e: {  	[sflag:s12] =	ssyncadd.s32 $0xFFFFD880  }
0x1f: {  	[tilespmem:s15], [sflag:$0x1] =	stream.indirect.gather [hbm4b:s1+s14], $0x80, s4, s14, $0xb8;
	[tilespmem:$0x1F300] =	vst v63  }
0x20: {  	_ = 	snop  }
0x21: {  	[tilespmem:s16], [sflag:$0x2] =	stream.indirect.gather [hbm4b:s1+s14], $0x80, s14, s14, $0xb8;
	[tilespmem:$0x1F300] =	vst v63  }
0x22: {  	s5 =	simm.s32 $0x50  }
0x23: {  	[tilespmem:s18], [sflag:$0x3] =	stream.indirect.gather [hbm4b:s1+s14], $0x80, s5, s14, $0xb8;
	[tilespmem:$0x1F300] =	vst v63  }
0x24: {  	s19 =	simm.s32 $0x78  }
0x25: {  	[tilespmem:s20], [sflag:$0x4] =	stream.indirect.gather [hbm4b:s1+s14], $0x80, s19, s14, $0xb8;
	[tilespmem:$0x1F300] =	vst v63  }
0x26: {  	s5 =	simm.s32 $0xA0  }
0x27: {  	[tilespmem:s22], [sflag:$0x5] =	stream.indirect.gather [hbm4b:s1+s14], $0x80, s5, s14, $0xb8;
	[tilespmem:$0x1F300] =	vst v63  }
0x28: {  	[spmem:s24], [sflag:s23] =	dma.local [hbm:s7], $0x2800  }
0x29: {  	_ =	swait.ge [sflag:s12], $0x2800  }
0x2a: {  	[sflag:s12] =	ssyncset.done $0x0  }
0x2b: {  	[sflag:s12] =	ssyncadd.s32 $0xFFFFD800  }
0x2c: {  	[bflag:$0x0] =	sbarrier.arrive $0xFFFF  }
0x2d: {  	_ =	swait.ge [sflag:s25], $0x1400  }
0x2e: {  	[sflag:s25] =	ssyncset.done $0x0  }
0x2f: {  	s19 =	simm.s32 $0x2780;
	[sflag:s25] =	ssyncadd.s32 $0xFFFFEC00  }
0x30: {  	[spmem:s3] =	stream.indirect.scatter.add.f32 [tilespmem:s15], [sflag:$0x6], $0x80, s19, s14, $0xb8;
	[tilespmem:$0x1F300] =	vst v63  }
0x31: {  	_ =	swait.ge [sflag:s26], $0x1400  }
0x32: {  	[sflag:s26] =	ssyncset.done $0x0  }
0x33: {  	s5 =	simm.s32 $0x27A8;
	[sflag:s26] =	ssyncadd.s32 $0xFFFFEC00  }
0x34: {  	[spmem:s3] =	stream.indirect.scatter.add.f32 [tilespmem:s16], [sflag:$0x7], $0x80, s5, s14, $0xb8;
	[tilespmem:$0x1F300] =	vst v63  }
0x35: {  	_ =	swait.ge [sflag:s28], $0x1400  }
0x36: {  	[sflag:s28] =	ssyncset.done $0x0  }
0x37: {  	s19 =	simm.s32 $0x27D0;
	[sflag:s28] =	ssyncadd.s32 $0xFFFFEC00  }
0x38: {  	[spmem:s3] =	stream.indirect.scatter.add.f32 [tilespmem:s18], [sflag:$0x8], $0x80, s19, s14, $0xb8;
	[tilespmem:$0x1F300] =	vst v63  }
0x39: {  	_ =	swait.ge [sflag:s29], $0x1400  }
0x3a: {  	[sflag:s29] =	ssyncset.done $0x0  }
0x3b: {  	s5 =	simm.s32 $0x27F8;
	[sflag:s29] =	ssyncadd.s32 $0xFFFFEC00  }
0x3c: {  	[spmem:s3] =	stream.indirect.scatter.add.f32 [tilespmem:s20], [sflag:$0x9], $0x80, s5, s14, $0xb8;
	[tilespmem:$0x1F300] =	vst v63  }
0x3d: {  	_ =	swait.ge [sflag:s30], $0x1400  }
0x3e: {  	[sflag:s30] =	ssyncset.done $0x0  }
0x3f: {  	s19 =	simm.s32 $0x2820;
	[sflag:s30] =	ssyncadd.s32 $0xFFFFEC00  }
0x40: {  	[spmem:s3] =	stream.indirect.scatter.add.f32 [tilespmem:s22], [sflag:$0xA], $0x80, s19, s14, $0xb8;
	[tilespmem:$0x1F300] =	vst v63  }
0x41: {  	_ =	swait.ge [sflag:s31], $0x1400  }
0x42: {  	[sflag:s31] =	ssyncset.done $0x0  }
0x43: {  	s5 =	simm.s32 $0xC8;
	[sflag:s31] =	ssyncadd.s32 $0xFFFFEC00  }
0x44: {  	[tilespmem:s15], [sflag:$0x1] =	stream.indirect.gather [hbm4b:s1+s14], $0x80, s5, s14, $0xb8;
	[tilespmem:$0x1F300] =	vst v63  }
0x45: {  	_ =	swait.ge [sflag:s2], $0x1400  }
0x46: {  	[sflag:s2] =	ssyncset.done $0x0  }
0x47: {  	s19 =	simm.s32 $0xF0;
	[sflag:s2] =	ssyncadd.s32 $0xFFFFEC00  }
0x48: {  	[tilespmem:s16], [sflag:$0x2] =	stream.indirect.gather [hbm4b:s1+s14], $0x80, s19, s14, $0xb8;
	[tilespmem:$0x1F300] =	vst v63  }
0x49: {  	_ =	swait.ge [sflag:s0], $0x1400  }
0x4a: {  	[sflag:s0] =	ssyncset.done $0x0  }
0x4b: {  	s5 =	simm.s32 $0x118;
	[sflag:s0] =	ssyncadd.s32 $0xFFFFEC00  }
0x4c: {  	[tilespmem:s18], [sflag:$0x3] =	stream.indirect.gather [hbm4b:s1+s14], $0x80, s5, s14, $0xb8;
	[tilespmem:$0x1F300] =	vst v63  }
0x4d: {  	_ =	swait.ge [sflag:s13], $0x1400  }
0x4e: {  	[sflag:s13] =	ssyncset.done $0x0  }
0x4f: {  	s19 =	simm.s32 $0x140;
	[sflag:s13] =	ssyncadd.s32 $0xFFFFEC00  }
0x50: {  	[tilespmem:s20], [sflag:$0x4] =	stream.indirect.gather [hbm4b:s1+s14], $0x80, s19, s14, $0xb8;
	[tilespmem:$0x1F300] =	vst v63  }
0x51: {  	_ =	swait.ge [sflag:s17], $0x1400  }
0x52: {  	[sflag:s17] =	ssyncset.done $0x0  }
0x53: {  	s4 =	simm.s32 $0x168;
	s19 =	simm.s32 $0x320;
	[sflag:s17] =	ssyncadd.s32 $0xFFFFEC00  }
.LBB2_2:
0x54: {  	[tilespmem:s22], [sflag:$0x5] =	stream.indirect.gather [hbm4b:s1+s14], $0x80, s4, s14, $0xb8;
	[tilespmem:$0x1F300] =	vst v63  }
0x55: {  	s4 =	smov.u32 s19  }
0x56: {  	p0 =	sne.s32 s19, $0x9600;
	s19 =	sadd.s32 $0x320, s19;
	_ =	swait.ge [sflag:s25], $0x1400  }
0x57: {  	s4 =	sshra.s32 s4, $0x2;
	[sflag:s25] =	ssyncset.done $0x0  }
0x58: {  	s5 =	sadd.s32 $0x2780, s4;
	[sflag:s25] =	ssyncadd.s32 $0xFFFFEC00  }
0x59: {  	[spmem:s3] =	stream.indirect.scatter.add.f32 [tilespmem:s15], [sflag:$0x6], $0x80, s5, s14, $0xb8;
	[tilespmem:$0x1F300] =	vst v63  }
0x5a: {  	_ =	swait.ge [sflag:s26], $0x1400  }
0x5b: {  	[sflag:s26] =	ssyncset.done $0x0  }
0x5c: {  	s5 =	sadd.s32 $0x27A8, s4;
	[sflag:s26] =	ssyncadd.s32 $0xFFFFEC00  }
0x5d: {  	[spmem:s3] =	stream.indirect.scatter.add.f32 [tilespmem:s16], [sflag:$0x7], $0x80, s5, s14, $0xb8;
	[tilespmem:$0x1F300] =	vst v63  }
0x5e: {  	_ =	swait.ge [sflag:s28], $0x1400  }
0x5f: {  	[sflag:s28] =	ssyncset.done $0x0  }
0x60: {  	s5 =	sadd.s32 $0x27D0, s4;
	[sflag:s28] =	ssyncadd.s32 $0xFFFFEC00  }
0x61: {  	[spmem:s3] =	stream.indirect.scatter.add.f32 [tilespmem:s18], [sflag:$0x8], $0x80, s5, s14, $0xb8;
	[tilespmem:$0x1F300] =	vst v63  }
0x62: {  	_ =	swait.ge [sflag:s29], $0x1400  }
0x63: {  	[sflag:s29] =	ssyncset.done $0x0  }
0x64: {  	s5 =	sadd.s32 $0x27F8, s4;
	[sflag:s29] =	ssyncadd.s32 $0xFFFFEC00  }
0x65: {  	[spmem:s3] =	stream.indirect.scatter.add.f32 [tilespmem:s20], [sflag:$0x9], $0x80, s5, s14, $0xb8;
	[tilespmem:$0x1F300] =	vst v63  }
0x66: {  	_ =	swait.ge [sflag:s30], $0x1400  }
0x67: {  	[sflag:s30] =	ssyncset.done $0x0  }
0x68: {  	s5 =	sadd.s32 $0x2820, s4;
	[sflag:s30] =	ssyncadd.s32 $0xFFFFEC00  }
0x69: {  	[spmem:s3] =	stream.indirect.scatter.add.f32 [tilespmem:s22], [sflag:$0xA], $0x80, s5, s14, $0xb8;
	[tilespmem:$0x1F300] =	vst v63  }
0x6a: {  	_ =	swait.ge [sflag:s31], $0x1400  }
0x6b: {  	[sflag:s31] =	ssyncset.done $0x0  }
0x6c: {  	s5 =	sadd.s32 $0xC8, s4;
	[sflag:s31] =	ssyncadd.s32 $0xFFFFEC00  }
0x6d: {  	[tilespmem:s15], [sflag:$0x1] =	stream.indirect.gather [hbm4b:s1+s14], $0x80, s5, s14, $0xb8;
	[tilespmem:$0x1F300] =	vst v63  }
0x6e: {  	_ =	swait.ge [sflag:s2], $0x1400  }
0x6f: {  	[sflag:s2] =	ssyncset.done $0x0  }
0x70: {  	s5 =	sadd.s32 $0xF0, s4;
	[sflag:s2] =	ssyncadd.s32 $0xFFFFEC00  }
0x71: {  	[tilespmem:s16], [sflag:$0x2] =	stream.indirect.gather [hbm4b:s1+s14], $0x80, s5, s14, $0xb8;
	[tilespmem:$0x1F300] =	vst v63  }
0x72: {  	_ =	swait.ge [sflag:s0], $0x1400  }
0x73: {  	[sflag:s0] =	ssyncset.done $0x0  }
0x74: {  	s5 =	sadd.s32 $0x118, s4;
	[sflag:s0] =	ssyncadd.s32 $0xFFFFEC00  }
0x75: {  	[tilespmem:s18], [sflag:$0x3] =	stream.indirect.gather [hbm4b:s1+s14], $0x80, s5, s14, $0xb8;
	[tilespmem:$0x1F300] =	vst v63  }
0x76: {  	_ =	swait.ge [sflag:s13], $0x1400  }
0x77: {  	[sflag:s13] =	ssyncset.done $0x0  }
.Ltmp0:
0x78: {  	s5 =	sadd.s32 $0x140, s4;
	[sflag:s13] =	ssyncadd.s32 $0xFFFFEC00;
	(pc) =	sbr.rel @p0 .LBB2_2-.Ltmp0, $4  }
0x79: {  	[tilespmem:s20], [sflag:$0x4] =	stream.indirect.gather [hbm4b:s1+s14], $0x80, s5, s14, $0xb8;
	[tilespmem:$0x1F300] =	vst v63  }
0x7a: {  	_ =	swait.ge [sflag:s17], $0x1400  }
0x7b: {  	[sflag:s17] =	ssyncset.done $0x0  }
0x7c: {  	s4 =	sadd.s32 $0x168, s4;
	[sflag:s17] =	ssyncadd.s32 $0xFFFFEC00  }
0x7d: {  	[tilespmem:s22], [sflag:$0x5] =	stream.indirect.gather [hbm4b:s1+s14], $0x80, s4, s14, $0xb8;
	[tilespmem:$0x1F300] =	vst v63  }
0x7e: {  	_ =	swait.ge [sflag:s25], $0x1400  }
0x7f: {  	[sflag:s25] =	ssyncset.done $0x0  }
0x80: {  	s19 =	simm.s32 $0x4DC8;
	[sflag:s25] =	ssyncadd.s32 $0xFFFFEC00  }
0x81: {  	[spmem:s3] =	stream.indirect.scatter.add.f32 [tilespmem:s15], [sflag:$0x6], $0x80, s19, s14, $0xb8;
	[tilespmem:$0x1F300] =	vst v63  }
0x82: {  	_ =	swait.ge [sflag:s26], $0x1400  }
0x83: {  	[sflag:s26] =	ssyncset.done $0x0  }
0x84: {  	s5 =	simm.s32 $0x4DF0;
	[sflag:s26] =	ssyncadd.s32 $0xFFFFEC00  }
0x85: {  	[spmem:s3] =	stream.indirect.scatter.add.f32 [tilespmem:s16], [sflag:$0x7], $0x80, s5, s14, $0xb8;
	[tilespmem:$0x1F300] =	vst v63  }
0x86: {  	_ =	swait.ge [sflag:s28], $0x1400  }
0x87: {  	[sflag:s28] =	ssyncset.done $0x0  }
0x88: {  	s19 =	simm.s32 $0x4E18;
	[sflag:s28] =	ssyncadd.s32 $0xFFFFEC00  }
0x89: {  	[spmem:s3] =	stream.indirect.scatter.add.f32 [tilespmem:s18], [sflag:$0x8], $0x80, s19, s14, $0xb8;
	[tilespmem:$0x1F300] =	vst v63  }
0x8a: {  	_ =	swait.ge [sflag:s29], $0x1400  }
0x8b: {  	[sflag:s29] =	ssyncset.done $0x0  }
0x8c: {  	s5 =	simm.s32 $0x4E40;
	[sflag:s29] =	ssyncadd.s32 $0xFFFFEC00  }
0x8d: {  	[spmem:s3] =	stream.indirect.scatter.add.f32 [tilespmem:s20], [sflag:$0x9], $0x80, s5, s14, $0xb8;
	[tilespmem:$0x1F300] =	vst v63  }
0x8e: {  	_ =	swait.ge [sflag:s30], $0x1400  }
0x8f: {  	[sflag:s30] =	ssyncset.done $0x0  }
0x90: {  	s19 =	simm.s32 $0x4E68;
	[sflag:s30] =	ssyncadd.s32 $0xFFFFEC00  }
0x91: {  	[spmem:s3] =	stream.indirect.scatter.add.f32 [tilespmem:s22], [sflag:$0xA], $0x80, s19, s14, $0xb8;
	[tilespmem:$0x1F300] =	vst v63  }
0x92: {  	_ =	swait.ge [sflag:s31], $0x1400  }
0x93: {  	[sflag:s31] =	ssyncset.done $0x0  }
0x94: {  	[sflag:s31] =	ssyncadd.s32 $0xFFFFEC00  }
0x95: {  	_ =	swait.ge [sflag:s2], $0x1400  }
0x96: {  	[sflag:s2] =	ssyncset.done $0x0  }
0x97: {  	[sflag:s2] =	ssyncadd.s32 $0xFFFFEC00  }
0x98: {  	_ =	swait.ge [sflag:s0], $0x1400  }
0x99: {  	[sflag:s0] =	ssyncset.done $0x0  }
0x9a: {  	[sflag:s0] =	ssyncadd.s32 $0xFFFFEC00  }
0x9b: {  	_ =	swait.ge [sflag:s13], $0x1400  }
0x9c: {  	[sflag:s13] =	ssyncset.done $0x0  }
0x9d: {  	[sflag:s13] =	ssyncadd.s32 $0xFFFFEC00  }
0x9e: {  	_ =	swait.ge [sflag:s17], $0x1400  }
0x9f: {  	s21 =	sadd.s32 $0x1, s21;
	[sflag:s17] =	ssyncset.done $0x0  }
0xa0: {  	p0 =	sne.s32 s21, s9;
	[sflag:s17] =	ssyncadd.s32 $0xFFFFEC00  }
.Ltmp1:
0xa1: {  	[bflag:$0x0] =	sbarrier.arrive $0xFFFF;
	(pc) =	sbr.rel @p0 .LBB2_1-.Ltmp1, $4  }
0xa2: {  	[hbm:s8], [sflag:s23] =	dma.local [spmem:s24], $0x2800  }
0xa3: {  	_ =	swait.ge [sflag:s12], $0x2800  }
0xa4: {  	[sflag:s12] =	ssyncset.done $0x0  }
0xa5: {  	[sflag:s12] =	ssyncadd.s32 $0xFFFFD800  }
0xa6: {  	_ =	sfence.sel $0x180000  }
0xa7: {  	[bflag:$0x0] =	sbarrier.arrive $0xFFFF  }
0xa8: {  	_ =	strace $0x9000004D  }
0xa9: {  	s0 =	stileid.u32;
	[bflag:$0x2] =	sbarrier.arrive $0xFFFF  }
0xaa: {  	p0 =	sne.s32 s0, $0x0;
	s0 =	rddreg [dreg:$0x3]  }
0xab: {  	s0 =	sadd.s32 @!p0 $0x100000, s0  }
0xac: {  	[sflag:s0] =	ssyncadd.tile.s32 @!p0 $0x1;
	_ =	shalt  }
.Lfunc_end2:
_tile_overlayer_lowered:
.L_overlay_start_2:
0xad: {  	(tag) =	ssettag $0x2  }
0xae: {  	s0 =	rddreg [dreg:$0x0];
	s2 =	stileid.u32  }
0xaf: {  	s1 =	rddreg [dreg:$0x1];
	p0 =	sne.s32 s2, $0x0  }
0xb0: {  	s3 =	rddreg [dreg:$0x2];
	[bflag:$0x3] =	sbarrier.arrive $0xFFFF;
	s2 =	simm.s32 @!p0 $0x1C0B  }
0xb1: {  	[timem:s3], [sflag:s2] =	dma.local @!p0 [hbm:s0], s1  }
0xb2: {  	s0 =	simm.s32 @!p0 $0xB  }
0xb3: {  	_ =	swait.ge @!p0 [sflag:s0], s1  }
0xb4: {  	s1 =	ssub.s32 @!p0 $0x0, s1;
	[sflag:s0] =	ssyncset.done @!p0 $0x0  }
0xb5: {  	[sflag:s0] =	ssyncadd.s32 @!p0 s1  }
0xb6: {  	[bflag:$0x3] =	sbarrier.arrive $0xFFFF  }
0xb7: {  	_ =	shalt  }

// kernel: kernel.8.cloned.1.call-start
scs
__scs_entry_jumppad:
0x0: {  	(pc) =	sbr.rel $0x88, $3  }
0x1: {  	(tag) =	ssettag $0x0;
	lr =	simm.s32 $0x1  }
0x2: {  	[smem:$0x3F99] =	sst lr;
	_ =	strace $0xD0000000  }
0x3: {  	_ = 	snop  }
0x4: {  	_ = 	snop  }
0x5: {  	_ = 	snop  }
0x6: {  	_ = 	snop  }
0x7: {  	_ = 	snop  }
__scs_overlays_trampoline_lowered:
0x8: {  	[smem:$0x3FA8] =	sst s0  }
0x9: {  	[smem:$0x3FA9] =	sst s1  }
0xa: {  	[smem:$0x3FAA] =	sst s2  }
0xb: {  	[smem:$0x3FAB] =	sst s3  }
0xc: {  	[smem:$0x3FAC] =	sst s4  }
0xd: {  	[smem:$0x3FAD] =	sst s5  }
0xe: {  	[smem:$0x3FAE] =	sst s6  }
0xf: {  	[smem:$0x3FAF] =	sst s7  }
0x10: {  	[smem:$0x3FB0] =	sst s8  }
0x11: {  	[smem:$0x3FB1] =	sst s9;
	s0 =	simm.s32 @!p0 $0x0  }
0x12: {  	s1 =	sld [smem:$0x3F97];
	s0 =	simm.s32 @p0 $0x1  }
0x13: {  	[smem:$0x3FB2] =	sst s0;
	s0 =	simm.s32 @!p1 $0x0  }
0x14: {  	s2 =	sld [smem:$0x3F96];
	s0 =	simm.s32 @p1 $0x1  }
0x15: {  	[smem:$0x3FB3] =	sst s0;
	s0 =	simm.s32 @!p2 $0x0  }
0x16: {  	s3 =	sld [smem:$0x3FDB];
	s0 =	simm.s32 @p2 $0x1  }
0x17: {  	s4 =	simm.s32 $0x1BF5;
	[smem:$0x3FB5] =	sst s0  }
0x18: {  	s0 =	sld [smem:$0x3F98];
	_ =	swait.ge [sflag:s4], $0x0  }
0x19: {  	s7 =	sld [smem:$0x3F99]  }
0x1a: {  	s8 =	sadd.s32 $0xFFFFE003, lr  }
0x1b: {  	s9 =	sadd.s32 $0xFFFFFEF7, lr;
	s5 =	simm.s32 $0xFFFFFFFF;
	p2 =	slt.u32 s8, $0xFFFFF086  }
0x1c: {  	p1 =	slt.u32 s9, $0xF7A;
	s5 =	simm.s32 @!p2 $0x0  }
0x1d: {  	s5 =	simm.s32 @p1 $0x1;
	p0 =	seq.s32 s7, s2  }
0x1e: {  	s7 =	smul.u32 @!p0 $0xF7A, s2;
	p2 =	seq.s32 @!p0 s5, $0x0  }
0x1f: {  	s9 =	smul.u32 $0xF7A, s1;
	s8 =	simm.s32 @!p0 $0x1BF5;
	p2 =	por !p2, p0  }
0x20: {  	[sflag:s8] =	ssyncset.s32 @!p0 $0xFFFFF086;
	s6 =	sadd.s32 @!p0 s3, s7;
	s7 =	simm.s32 @!p0 $0x108  }
0x21: {  	s3 =	sadd.s32 s3, s9;
	s6 =	sadd.s32 @!p0 $0x88, s6;
	s7 =	simm.s32 @p2 $0x1082  }
0x22: {  	[simem:s7], [sflag:s8] =	dma.local @!p0 [hbm:s6], $0xF7A  }
0x23: {  	s9 =	sor.u32 $0xD0000000, s2;
	s6 =	simm.s32 $0x108;
	_ =	swait.ge @!p0 [sflag:s8], $0x0  }
0x24: {  	s3 =	sadd.s32 $0x88, s3;
	s6 =	simm.s32 @!p1 $0x1082;
	[sflag:s4] =	ssyncset.s32 $0xFFFFF086  }
0x25: {  	[simem:s6], [sflag:s4] =	dma.local [hbm:s3], $0xF7A  }
0x26: {  	[smem:$0x3F99] =	sst s1;
	(tag) =	ssettag s2;
	_ =	strace s9  }
0x27: {  	s1 =	sld [smem:$0x3FA9]  }
0x28: {  	s2 =	sld [smem:$0x3FAA]  }
0x29: {  	s4 =	sld [smem:$0x3FAC]  }
0x2a: {  	p0 =	seq.s32 s5, $0x0;
	s5 =	sld [smem:$0x3FAD]  }
0x2b: {  	s6 =	sld [smem:$0x3FAE]  }
0x2c: {  	s7 =	sld [smem:$0x3FAF]  }
0x2d: {  	s3 =	simm.s32 $0x108;
	s8 =	sld [smem:$0x3FB0]  }
0x2e: {  	s3 =	simm.s32 @!p0 $0x1082;
	s9 =	sld [smem:$0x3FB1]  }
0x2f: {  	lr =	sadd.s32 s0, s3;
	s0 =	sld [smem:$0x3FA8]  }
0x30: {  	s3 =	sld [smem:$0x3FAB]  }
0x31: {  	[smem:$0x3FB4] =	sst s10  }
0x32: {  	s10 =	sld [smem:$0x3FB2];
	_ =	sdelay $0x3  }
0x33: {  	p0 =	seq.s32 s10, $0x1;
	s10 =	sld [smem:$0x3FB4];
	_ =	sdelay $0x3  }
0x34: {  	[smem:$0x3FB4] =	sst s10  }
0x35: {  	s10 =	sld [smem:$0x3FB3];
	_ =	sdelay $0x3  }
0x36: {  	p1 =	seq.s32 s10, $0x1;
	s10 =	sld [smem:$0x3FB4];
	_ =	sdelay $0x3  }
0x37: {  	[smem:$0x3FB4] =	sst s10  }
0x38: {  	s10 =	sld [smem:$0x3FB5]  }
0x39: {  	_ = 	snop;
	(pc) =	sbr.ind lr, $3  }
0x3a: {  	_ = 	snop  }
0x3b: {  	_ = 	snop  }
0x3c: {  	p2 =	seq.s32 s10, $0x1;
	s10 =	sld [smem:$0x3FB4]  }
0x3d: {  	_ =	shalt  }
0x3e: {  	_ =	shalt  }
0x3f: {  	_ =	shalt  }
0x40: {  	_ =	shalt  }
0x41: {  	_ =	shalt  }
0x42: {  	_ =	shalt  }
0x43: {  	_ =	shalt  }
0x44: {  	_ =	shalt  }
0x45: {  	_ =	shalt  }
0x46: {  	_ =	shalt  }
0x47: {  	_ =	shalt  }
0x48: {  	_ =	shalt  }
0x49: {  	_ =	shalt  }
0x4a: {  	_ =	shalt  }
0x4b: {  	_ =	shalt  }
0x4c: {  	_ =	shalt  }
0x4d: {  	_ =	shalt  }
0x4e: {  	_ =	shalt  }
0x4f: {  	_ =	shalt  }
0x50: {  	_ =	shalt  }
0x51: {  	_ =	shalt  }
0x52: {  	_ =	shalt  }
0x53: {  	_ =	shalt  }
0x54: {  	_ =	shalt  }
0x55: {  	_ =	shalt  }
0x56: {  	_ =	shalt  }
0x57: {  	_ =	shalt  }
0x58: {  	_ =	shalt  }
0x59: {  	_ =	shalt  }
0x5a: {  	_ =	shalt  }
0x5b: {  	_ =	shalt  }
0x5c: {  	_ =	shalt  }
0x5d: {  	_ =	shalt  }
0x5e: {  	_ =	shalt  }
0x5f: {  	_ =	shalt  }
0x60: {  	_ =	shalt  }
0x61: {  	_ =	shalt  }
0x62: {  	_ =	shalt  }
0x63: {  	_ =	shalt  }
0x64: {  	_ =	shalt  }
0x65: {  	_ =	shalt  }
0x66: {  	_ =	shalt  }
0x67: {  	_ =	shalt  }
0x68: {  	_ =	shalt  }
0x69: {  	_ =	shalt  }
0x6a: {  	_ =	shalt  }
0x6b: {  	_ =	shalt  }
0x6c: {  	_ =	shalt  }
0x6d: {  	_ =	shalt  }
0x6e: {  	_ =	shalt  }
0x6f: {  	_ =	shalt  }
0x70: {  	_ =	shalt  }
0x71: {  	_ =	shalt  }
0x72: {  	_ =	shalt  }
0x73: {  	_ =	shalt  }
0x74: {  	_ =	shalt  }
0x75: {  	_ =	shalt  }
0x76: {  	_ =	shalt  }
0x77: {  	_ =	shalt  }
0x78: {  	_ =	shalt  }
0x79: {  	_ =	shalt  }
0x7a: {  	_ =	shalt  }
0x7b: {  	_ =	shalt  }
0x7c: {  	_ =	shalt  }
0x7d: {  	_ =	shalt  }
0x7e: {  	_ =	shalt  }
0x7f: {  	_ =	shalt  }
0x80: {  	_ =	shalt  }
0x81: {  	_ =	shalt  }
0x82: {  	_ =	shalt  }
0x83: {  	_ =	shalt  }
0x84: {  	_ =	shalt  }
0x85: {  	_ =	shalt  }
0x86: {  	_ =	shalt  }
0x87: {  	_ =	shalt  }
.Lfunc_end0:
.L_simem_size_0:
called_computation_lowered:
.L_overlay_start_0:
0x88: {  	s2 =	sld [smem:$0x3FD9]  }
0x89: {  	s3 =	sld [smem:$0x3FFE];
	_ =	sdelay $0x1  }
0x8a: {  	s1 =	srdreg.scid  }
0x8b: {  	s0 =	sand.u32 $0x1, s1  }
0x8c: {  	s17 =	sshll.u32 s0, $0xA;
	s2 =	sadd.s32 s3, s2  }
0x8d: {  	s2 =	sadd.s32 s2, s17  }
0x8e: {  	[smem:$0x3FC0] =	sst s2  }
0x8f: {  	_ = 	snop  }
0x90: {  	(tm) =	ssettm $0x1  }
0x91: {  	s18 =	sld [smem:$0x3FFB];
	_ =	sdelay $0x3  }
0x92: {  	_ =	strace s18  }
0x93: {  	s2 =	sld [smem:$0x3FFC];
	_ =	sdelay $0x3  }
0x94: {  	_ =	strace s2  }
0x95: {  	s2 =	sld [smem:$0x3FFD];
	_ =	sdelay $0x3  }
0x96: {  	_ =	strace s2  }
0x97: {  	_ =	strace $0x8FFFFFFF  }
0x98: {  	s19 =	sld [smem:$0x3FDB];
	_ =	sdelay $0x1  }
0x99: {  	s20 =	simm.s32 $_scs_section_size  }
0x9a: {  	s4 =	simm.s32 $_size__tile_overlayer_lowered;
	s5 =	simm.s32 $_tile_overlayer_lowered  }
0x9b: {  	s6 =	simm.s32 $0x1BFF;
	s21 =	sshll.u32 s5, $0x1;
	s3 =	sadd.s32 s20, s19  }
0x9c: {  	s22 =	simm.s32 $0x0;
	s4 =	sshll.u32 s4, $0x1;
	s5 =	sadd.s32 s21, s3  }
0x9d: {  	[timem:s22], [sflag:s6] =	dma.local [hbm:s5], s4  }
0x9e: {  	_ =	swait.ge [sflag:s6], s4  }
0x9f: {  	s4 =	ssub.s32 $0x0, s4;
	[sflag:s6] =	ssyncset.done $0x0  }
0xa0: {  	[sflag:s6] =	ssyncadd.s32 s4;
	_ =	sdelay $0x1  }
0xa1: {  	s23 =	simm.s32 $0x1B8B  }
0xa2: {  	_ =	swait.ge [sflag:s23], $0x1  }
0xa3: {  	[sflag:s23] =	ssyncset.done $0x0  }
0xa4: {  	[sflag:s23] =	ssyncadd.s32 $0xFFFFFFFF  }
0xa5: {  	s4 =	sld [smem:$0x0]  }
0xa6: {  	s5 =	sand.u32 $0xFFFFFFFE, s1  }
0xa7: {  	p0 =	sne.s32 s1, s5  }
0xa8: {  	s5 =	sshll.u32 @p0 s5, $0xE  }
0xa9: {  	s5 =	sadd.s32 @p0 $0x11B8D, s5;
	s6 =	sshll.u32 @p0 s4, $0x11  }
0xaa: {  	s5 =	sor.u32 @p0 s6, s5  }
0xab: {  	[sflag:s5] =	ssyncadd.remote.s32 @p0 $0x1;
	_ =	sdelay $0x1  }
0xac: {  	s5 =	simm.s32 @p0 $0x1B8D  }
0xad: {  	_ =	swait.eq @p0 [sflag:s5], $0x1  }
0xae: {  	[sflag:s5] =	ssyncadd.s32 @p0 $0xFFFFFFFF  }
0xaf: {  	s6 =	sshll.u32 @!p0 s1, $0xE  }
0xb0: {  	s6 =	sor.u32 @!p0 $0x4000, s6;
	s5 =	simm.s32 @!p0 $0x1B8D  }
0xb1: {  	s4 =	sshll.u32 @!p0 s4, $0x11;
	s6 =	sadd.s32 @!p0 $0x11B8D, s6;
	_ =	swait.eq @!p0 [sflag:s5], $0x1  }
0xb2: {  	s4 =	sor.u32 @!p0 s4, s6;
	[sflag:s5] =	ssyncadd.s32 @!p0 $0xFFFFFFFF  }
0xb3: {  	s25 =	simm.s32 $0x1B8E;
	s24 =	sld [smem:$0x3FFE];
	[sflag:s4] =	ssyncadd.remote.s32 @!p0 $0x1  }
0xb4: {  	s26 =	simm.s32 $execute0_lowered;
	[smem:$0x3FD2] =	sst s25  }
0xb5: {  	s5 =	sshll.u32 s26, $0x1;
	_ =	strace $0x80000049;
	[dreg:$0x1] =	wrdreg $0xFFFFFFFF  }
0xb6: {  	s28 =	simm.s32 $_size_execute0_lowered;
	s3 =	sadd.s32 s3, s5;
	[dreg:$0x0] =	wrdreg $0x0  }
0xb7: {  	s5 =	sshll.u32 s28, $0x1;
	[dreg:$0x2] =	wrdreg s3  }
0xb8: {  	[dreg:$0x3] =	wrdreg s5  }
0xb9: {  	[dreg:$0x4] =	wrdreg $0xC0  }
0xba: {  	_ =	task [dreg:s22], $0x5FFFF  }
0xbb: {  	[dreg:$0x1] =	wrdreg $0xFFFFFFFF  }
0xbc: {  	[dreg:$0x0] =	wrdreg $0x60  }
0xbd: {  	[dreg:$0x2] =	wrdreg s24  }
0xbe: {  	[dreg:$0x3] =	wrdreg $0x3B800  }
0xbf: {  	[dreg:$0x4] =	wrdreg $0x9  }
0xc0: {  	_ =	task.clear_ibuf [dreg:s22], $0x5FFFF;
	_ =	strace $0x90000049  }
0xc1: {  	s29 =	simm.s32 $0x9;
	_ =	strace $0x8000004B  }
0xc2: {  	_ =	swait.ge [sflag:s29], $0x1  }
0xc3: {  	[sflag:s29] =	ssyncadd.s32 $0xFFFFFFFF  }
0xc4: {  	_ =	strace $0x9000004B  }
0xc5: {  	_ =	sfence  }
0xc6: {  	s30 =	sld [smem:$0x0];
	_ =	sdelay $0x2  }
0xc7: {  	s31 =	sshll.u32 s1, $0xD;
	s1 =	sshrl.u32 s1, $0x2  }
0xc8: {  	s4 =	sand.u32 $0x4000, s31;
	s1 =	sadd.s32 s1, s30  }
0xc9: {  	s0 =	sor.u32 s4, s0;
	s1 =	sshll.u32 s1, $0x11  }
0xca: {  	s0 =	sor.u32 s1, s0  }
0xcb: {  	s0 =	sadd.s32 $0x8F2B, s0  }
0xcc: {  	[sflag:s0] =	ssyncadd.remote.s32 $0x1  }
0xcd: {  	_ =	sfence.sel $0xFFFF  }
0xce: {  	[dreg:$0x0] =	wrdreg $0xFFFFFFFF;
	(pc) =	sbr.abs _section_cstart, $3  }
0xcf: {  	[dreg:$0x1] =	wrdreg $0xFFFFFFFF  }
0xd0: {  	_ =	task.clear_ibuf [dreg:s22], $0x2FFFF;
	_ =	strace $0x9FFFFFFF  }
0xd1: {  	(tm) =	ssettm $0x7FFFFFFF  }
tec
execute0_lowered:
.L_overlay_start_1:
0x0: {  	(tag) =	ssettag $0x1  }
0x1: {  	s0 =	srdreg.scid;
	s5 =	rddreg [dreg:$0x0]  }
0x2: {  	s2 =	rddreg [dreg:$0x1];
	s13 =	simm.s32 $0x28;
	s14 =	simm.s32 $0x2780  }
0x3: {  	s15 =	simm.s32 $0x1;
	s16 =	simm.s32 $0x2;
	s17 =	simm.s32 $0x3  }
0x4: {  	s18 =	simm.s32 $0x4;
	s4 =	sand.u32 $0x1, s0;
	s0 =	stileid.u32  }
0x5: {  	s19 =	simm.s32 $0x26C0;
	s20 =	simm.s32 $0x26E8;
	s29 =	smul.u32 $0x14000, s0  }
0x6: {  	s21 =	simm.s32 $0x0;
	s1 =	sshll.u32 s4, $0x4;
	s8 =	smul.u32 $0x140000, s4  }
0x7: {  	s3 =	sshll.u32 s0, $0x7;
	s30 =	smul.u32 $0x50000, s0;
	s4 =	ssub.s32 $0x2, s4  }
0x8: {  	s11 =	sshll.u32 s0, $0x6;
	s1 =	sor.u32 s0, s1;
	s7 =	sand.u32 $0x380, s3  }
0x9: {  	s3 =	simm.s32 $0x0;
	s31 =	sshrl.u32 s4, $0x1;
	s1 =	sshrl.u32 s1, $0x3  }
0xa: {  	s11 =	sor.u32 $0x1C05, s11;
	[smem:$0x7FF] =	sst s3;
	s6 =	smul.u32 $0x13C00, s1  }
0xb: {  	s9 =	sshrl.u32 s29, $0x3;
	s10 =	ssub.s32 s4, s31;
	s1 =	rddreg [dreg:$0x2]  }
0xc: {  	_ =	strace $0x8000004A;
	s9 =	sadd.s32 s9, s5;
	s6 =	sor.u32 s7, s6  }
0xd: {  	s7 =	sadd.s32 s29, s8;
	s8 =	sshrl.u32 s30, $0x2;
	s6 =	sshrl.u32 s6, $0x3  }
0xe: {  	s7 =	sshrl.u32 s7, $0x3;
	s12 =	sadd.s32 s8, s2;
	s8 =	simm.s32 $0x80  }
0xf: {  	s6 =	sadd.s32 s6, s5;
	s7 =	sadd.s32 s7, s5;
	s5 =	sadd.s32 $0x15800, s9  }
0x10: {  	s9 =	simm.s32 $0x400;
	s12 =	sshrl.u32 s12, $0x3;
	s4 =	sadd.s32 $0x1C00, s6  }
0x11: {  	v0 =	vimm.f32 $1.000000000e+00;
	s6 =	sadd.s32 $0x8D800, s7;
	s7 =	smax.u32 s10, $0x1;
	s10 =	simm.s32 $0x5  }
.LBB2_1:
0x12: {  	[tilespmem:s3], [sflag:$0x5] =	stream.strided.gather [hbm4b:s4+s8], $0x2780, s9, s8, $0x38;
	[tilespmem:$0x17B80] =	vst v63  }
0x13: {  	_ =	swait.ge [sflag:s10], $0x2780  }
0x14: {  	[sflag:s10] =	ssyncset.done $0x0  }
0x15: {  	[sflag:s10] =	ssyncadd.s32 $0xFFFFD880  }
0x16: {  	[spmem:s12], [sflag:s11] =	dma.local [hbm:s5], $0x2800  }
0x17: {  	s22 =	sand.u32 $0x7E00, s3;
	s23 =	sand.u32 $0x70, s3;
	_ =	swait.ge [sflag:s10], $0x2800  }
0x18: {  	s24 =	sshrl.u32 s22, $0x2;
	s22 =	simm.s32 $0x40;
	[sflag:s10] =	ssyncset.done $0x0  }
0x19: {  	s24 =	sor.u32 s23, s24;
	s23 =	simm.s32 $0x0;
	[sflag:s10] =	ssyncadd.s32 $0xFFFFD800  }
.LBB2_2:
0x1a: {  	p0 =	sne.s32 s22, $0x4FC0  }
0x1b: {  	[tilespmem:s24+$0x2780] =	vst v0;
	s23 =	sadd.s32 $0x10, s23;
	s24 =	smov.u32 s22;
	s22 =	sadd.s32 $0x40, s22  }
.Ltmp0:
0x1c: {  	(pc) =	sbr.rel @p0 .LBB2_2-.Ltmp0, $4  }
0x1d: {  	_ = 	snop  }
0x1e: {  	s24 =	sand.u32 $0x7E00, s24  }
0x1f: {  	s25 =	sand.u32 $0x70, s23;
	s24 =	sshrl.u32 s24, $0x2  }
0x20: {  	s24 =	sor.u32 s25, s24  }
0x21: {  	[tilespmem:s24+$0x2780] =	vst v0  }
0x22: {  	s22 =	simm.s32 $0x0;
	[bflag:$0x0] =	sbarrier.arrive $0xFFFF  }
0x23: {  	[spmem:s2] =	stream.indirect.scatter.add.f32 [tilespmem:s14], [sflag:$0x1], $0x80, s22, s13, $0xb8;
	[tilespmem:$0x17B80] =	vst v63  }
0x24: {  	s29 =	simm.s32 $0x28  }
0x25: {  	[spmem:s2] =	stream.indirect.scatter.add.f32 [tilespmem:s14], [sflag:$0x2], $0x80, s29, s13, $0xb8;
	[tilespmem:$0x17B80] =	vst v63  }
0x26: {  	s30 =	simm.s32 $0x50  }
0x27: {  	[spmem:s2] =	stream.indirect.scatter.add.f32 [tilespmem:s14], [sflag:$0x3], $0x80, s30, s13, $0xb8;
	[tilespmem:$0x17B80] =	vst v63  }
0x28: {  	s31 =	simm.s32 $0x78  }
0x29: {  	[spmem:s2] =	stream.indirect.scatter.add.f32 [tilespmem:s14], [sflag:$0x4], $0x80, s31, s13, $0xb8;
	[tilespmem:$0x17B80] =	vst v63  }
0x2a: {  	_ =	swait.ge [sflag:s15], $0x1400  }
0x2b: {  	[sflag:s15] =	ssyncset.done $0x0  }
0x2c: {  	[sflag:s15] =	ssyncadd.s32 $0xFFFFEC00  }
0x2d: {  	_ =	swait.ge [sflag:s16], $0x1400  }
0x2e: {  	[sflag:s16] =	ssyncset.done $0x0  }
0x2f: {  	[sflag:s16] =	ssyncadd.s32 $0xFFFFEC00  }
0x30: {  	_ =	swait.ge [sflag:s17], $0x1400  }
0x31: {  	[sflag:s17] =	ssyncset.done $0x0  }
0x32: {  	[sflag:s17] =	ssyncadd.s32 $0xFFFFEC00  }
0x33: {  	_ =	swait.ge [sflag:s18], $0x1400  }
0x34: {  	s23 =	simm.s32 $0x500;
	s22 =	simm.s32 $0x280;
	[sflag:s18] =	ssyncset.done $0x0  }
.LBB2_4:
0x35: {  	s24 =	sshra.s32 s22, $0x2  }
0x36: {  	[sflag:s18] =	ssyncadd.s32 $0xFFFFEC00;
	s22 =	smov.u32 s23;
	s25 =	sadd.s32 $0x280, s23  }
0x37: {  	[spmem:s2] =	stream.indirect.scatter.add.f32 [tilespmem:s14], [sflag:$0x1], $0x80, s24, s13, $0xb8;
	[tilespmem:$0x17B80] =	vst v63  }
0x38: {  	p0 =	sne.s32 s23, $0x9880;
	s23 =	sadd.s32 $0x28, s24  }
0x39: {  	[spmem:s2] =	stream.indirect.scatter.add.f32 [tilespmem:s14], [sflag:$0x2], $0x80, s23, s13, $0xb8;
	[tilespmem:$0x17B80] =	vst v63  }
0x3a: {  	s23 =	sadd.s32 $0x50, s24  }
0x3b: {  	[spmem:s2] =	stream.indirect.scatter.add.f32 [tilespmem:s14], [sflag:$0x3], $0x80, s23, s13, $0xb8;
	[tilespmem:$0x17B80] =	vst v63  }
0x3c: {  	s23 =	sadd.s32 $0x78, s24  }
0x3d: {  	[spmem:s2] =	stream.indirect.scatter.add.f32 [tilespmem:s14], [sflag:$0x4], $0x80, s23, s13, $0xb8;
	[tilespmem:$0x17B80] =	vst v63  }
0x3e: {  	_ =	swait.ge [sflag:s15], $0x1400  }
0x3f: {  	[sflag:s15] =	ssyncset.done $0x0  }
0x40: {  	[sflag:s15] =	ssyncadd.s32 $0xFFFFEC00  }
0x41: {  	_ =	swait.ge [sflag:s16], $0x1400  }
0x42: {  	[sflag:s16] =	ssyncset.done $0x0  }
0x43: {  	[sflag:s16] =	ssyncadd.s32 $0xFFFFEC00  }
.Ltmp1:
0x44: {  	_ =	swait.ge [sflag:s17], $0x1400;
	(pc) =	sbr.rel @p0 .LBB2_4-.Ltmp1, $4  }
0x45: {  	[sflag:s17] =	ssyncset.done $0x0  }
0x46: {  	[sflag:s17] =	ssyncadd.s32 $0xFFFFEC00  }
0x47: {  	_ =	swait.ge [sflag:s18], $0x1400  }
0x48: {  	s23 =	smov.u32 s25;
	[sflag:s18] =	ssyncset.done $0x0  }
0x49: {  	s22 =	sshra.s32 s22, $0x2;
	[sflag:s18] =	ssyncadd.s32 $0xFFFFEC00  }
0x4a: {  	[spmem:s2] =	stream.indirect.scatter.add.f32 [tilespmem:s14], [sflag:$0x1], $0x80, s22, s13, $0xb8;
	[tilespmem:$0x17B80] =	vst v63  }
0x4b: {  	s23 =	sadd.s32 $0x28, s22  }
0x4c: {  	[spmem:s2] =	stream.indirect.scatter.add.f32 [tilespmem:s14], [sflag:$0x2], $0x80, s23, s13, $0xb8;
	[tilespmem:$0x17B80] =	vst v63  }
0x4d: {  	s31 =	sadd.s32 $0x50, s22  }
0x4e: {  	[spmem:s2] =	stream.indirect.scatter.add.f32 [tilespmem:s14], [sflag:$0x3], $0x80, s31, s13, $0xb8;
	[tilespmem:$0x17B80] =	vst v63  }
0x4f: {  	s22 =	sadd.s32 $0x78, s22  }
0x50: {  	[spmem:s2] =	stream.indirect.scatter.add.f32 [tilespmem:s14], [sflag:$0x4], $0x80, s22, s13, $0xb8;
	[tilespmem:$0x17B80] =	vst v63  }
0x51: {  	_ =	swait.ge [sflag:s15], $0x1400  }
0x52: {  	[sflag:s15] =	ssyncset.done $0x0  }
0x53: {  	[sflag:s15] =	ssyncadd.s32 $0xFFFFEC00  }
0x54: {  	_ =	swait.ge [sflag:s16], $0x1400  }
0x55: {  	[sflag:s16] =	ssyncset.done $0x0  }
0x56: {  	[sflag:s16] =	ssyncadd.s32 $0xFFFFEC00  }
0x57: {  	_ =	swait.ge [sflag:s17], $0x1400  }
0x58: {  	[sflag:s17] =	ssyncset.done $0x0  }
0x59: {  	[sflag:s17] =	ssyncadd.s32 $0xFFFFEC00  }
0x5a: {  	_ =	swait.ge [sflag:s18], $0x1400  }
0x5b: {  	[sflag:s18] =	ssyncset.done $0x0  }
0x5c: {  	[sflag:s18] =	ssyncadd.s32 $0xFFFFEC00  }
0x5d: {  	[spmem:s2] =	stream.indirect.scatter.add.f32 [tilespmem:s14], [sflag:$0x5], $0x80, s19, s13, $0xb8;
	[tilespmem:$0x17B80] =	vst v63  }
0x5e: {  	_ =	swait.ge [sflag:s10], $0x1400  }
0x5f: {  	[sflag:s10] =	ssyncset.done $0x0  }
0x60: {  	[sflag:s10] =	ssyncadd.s32 $0xFFFFEC00  }
0x61: {  	[spmem:s2] =	stream.indirect.scatter.add.f32 [tilespmem:s14], [sflag:$0x5], $0x80, s20, s13, $0xb8;
	[tilespmem:$0x17B80] =	vst v63  }
0x62: {  	_ =	swait.ge [sflag:s10], $0x1400  }
0x63: {  	s21 =	sadd.s32 $0x1, s21;
	[sflag:s10] =	ssyncset.done $0x0  }
0x64: {  	p0 =	sne.s32 s21, s7;
	[sflag:s10] =	ssyncadd.s32 $0xFFFFEC00  }
.Ltmp2:
0x65: {  	[bflag:$0x0] =	sbarrier.arrive $0xFFFF;
	(pc) =	sbr.rel @p0 .LBB2_1-.Ltmp2, $4  }
0x66: {  	[hbm:s6], [sflag:s11] =	dma.local [spmem:s12], $0x2800  }
0x67: {  	_ =	swait.ge [sflag:s10], $0x2800  }
0x68: {  	[sflag:s10] =	ssyncset.done $0x0  }
0x69: {  	[sflag:s10] =	ssyncadd.s32 $0xFFFFD800  }
0x6a: {  	_ =	sfence.sel $0x180000  }
0x6b: {  	[bflag:$0x0] =	sbarrier.arrive $0xFFFF  }
0x6c: {  	p0 =	sne.s32 s0, $0x0;
	_ =	strace $0x9000004A  }
0x6d: {  	s0 =	sadd.s32 @!p0 $0x100000, s1;
	[bflag:$0x2] =	sbarrier.arrive $0xFFFF  }
0x6e: {  	[sflag:s0] =	ssyncadd.tile.s32 @!p0 $0x1;
	_ =	shalt  }
.Lfunc_end2:
_tile_overlayer_lowered:
.L_overlay_start_2:
0x6f: {  	(tag) =	ssettag $0x2  }
0x70: {  	s0 =	rddreg [dreg:$0x0];
	s2 =	stileid.u32  }
0x71: {  	s1 =	rddreg [dreg:$0x1];
	p0 =	sne.s32 s2, $0x0  }
0x72: {  	s3 =	rddreg [dreg:$0x2];
	[bflag:$0x3] =	sbarrier.arrive $0xFFFF;
	s2 =	simm.s32 @!p0 $0x1C05  }
0x73: {  	[timem:s3], [sflag:s2] =	dma.local @!p0 [hbm:s0], s1  }
0x74: {  	s0 =	simm.s32 @!p0 $0x5  }
0x75: {  	_ =	swait.ge @!p0 [sflag:s0], s1  }
0x76: {  	s1 =	ssub.s32 @!p0 $0x0, s1;
	[sflag:s0] =	ssyncset.done @!p0 $0x0  }
0x77: {  	[sflag:s0] =	ssyncadd.s32 @!p0 s1  }
0x78: {  	[bflag:$0x3] =	sbarrier.arrive $0xFFFF  }
0x79: {  	_ =	shalt  }

</sc_bundles>
